<compile_context>
chip_gen: v7x
topology: tpu7x:2x2x1
jax: 0.10.2.dev20260603
libtpu: 0.0.44.dev20260713+nightly
codegen_flags: <defaults>
</compile_context>

<pallas_src>
import functools

import jax
import jax.numpy as jnp
from jax import lax
from jax.experimental import pallas as pl
from jax.experimental.pallas import tpu as pltpu
from jax.experimental.pallas import tpu_sc as plsc

HIDDEN = 64
LANES = 16
NCORES = 2
NSUBCORES = 16
NW = NCORES * NSUBCORES

SUB = 128
IRING = 4
ORING = 2

_GATHER_DNUMS = lax.GatherDimensionNumbers(
    offset_dims=(), collapsed_slice_dims=(0,), start_index_map=(0,)
)


def _perm(v, idx16):
    return lax.gather(
        v,
        idx16[:, None],
        _GATHER_DNUMS,
        slice_sizes=(1,),
        mode=lax.GatherScatterMode.PROMISE_IN_BOUNDS,
    )


def _rsqrt(s):
    i = lax.bitcast_convert_type(s, jnp.int32)
    i = jnp.int32(0x5F3759DF) - lax.shift_right_logical(i, 1)
    y = lax.bitcast_convert_type(i, jnp.float32)
    h = 0.5 * s
    for _ in range(1):
        y = y * (1.5 - h * y * y)
    return y


def _make_kernel(total_rows):
    per_w = total_rows // NW
    units = per_w // SUB
    groups = units // IRING
    mesh = plsc.VectorSubcoreMesh(core_axis_name="c", subcore_axis_name="s")

    @functools.partial(
        pl.kernel,
        mesh=mesh,
        out_type=jax.ShapeDtypeStruct((total_rows, HIDDEN), jnp.float32),
        scratch_types=[
            pltpu.VMEM((IRING, SUB), jnp.int32),
            pltpu.VMEM((IRING, SUB, HIDDEN), jnp.float32),
            pltpu.VMEM((ORING, SUB, HIDDEN), jnp.float32),
            [pltpu.SemaphoreType.DMA] * IRING,
            [pltpu.SemaphoreType.DMA] * IRING,
            [pltpu.SemaphoreType.DMA] * ORING,
        ],
        compiler_params=pltpu.CompilerParams(
            use_tc_tiling_on_sc=False, needs_layout_passes=False
        ),
    )
    def gather_norm(idx_hbm, table_hbm, out_hbm, idx_v, staged, obuf,
                    isems, gsems, ssems):
        wid = lax.axis_index("s") * NCORES + lax.axis_index("c")
        base = wid * per_w
        lane = lax.iota(jnp.int32, LANES)
        perms = [lane ^ (1 << k) for k in (3, 2, 1, 0)]

        def fire_idx(u, sl):
            pltpu.async_copy(
                idx_hbm.at[pl.ds(base + u * SUB, SUB)], idx_v.at[sl], isems[sl]
            )

        def wait_idx(sl):
            pltpu.make_async_copy(
                idx_hbm.at[pl.ds(base, SUB)], idx_v.at[sl], isems[sl]
            ).wait()

        def fire_gather(sl):
            pltpu.async_copy(
                table_hbm.at[idx_v.at[sl]], staged.at[sl], gsems[sl]
            )

        def wait_gather(sl):
            pltpu.make_async_copy(
                table_hbm.at[idx_v.at[sl]], staged.at[sl], gsems[sl]
            ).wait()

        def wait_store(so):
            pltpu.make_async_copy(
                obuf.at[so], out_hbm.at[pl.ds(base, SUB)], ssems[so]
            ).wait()

        for sl in range(IRING):
            fire_idx(sl, sl)
        for sl in range(IRING):
            wait_idx(sl)
            fire_gather(sl)

        def group_body(grp, carry):
            for b in range(IRING):
                u = grp * IRING + b
                so = b % ORING
                wait_gather(b)

                if b >= ORING:
                    wait_store(so)
                else:
                    @pl.when(grp > 0)
                    def _():
                        wait_store(so)

                @plsc.parallel_loop(0, SUB, step=1, unroll=12)
                def row_block(j):
                    v = [
                        staged[b, j, pl.ds(k * LANES, LANES)]
                        for k in range(4)
                    ]
                    q = v[0] * v[0] + v[1] * v[1] + v[2] * v[2] + v[3] * v[3]
                    s = jnp.sum(q)
                    y = _rsqrt(jnp.full((LANES,), s, jnp.float32))
                    for k in range(4):
                        obuf[so, j, pl.ds(k * LANES, LANES)] = v[k] * y

                pltpu.async_copy(
                    obuf.at[so],
                    out_hbm.at[pl.ds(base + u * SUB, SUB)],
                    ssems[so],
                )

                @pl.when(grp < groups - 1)
                def _():
                    fire_idx(u + IRING, b)
                    wait_idx(b)
                    fire_gather(b)
            return carry

        lax.fori_loop(0, groups, group_body, 0)

        for so in range(ORING):
            wait_store(so)

    return gather_norm


def kernel(inputs, table):
    total = inputs.size
    out = _make_kernel(total)(inputs.reshape(-1), table)
    return out.reshape(inputs.shape + (HIDDEN,))

# --- scband reference (transcript-rebuilt; emitter-appended) ---
"""Pipeline reference for scband-area-attn-model-77129022701624 (READ-ONLY COPY).

The authoritative reference and input builder live on the scoring server;
editing this copy changes nothing except your own understanding.
"""

import jax, jax.numpy as jnp
import numpy as np

N_NODE = 1000000
HIDDEN = 64
BATCH = 4096
SEQ = 200

def setup_inputs(seed: int = 0) -> dict:
    key = jax.random.key(seed)
    k1, k2 = jax.random.split(key)
    inputs = jax.random.randint(k1, (BATCH, SEQ), 0, N_NODE, dtype=jnp.int32)
    stdv = 1.0 / np.sqrt(HIDDEN)
    table = jax.random.uniform(k2, (N_NODE, HIDDEN), dtype=jnp.float32, minval=-stdv, maxval=stdv)
    return {"inputs": inputs, "table": table}

def reference(inputs, table):
    # AreaAttnModel.forward -> SessionGraphAttn.forward(inputs)
    # hidden = embedding(inputs); if norm: L2-normalize along last dim; dropout (eval -> identity)
    hidden = jnp.take(table, inputs, axis=0)
    norms = jnp.sqrt(jnp.sum(hidden * hidden, axis=-1, keepdims=True)) + 1e-12
    hidden = hidden / norms
    # F.dropout with training=False is identity
    return hidden

if __name__ == "__main__":
    import jax
    _d = setup_inputs()
    print(jax.jit(kernel)(*tuple(_d.values())))

</pallas_src>

<mosaic_0001>
#map = affine_map<(d0, d1) -> (0)>
#map1 = affine_map<(d0, d1) -> (0, 0)>
module attributes {stable_mosaic.version = 14 : i64} {
  func.func @gather_norm(%arg0: i32, %arg1: i32, %arg2: memref<819200xi32, #tpu.memory_space<hbm>>, %arg3: memref<1000000x64xf32, #tpu.memory_space<hbm>>, %arg4: memref<819200x64xf32, #tpu.memory_space<hbm>>, %arg5: memref<4x128xi32, #tpu.memory_space<vmem>>, %arg6: memref<4x128x64xf32, #tpu.memory_space<vmem>>, %arg7: memref<2x128x64xf32, #tpu.memory_space<vmem>>, %arg8: memref<!tpu.dma_semaphore, #tpu.memory_space<semaphore_mem>>, %arg9: memref<!tpu.dma_semaphore, #tpu.memory_space<semaphore_mem>>, %arg10: memref<!tpu.dma_semaphore, #tpu.memory_space<semaphore_mem>>, %arg11: memref<!tpu.dma_semaphore, #tpu.memory_space<semaphore_mem>>, %arg12: memref<!tpu.dma_semaphore, #tpu.memory_space<semaphore_mem>>, %arg13: memref<!tpu.dma_semaphore, #tpu.memory_space<semaphore_mem>>, %arg14: memref<!tpu.dma_semaphore, #tpu.memory_space<semaphore_mem>>, %arg15: memref<!tpu.dma_semaphore, #tpu.memory_space<semaphore_mem>>, %arg16: memref<!tpu.dma_semaphore, #tpu.memory_space<semaphore_mem>>, %arg17: memref<!tpu.dma_semaphore, #tpu.memory_space<semaphore_mem>>) attributes {dimension_semantics = [#tpu.dimension_semantics<core_parallel>, #tpu.dimension_semantics<subcore_parallel>], iteration_bounds = array<i64: 2, 16>, scalar_prefetch = 0 : i64, scratch_operands = 13 : i64, tpu.core_type = #tpu.core_type<sc_vector_subcore>, window_params = [{transform_indices = #map}, {transform_indices = #map1}, {transform_indices = #map1}]} {
    %mul3A = arith.constant 2 : i32
    %mul3A_0 = arith.muli %arg1, %mul3A : i32
    %add3A = arith.addi %mul3A_0, %arg0 : i32
    %mul3A_1 = arith.constant 25600 : i32
    %mul3A_2 = arith.muli %add3A, %mul3A_1 : i32
    %iota3A = tpu.iota {dimensions = array<i32: 0>} : vector<16xi32>
    %xor3A = arith.constant 8 : i32
    %xor3A_3 = vector.broadcast %xor3A : i32 to vector<16xi32>
    %xor3A_4 = arith.xori %iota3A, %xor3A_3 : vector<16xi32>
    %xor3A_5 = arith.constant 4 : i32
    %xor3A_6 = vector.broadcast %xor3A_5 : i32 to vector<16xi32>
    %xor3A_7 = arith.xori %iota3A, %xor3A_6 : vector<16xi32>
    %xor3A_8 = arith.constant 2 : i32
    %xor3A_9 = vector.broadcast %xor3A_8 : i32 to vector<16xi32>
    %xor3A_10 = arith.xori %iota3A, %xor3A_9 : vector<16xi32>
    %xor3A_11 = arith.constant 1 : i32
    %xor3A_12 = vector.broadcast %xor3A_11 : i32 to vector<16xi32>
    %xor3A_13 = arith.xori %iota3A, %xor3A_12 : vector<16xi32>
    %add3A_14 = arith.constant 0 : i32
    %add3A_15 = arith.addi %mul3A_2, %add3A_14 : i32
    %dma_start3A = arith.constant 0 : i32
    %dma_start3A_16 = arith.constant 0 : i32
    %dma_start3A_17 = tpu.memref_slice %arg5[%dma_start3A, %dma_start3A_16] : memref<4x128xi32, #tpu.memory_space<vmem>> -> memref<1x128xi32, #tpu.memory_space<vmem>>
    %dma_start3A_18 = tpu.memref_squeeze %dma_start3A_17 : memref<1x128xi32, #tpu.memory_space<vmem>> -> memref<128xi32, #tpu.memory_space<vmem>>
    %dma_start3A_19 = tpu.memref_slice %arg2[%add3A_15] : memref<819200xi32, #tpu.memory_space<hbm>> -> memref<128xi32, #tpu.memory_space<hbm>>
    %dma_start3A_20 = arith.constant 0 : i32
    %dma_start3A_21 = tpu.memref_slice %arg5[%dma_start3A, %dma_start3A_20] : memref<4x128xi32, #tpu.memory_space<vmem>> -> memref<1x128xi32, #tpu.memory_space<vmem>>
    %dma_start3A_22 = tpu.memref_squeeze %dma_start3A_21 : memref<1x128xi32, #tpu.memory_space<vmem>> -> memref<128xi32, #tpu.memory_space<vmem>>
    %dma_start3A_23 = tpu.memref_slice %arg2[%add3A_15] : memref<819200xi32, #tpu.memory_space<hbm>> -> memref<128xi32, #tpu.memory_space<hbm>>
    tpu.enqueue_dma source(%dma_start3A_23 : memref<128xi32, #tpu.memory_space<hbm>>) target(%dma_start3A_22 : memref<128xi32, #tpu.memory_space<vmem>>) target_semaphore(%arg8 : memref<!tpu.dma_semaphore, #tpu.memory_space<semaphore_mem>>)
    %add3A_24 = arith.constant 128 : i32
    %add3A_25 = arith.addi %mul3A_2, %add3A_24 : i32
    %dma_start3A_26 = arith.constant 1 : i32
    %dma_start3A_27 = arith.constant 0 : i32
    %dma_start3A_28 = tpu.memref_slice %arg5[%dma_start3A_26, %dma_start3A_27] : memref<4x128xi32, #tpu.memory_space<vmem>> -> memref<1x128xi32, #tpu.memory_space<vmem>>
    %dma_start3A_29 = tpu.memref_squeeze %dma_start3A_28 : memref<1x128xi32, #tpu.memory_space<vmem>> -> memref<128xi32, #tpu.memory_space<vmem>>
    %dma_start3A_30 = tpu.memref_slice %arg2[%add3A_25] : memref<819200xi32, #tpu.memory_space<hbm>> -> memref<128xi32, #tpu.memory_space<hbm>>
    %dma_start3A_31 = arith.constant 0 : i32
    %dma_start3A_32 = tpu.memref_slice %arg5[%dma_start3A_26, %dma_start3A_31] : memref<4x128xi32, #tpu.memory_space<vmem>> -> memref<1x128xi32, #tpu.memory_space<vmem>>
    %dma_start3A_33 = tpu.memref_squeeze %dma_start3A_32 : memref<1x128xi32, #tpu.memory_space<vmem>> -> memref<128xi32, #tpu.memory_space<vmem>>
    %dma_start3A_34 = tpu.memref_slice %arg2[%add3A_25] : memref<819200xi32, #tpu.memory_space<hbm>> -> memref<128xi32, #tpu.memory_space<hbm>>
    tpu.enqueue_dma source(%dma_start3A_34 : memref<128xi32, #tpu.memory_space<hbm>>) target(%dma_start3A_33 : memref<128xi32, #tpu.memory_space<vmem>>) target_semaphore(%arg9 : memref<!tpu.dma_semaphore, #tpu.memory_space<semaphore_mem>>)
    %add3A_35 = arith.constant 256 : i32
    %add3A_36 = arith.addi %mul3A_2, %add3A_35 : i32
    %dma_start3A_37 = arith.constant 2 : i32
    %dma_start3A_38 = arith.constant 0 : i32
    %dma_start3A_39 = tpu.memref_slice %arg5[%dma_start3A_37, %dma_start3A_38] : memref<4x128xi32, #tpu.memory_space<vmem>> -> memref<1x128xi32, #tpu.memory_space<vmem>>
    %dma_start3A_40 = tpu.memref_squeeze %dma_start3A_39 : memref<1x128xi32, #tpu.memory_space<vmem>> -> memref<128xi32, #tpu.memory_space<vmem>>
    %dma_start3A_41 = tpu.memref_slice %arg2[%add3A_36] : memref<819200xi32, #tpu.memory_space<hbm>> -> memref<128xi32, #tpu.memory_space<hbm>>
    %dma_start3A_42 = arith.constant 0 : i32
    %dma_start3A_43 = tpu.memref_slice %arg5[%dma_start3A_37, %dma_start3A_42] : memref<4x128xi32, #tpu.memory_space<vmem>> -> memref<1x128xi32, #tpu.memory_space<vmem>>
    %dma_start3A_44 = tpu.memref_squeeze %dma_start3A_43 : memref<1x128xi32, #tpu.memory_space<vmem>> -> memref<128xi32, #tpu.memory_space<vmem>>
    %dma_start3A_45 = tpu.memref_slice %arg2[%add3A_36] : memref<819200xi32, #tpu.memory_space<hbm>> -> memref<128xi32, #tpu.memory_space<hbm>>
    tpu.enqueue_dma source(%dma_start3A_45 : memref<128xi32, #tpu.memory_space<hbm>>) target(%dma_start3A_44 : memref<128xi32, #tpu.memory_space<vmem>>) target_semaphore(%arg10 : memref<!tpu.dma_semaphore, #tpu.memory_space<semaphore_mem>>)
    %add3A_46 = arith.constant 384 : i32
    %add3A_47 = arith.addi %mul3A_2, %add3A_46 : i32
    %dma_start3A_48 = arith.constant 3 : i32
    %dma_start3A_49 = arith.constant 0 : i32
    %dma_start3A_50 = tpu.memref_slice %arg5[%dma_start3A_48, %dma_start3A_49] : memref<4x128xi32, #tpu.memory_space<vmem>> -> memref<1x128xi32, #tpu.memory_space<vmem>>
    %dma_start3A_51 = tpu.memref_squeeze %dma_start3A_50 : memref<1x128xi32, #tpu.memory_space<vmem>> -> memref<128xi32, #tpu.memory_space<vmem>>
    %dma_start3A_52 = tpu.memref_slice %arg2[%add3A_47] : memref<819200xi32, #tpu.memory_space<hbm>> -> memref<128xi32, #tpu.memory_space<hbm>>
    %dma_start3A_53 = arith.constant 0 : i32
    %dma_start3A_54 = tpu.memref_slice %arg5[%dma_start3A_48, %dma_start3A_53] : memref<4x128xi32, #tpu.memory_space<vmem>> -> memref<1x128xi32, #tpu.memory_space<vmem>>
    %dma_start3A_55 = tpu.memref_squeeze %dma_start3A_54 : memref<1x128xi32, #tpu.memory_space<vmem>> -> memref<128xi32, #tpu.memory_space<vmem>>
    %dma_start3A_56 = tpu.memref_slice %arg2[%add3A_47] : memref<819200xi32, #tpu.memory_space<hbm>> -> memref<128xi32, #tpu.memory_space<hbm>>
    tpu.enqueue_dma source(%dma_start3A_56 : memref<128xi32, #tpu.memory_space<hbm>>) target(%dma_start3A_55 : memref<128xi32, #tpu.memory_space<vmem>>) target_semaphore(%arg11 : memref<!tpu.dma_semaphore, #tpu.memory_space<semaphore_mem>>)
    %dma_wait3A = arith.constant 0 : i32
    %dma_wait3A_57 = arith.constant 0 : i32
    %dma_wait3A_58 = tpu.memref_slice %arg5[%dma_wait3A, %dma_wait3A_57] : memref<4x128xi32, #tpu.memory_space<vmem>> -> memref<1x128xi32, #tpu.memory_space<vmem>>
    %dma_wait3A_59 = tpu.memref_squeeze %dma_wait3A_58 : memref<1x128xi32, #tpu.memory_space<vmem>> -> memref<128xi32, #tpu.memory_space<vmem>>
    %dma_wait3A_60 = tpu.memref_slice %arg2[%mul3A_2] : memref<819200xi32, #tpu.memory_space<hbm>> -> memref<128xi32, #tpu.memory_space<hbm>>
    %dma_wait3A_61 = arith.constant 0 : i32
    %dma_wait3A_62 = tpu.memref_slice %arg5[%dma_wait3A, %dma_wait3A_61] : memref<4x128xi32, #tpu.memory_space<vmem>> -> memref<1x128xi32, #tpu.memory_space<vmem>>
    %dma_wait3A_63 = tpu.memref_squeeze %dma_wait3A_62 : memref<1x128xi32, #tpu.memory_space<vmem>> -> memref<128xi32, #tpu.memory_space<vmem>>
    %dma_wait3A_64 = tpu.memref_slice %arg2[%mul3A_2] : memref<819200xi32, #tpu.memory_space<hbm>> -> memref<128xi32, #tpu.memory_space<hbm>>
    tpu.wait_dma2 semaphore(%arg8 : memref<!tpu.dma_semaphore, #tpu.memory_space<semaphore_mem>>) src(%dma_wait3A_64 : memref<128xi32, #tpu.memory_space<hbm>>) dst(%dma_wait3A_63 : memref<128xi32, #tpu.memory_space<vmem>>)
    %dma_start3A_65 = arith.constant 0 : i32
    %dma_start3A_66 = arith.constant 0 : i32
    %dma_start3A_67 = arith.constant 0 : i32
    %dma_start3A_68 = arith.constant 0 : i32
    %dma_start3A_69 = tpu.memref_slice %arg6[%dma_start3A_66, %dma_start3A_67, %dma_start3A_68] : memref<4x128x64xf32, #tpu.memory_space<vmem>> -> memref<1x128x64xf32, #tpu.memory_space<vmem>>
    %dma_start3A_70 = tpu.memref_squeeze %dma_start3A_69 : memref<1x128x64xf32, #tpu.memory_space<vmem>> -> memref<128x64xf32, #tpu.memory_space<vmem>>
    %dma_start3A_71 = arith.constant 0 : i32
    %dma_start3A_72 = tpu.memref_slice %arg5[%dma_start3A_65, %dma_start3A_71] : memref<4x128xi32, #tpu.memory_space<vmem>> -> memref<1x128xi32, #tpu.memory_space<vmem>>
    %dma_start3A_73 = tpu.memref_squeeze %dma_start3A_72 : memref<1x128xi32, #tpu.memory_space<vmem>> -> memref<128xi32, #tpu.memory_space<vmem>>
    %dma_start3A_74 = arith.constant 0 : i32
    %dma_start3A_75 = arith.constant 0 : i32
    %dma_start3A_76 = tpu.memref_slice %arg3[%dma_start3A_74, %dma_start3A_75] : memref<1000000x64xf32, #tpu.memory_space<hbm>> -> memref<1000000x64xf32, #tpu.memory_space<hbm>>
    tpu.enqueue_indirect_dma source(%dma_start3A_76 : memref<1000000x64xf32, #tpu.memory_space<hbm>>) target(%dma_start3A_70 : memref<128x64xf32, #tpu.memory_space<vmem>>) offsets(%dma_start3A_73 : memref<128xi32, #tpu.memory_space<vmem>>) semaphore(%arg12 : memref<!tpu.dma_semaphore, #tpu.memory_space<semaphore_mem>>)
    %dma_wait3A_77 = arith.constant 1 : i32
    %dma_wait3A_78 = arith.constant 0 : i32
    %dma_wait3A_79 = tpu.memref_slice %arg5[%dma_wait3A_77, %dma_wait3A_78] : memref<4x128xi32, #tpu.memory_space<vmem>> -> memref<1x128xi32, #tpu.memory_space<vmem>>
    %dma_wait3A_80 = tpu.memref_squeeze %dma_wait3A_79 : memref<1x128xi32, #tpu.memory_space<vmem>> -> memref<128xi32, #tpu.memory_space<vmem>>
    %dma_wait3A_81 = tpu.memref_slice %arg2[%mul3A_2] : memref<819200xi32, #tpu.memory_space<hbm>> -> memref<128xi32, #tpu.memory_space<hbm>>
    %dma_wait3A_82 = arith.constant 0 : i32
    %dma_wait3A_83 = tpu.memref_slice %arg5[%dma_wait3A_77, %dma_wait3A_82] : memref<4x128xi32, #tpu.memory_space<vmem>> -> memref<1x128xi32, #tpu.memory_space<vmem>>
    %dma_wait3A_84 = tpu.memref_squeeze %dma_wait3A_83 : memref<1x128xi32, #tpu.memory_space<vmem>> -> memref<128xi32, #tpu.memory_space<vmem>>
    %dma_wait3A_85 = tpu.memref_slice %arg2[%mul3A_2] : memref<819200xi32, #tpu.memory_space<hbm>> -> memref<128xi32, #tpu.memory_space<hbm>>
    tpu.wait_dma2 semaphore(%arg9 : memref<!tpu.dma_semaphore, #tpu.memory_space<semaphore_mem>>) src(%dma_wait3A_85 : memref<128xi32, #tpu.memory_space<hbm>>) dst(%dma_wait3A_84 : memref<128xi32, #tpu.memory_space<vmem>>)
    %dma_start3A_86 = arith.constant 1 : i32
    %dma_start3A_87 = arith.constant 1 : i32
    %dma_start3A_88 = arith.constant 0 : i32
    %dma_start3A_89 = arith.constant 0 : i32
    %dma_start3A_90 = tpu.memref_slice %arg6[%dma_start3A_87, %dma_start3A_88, %dma_start3A_89] : memref<4x128x64xf32, #tpu.memory_space<vmem>> -> memref<1x128x64xf32, #tpu.memory_space<vmem>>
    %dma_start3A_91 = tpu.memref_squeeze %dma_start3A_90 : memref<1x128x64xf32, #tpu.memory_space<vmem>> -> memref<128x64xf32, #tpu.memory_space<vmem>>
    %dma_start3A_92 = arith.constant 0 : i32
    %dma_start3A_93 = tpu.memref_slice %arg5[%dma_start3A_86, %dma_start3A_92] : memref<4x128xi32, #tpu.memory_space<vmem>> -> memref<1x128xi32, #tpu.memory_space<vmem>>
    %dma_start3A_94 = tpu.memref_squeeze %dma_start3A_93 : memref<1x128xi32, #tpu.memory_space<vmem>> -> memref<128xi32, #tpu.memory_space<vmem>>
    %dma_start3A_95 = arith.constant 0 : i32
    %dma_start3A_96 = arith.constant 0 : i32
    %dma_start3A_97 = tpu.memref_slice %arg3[%dma_start3A_95, %dma_start3A_96] : memref<1000000x64xf32, #tpu.memory_space<hbm>> -> memref<1000000x64xf32, #tpu.memory_space<hbm>>
    tpu.enqueue_indirect_dma source(%dma_start3A_97 : memref<1000000x64xf32, #tpu.memory_space<hbm>>) target(%dma_start3A_91 : memref<128x64xf32, #tpu.memory_space<vmem>>) offsets(%dma_start3A_94 : memref<128xi32, #tpu.memory_space<vmem>>) semaphore(%arg13 : memref<!tpu.dma_semaphore, #tpu.memory_space<semaphore_mem>>)
    %dma_wait3A_98 = arith.constant 2 : i32
    %dma_wait3A_99 = arith.constant 0 : i32
    %dma_wait3A_100 = tpu.memref_slice %arg5[%dma_wait3A_98, %dma_wait3A_99] : memref<4x128xi32, #tpu.memory_space<vmem>> -> memref<1x128xi32, #tpu.memory_space<vmem>>
    %dma_wait3A_101 = tpu.memref_squeeze %dma_wait3A_100 : memref<1x128xi32, #tpu.memory_space<vmem>> -> memref<128xi32, #tpu.memory_space<vmem>>
    %dma_wait3A_102 = tpu.memref_slice %arg2[%mul3A_2] : memref<819200xi32, #tpu.memory_space<hbm>> -> memref<128xi32, #tpu.memory_space<hbm>>
    %dma_wait3A_103 = arith.constant 0 : i32
    %dma_wait3A_104 = tpu.memref_slice %arg5[%dma_wait3A_98, %dma_wait3A_103] : memref<4x128xi32, #tpu.memory_space<vmem>> -> memref<1x128xi32, #tpu.memory_space<vmem>>
    %dma_wait3A_105 = tpu.memref_squeeze %dma_wait3A_104 : memref<1x128xi32, #tpu.memory_space<vmem>> -> memref<128xi32, #tpu.memory_space<vmem>>
    %dma_wait3A_106 = tpu.memref_slice %arg2[%mul3A_2] : memref<819200xi32, #tpu.memory_space<hbm>> -> memref<128xi32, #tpu.memory_space<hbm>>
    tpu.wait_dma2 semaphore(%arg10 : memref<!tpu.dma_semaphore, #tpu.memory_space<semaphore_mem>>) src(%dma_wait3A_106 : memref<128xi32, #tpu.memory_space<hbm>>) dst(%dma_wait3A_105 : memref<128xi32, #tpu.memory_space<vmem>>)
    %dma_start3A_107 = arith.constant 2 : i32
    %dma_start3A_108 = arith.constant 2 : i32
    %dma_start3A_109 = arith.constant 0 : i32
    %dma_start3A_110 = arith.constant 0 : i32
    %dma_start3A_111 = tpu.memref_slice %arg6[%dma_start3A_108, %dma_start3A_109, %dma_start3A_110] : memref<4x128x64xf32, #tpu.memory_space<vmem>> -> memref<1x128x64xf32, #tpu.memory_space<vmem>>
    %dma_start3A_112 = tpu.memref_squeeze %dma_start3A_111 : memref<1x128x64xf32, #tpu.memory_space<vmem>> -> memref<128x64xf32, #tpu.memory_space<vmem>>
    %dma_start3A_113 = arith.constant 0 : i32
    %dma_start3A_114 = tpu.memref_slice %arg5[%dma_start3A_107, %dma_start3A_113] : memref<4x128xi32, #tpu.memory_space<vmem>> -> memref<1x128xi32, #tpu.memory_space<vmem>>
    %dma_start3A_115 = tpu.memref_squeeze %dma_start3A_114 : memref<1x128xi32, #tpu.memory_space<vmem>> -> memref<128xi32, #tpu.memory_space<vmem>>
    %dma_start3A_116 = arith.constant 0 : i32
    %dma_start3A_117 = arith.constant 0 : i32
    %dma_start3A_118 = tpu.memref_slice %arg3[%dma_start3A_116, %dma_start3A_117] : memref<1000000x64xf32, #tpu.memory_space<hbm>> -> memref<1000000x64xf32, #tpu.memory_space<hbm>>
    tpu.enqueue_indirect_dma source(%dma_start3A_118 : memref<1000000x64xf32, #tpu.memory_space<hbm>>) target(%dma_start3A_112 : memref<128x64xf32, #tpu.memory_space<vmem>>) offsets(%dma_start3A_115 : memref<128xi32, #tpu.memory_space<vmem>>) semaphore(%arg14 : memref<!tpu.dma_semaphore, #tpu.memory_space<semaphore_mem>>)
    %dma_wait3A_119 = arith.constant 3 : i32
    %dma_wait3A_120 = arith.constant 0 : i32
    %dma_wait3A_121 = tpu.memref_slice %arg5[%dma_wait3A_119, %dma_wait3A_120] : memref<4x128xi32, #tpu.memory_space<vmem>> -> memref<1x128xi32, #tpu.memory_space<vmem>>
    %dma_wait3A_122 = tpu.memref_squeeze %dma_wait3A_121 : memref<1x128xi32, #tpu.memory_space<vmem>> -> memref<128xi32, #tpu.memory_space<vmem>>
    %dma_wait3A_123 = tpu.memref_slice %arg2[%mul3A_2] : memref<819200xi32, #tpu.memory_space<hbm>> -> memref<128xi32, #tpu.memory_space<hbm>>
    %dma_wait3A_124 = arith.constant 0 : i32
    %dma_wait3A_125 = tpu.memref_slice %arg5[%dma_wait3A_119, %dma_wait3A_124] : memref<4x128xi32, #tpu.memory_space<vmem>> -> memref<1x128xi32, #tpu.memory_space<vmem>>
    %dma_wait3A_126 = tpu.memref_squeeze %dma_wait3A_125 : memref<1x128xi32, #tpu.memory_space<vmem>> -> memref<128xi32, #tpu.memory_space<vmem>>
    %dma_wait3A_127 = tpu.memref_slice %arg2[%mul3A_2] : memref<819200xi32, #tpu.memory_space<hbm>> -> memref<128xi32, #tpu.memory_space<hbm>>
    tpu.wait_dma2 semaphore(%arg11 : memref<!tpu.dma_semaphore, #tpu.memory_space<semaphore_mem>>) src(%dma_wait3A_127 : memref<128xi32, #tpu.memory_space<hbm>>) dst(%dma_wait3A_126 : memref<128xi32, #tpu.memory_space<vmem>>)
    %dma_start3A_128 = arith.constant 3 : i32
    %dma_start3A_129 = arith.constant 3 : i32
    %dma_start3A_130 = arith.constant 0 : i32
    %dma_start3A_131 = arith.constant 0 : i32
    %dma_start3A_132 = tpu.memref_slice %arg6[%dma_start3A_129, %dma_start3A_130, %dma_start3A_131] : memref<4x128x64xf32, #tpu.memory_space<vmem>> -> memref<1x128x64xf32, #tpu.memory_space<vmem>>
    %dma_start3A_133 = tpu.memref_squeeze %dma_start3A_132 : memref<1x128x64xf32, #tpu.memory_space<vmem>> -> memref<128x64xf32, #tpu.memory_space<vmem>>
    %dma_start3A_134 = arith.constant 0 : i32
    %dma_start3A_135 = tpu.memref_slice %arg5[%dma_start3A_128, %dma_start3A_134] : memref<4x128xi32, #tpu.memory_space<vmem>> -> memref<1x128xi32, #tpu.memory_space<vmem>>
    %dma_start3A_136 = tpu.memref_squeeze %dma_start3A_135 : memref<1x128xi32, #tpu.memory_space<vmem>> -> memref<128xi32, #tpu.memory_space<vmem>>
    %dma_start3A_137 = arith.constant 0 : i32
    %dma_start3A_138 = arith.constant 0 : i32
    %dma_start3A_139 = tpu.memref_slice %arg3[%dma_start3A_137, %dma_start3A_138] : memref<1000000x64xf32, #tpu.memory_space<hbm>> -> memref<1000000x64xf32, #tpu.memory_space<hbm>>
    tpu.enqueue_indirect_dma source(%dma_start3A_139 : memref<1000000x64xf32, #tpu.memory_space<hbm>>) target(%dma_start3A_133 : memref<128x64xf32, #tpu.memory_space<vmem>>) offsets(%dma_start3A_136 : memref<128xi32, #tpu.memory_space<vmem>>) semaphore(%arg15 : memref<!tpu.dma_semaphore, #tpu.memory_space<semaphore_mem>>)
    %scan3A = arith.constant 0 : i32
    %scan3A_140 = arith.constant 0 : i32
    %scan3A_141 = arith.constant 50 : i32
    %scan3A_142 = arith.addi %scan3A_140, %scan3A_141 : i32
    %scan3A_143 = arith.constant 1 : i32
    scf.for %scan3A_171 = %scan3A_140 to %scan3A_142 step %scan3A_143  : i32 {
      %mul3A_172 = arith.constant 4 : i32
      %mul3A_173 = arith.muli %scan3A_171, %mul3A_172 : i32
      %add3A_174 = arith.constant 0 : i32
      %add3A_175 = arith.addi %mul3A_173, %add3A_174 : i32
      %dma_wait3A_176 = arith.constant 0 : i32
      %dma_wait3A_177 = arith.constant 0 : i32
      %dma_wait3A_178 = arith.constant 0 : i32
      %dma_wait3A_179 = arith.constant 0 : i32
      %dma_wait3A_180 = tpu.memref_slice %arg6[%dma_wait3A_177, %dma_wait3A_178, %dma_wait3A_179] : memref<4x128x64xf32, #tpu.memory_space<vmem>> -> memref<1x128x64xf32, #tpu.memory_space<vmem>>
      %dma_wait3A_181 = tpu.memref_squeeze %dma_wait3A_180 : memref<1x128x64xf32, #tpu.memory_space<vmem>> -> memref<128x64xf32, #tpu.memory_space<vmem>>
      %dma_wait3A_182 = arith.constant 0 : i32
      %dma_wait3A_183 = tpu.memref_slice %arg5[%dma_wait3A_176, %dma_wait3A_182] : memref<4x128xi32, #tpu.memory_space<vmem>> -> memref<1x128xi32, #tpu.memory_space<vmem>>
      %dma_wait3A_184 = tpu.memref_squeeze %dma_wait3A_183 : memref<1x128xi32, #tpu.memory_space<vmem>> -> memref<128xi32, #tpu.memory_space<vmem>>
      %dma_wait3A_185 = arith.constant 0 : i32
      %dma_wait3A_186 = arith.constant 0 : i32
      %dma_wait3A_187 = tpu.memref_slice %arg3[%dma_wait3A_185, %dma_wait3A_186] : memref<1000000x64xf32, #tpu.memory_space<hbm>> -> memref<1000000x64xf32, #tpu.memory_space<hbm>>
      tpu.wait_indirect_dma semaphore(%arg12 : memref<!tpu.dma_semaphore, #tpu.memory_space<semaphore_mem>>) src(%dma_wait3A_187 : memref<1000000x64xf32, #tpu.memory_space<hbm>>) dst(%dma_wait3A_181 : memref<128x64xf32, #tpu.memory_space<vmem>>)
      %gt3A = arith.constant 0 : i32
      %gt3A_188 = arith.cmpi sgt, %scan3A_171, %gt3A : i32
      %convert_element_type3A = arith.extui %gt3A_188 : i1 to i32
      %cond3A = arith.constant 0 : i32
      %cond3A_189 = arith.cmpi ne, %convert_element_type3A, %cond3A : i32
      scf.if %cond3A_189 {
        %dma_wait3A_363 = arith.constant 0 : i32
        %dma_wait3A_364 = arith.constant 0 : i32
        %dma_wait3A_365 = arith.constant 0 : i32
        %dma_wait3A_366 = tpu.memref_slice %arg7[%dma_wait3A_363, %dma_wait3A_364, %dma_wait3A_365] : memref<2x128x64xf32, #tpu.memory_space<vmem>> -> memref<1x128x64xf32, #tpu.memory_space<vmem>>
        %dma_wait3A_367 = tpu.memref_squeeze %dma_wait3A_366 : memref<1x128x64xf32, #tpu.memory_space<vmem>> -> memref<128x64xf32, #tpu.memory_space<vmem>>
        %dma_wait3A_368 = arith.constant 0 : i32
        %dma_wait3A_369 = tpu.memref_slice %arg4[%mul3A_2, %dma_wait3A_368] : memref<819200x64xf32, #tpu.memory_space<hbm>> -> memref<128x64xf32, #tpu.memory_space<hbm>>
        %dma_wait3A_370 = arith.constant 0 : i32
        %dma_wait3A_371 = tpu.memref_slice %arg4[%mul3A_2, %dma_wait3A_370] : memref<819200x64xf32, #tpu.memory_space<hbm>> -> memref<128x64xf32, #tpu.memory_space<hbm>>
        %dma_wait3A_372 = arith.constant 0 : i32
        %dma_wait3A_373 = arith.constant 0 : i32
        %dma_wait3A_374 = tpu.memref_slice %arg7[%dma_wait3A_363, %dma_wait3A_372, %dma_wait3A_373] : memref<2x128x64xf32, #tpu.memory_space<vmem>> -> memref<1x128x64xf32, #tpu.memory_space<vmem>>
        %dma_wait3A_375 = tpu.memref_squeeze %dma_wait3A_374 : memref<1x128x64xf32, #tpu.memory_space<vmem>> -> memref<128x64xf32, #tpu.memory_space<vmem>>
        tpu.wait_dma2 semaphore(%arg16 : memref<!tpu.dma_semaphore, #tpu.memory_space<semaphore_mem>>) src(%dma_wait3A_375 : memref<128x64xf32, #tpu.memory_space<vmem>>) dst(%dma_wait3A_371 : memref<128x64xf32, #tpu.memory_space<hbm>>)
      } else {
      }
      %parallel_loop3A = arith.constant 0 : i32
      %parallel_loop3A_190 = arith.constant 128 : i32
      %parallel_loop3A_191 = arith.constant 1 : i32
      scf.for %parallel_loop3A_363 = %parallel_loop3A to %parallel_loop3A_190 step %parallel_loop3A_191  : i32 {
        %parallel_loop3A_364 = arith.constant 0 : i32
        %parallel_loop3A_365 = arith.index_cast %parallel_loop3A_364 : i32 to index
        %parallel_loop3A_366 = arith.index_cast %parallel_loop3A_363 : i32 to index
        %parallel_loop3A_367 = arith.constant 0 : index
        %parallel_loop3A_368 = tpu.vector_load %arg6[%parallel_loop3A_365, %parallel_loop3A_366, %parallel_loop3A_367] {strides = array<i32>} : memref<4x128x64xf32, #tpu.memory_space<vmem>>, vector<16xf32>,
        %parallel_loop3A_369 = arith.constant 0 : i32
        %parallel_loop3A_370 = arith.index_cast %parallel_loop3A_369 : i32 to index
        %parallel_loop3A_371 = arith.index_cast %parallel_loop3A_363 : i32 to index
        %parallel_loop3A_372 = arith.constant 16 : index
        %parallel_loop3A_373 = tpu.vector_load %arg6[%parallel_loop3A_370, %parallel_loop3A_371, %parallel_loop3A_372] {strides = array<i32>} : memref<4x128x64xf32, #tpu.memory_space<vmem>>, vector<16xf32>,
        %parallel_loop3A_374 = arith.constant 0 : i32
        %parallel_loop3A_375 = arith.index_cast %parallel_loop3A_374 : i32 to index
        %parallel_loop3A_376 = arith.index_cast %parallel_loop3A_363 : i32 to index
        %parallel_loop3A_377 = arith.constant 32 : index
        %parallel_loop3A_378 = tpu.vector_load %arg6[%parallel_loop3A_375, %parallel_loop3A_376, %parallel_loop3A_377] {strides = array<i32>} : memref<4x128x64xf32, #tpu.memory_space<vmem>>, vector<16xf32>,
        %parallel_loop3A_379 = arith.constant 0 : i32
        %parallel_loop3A_380 = arith.index_cast %parallel_loop3A_379 : i32 to index
        %parallel_loop3A_381 = arith.index_cast %parallel_loop3A_363 : i32 to index
        %parallel_loop3A_382 = arith.constant 48 : index
        %parallel_loop3A_383 = tpu.vector_load %arg6[%parallel_loop3A_380, %parallel_loop3A_381, %parallel_loop3A_382] {strides = array<i32>} : memref<4x128x64xf32, #tpu.memory_space<vmem>>, vector<16xf32>,
        %parallel_loop3A_384 = arith.mulf %parallel_loop3A_368, %parallel_loop3A_368 : vector<16xf32>
        %parallel_loop3A_385 = arith.mulf %parallel_loop3A_373, %parallel_loop3A_373 : vector<16xf32>
        %parallel_loop3A_386 = arith.addf %parallel_loop3A_384, %parallel_loop3A_385 : vector<16xf32>
        %parallel_loop3A_387 = arith.mulf %parallel_loop3A_378, %parallel_loop3A_378 : vector<16xf32>
        %parallel_loop3A_388 = arith.addf %parallel_loop3A_386, %parallel_loop3A_387 : vector<16xf32>
        %parallel_loop3A_389 = arith.mulf %parallel_loop3A_383, %parallel_loop3A_383 : vector<16xf32>
        %parallel_loop3A_390 = arith.addf %parallel_loop3A_388, %parallel_loop3A_389 : vector<16xf32>
        %parallel_loop3A_391 = arith.constant true
        %parallel_loop3A_392 = vector.broadcast %parallel_loop3A_391 : i1 to vector<16xi1>
        %parallel_loop3A_393 = tpu.scan <sum>, %parallel_loop3A_390 masked %parallel_loop3A_392 : vector<16xf32>, vector<16xi1> -> vector<16xf32>
        %parallel_loop3A_394 = vector.extract %parallel_loop3A_393[15] : f32 from vector<16xf32>
        %parallel_loop3A_395 = vector.broadcast %parallel_loop3A_394 : f32 to vector<16xf32>
        %parallel_loop3A_396 = tpu.bitcast %parallel_loop3A_395 : vector<16xf32> -> vector<16xi32>
        %parallel_loop3A_397 = arith.constant 1 : i32
        %parallel_loop3A_398 = vector.broadcast %parallel_loop3A_397 : i32 to vector<16xi32>
        %parallel_loop3A_399 = arith.shrui %parallel_loop3A_396, %parallel_loop3A_398 : vector<16xi32>
        %parallel_loop3A_400 = arith.constant 1597463007 : i32
        %parallel_loop3A_401 = vector.broadcast %parallel_loop3A_400 : i32 to vector<16xi32>
        %parallel_loop3A_402 = arith.subi %parallel_loop3A_401, %parallel_loop3A_399 : vector<16xi32>
        %parallel_loop3A_403 = tpu.bitcast %parallel_loop3A_402 : vector<16xi32> -> vector<16xf32>
        %parallel_loop3A_404 = arith.constant 5.000000e-01 : f32
        %parallel_loop3A_405 = vector.broadcast %parallel_loop3A_404 : f32 to vector<16xf32>
        %parallel_loop3A_406 = arith.mulf %parallel_loop3A_405, %parallel_loop3A_395 : vector<16xf32>
        %parallel_loop3A_407 = arith.mulf %parallel_loop3A_406, %parallel_loop3A_403 : vector<16xf32>
        %parallel_loop3A_408 = arith.mulf %parallel_loop3A_407, %parallel_loop3A_403 : vector<16xf32>
        %parallel_loop3A_409 = arith.constant 1.500000e+00 : f32
        %parallel_loop3A_410 = vector.broadcast %parallel_loop3A_409 : f32 to vector<16xf32>
        %parallel_loop3A_411 = arith.subf %parallel_loop3A_410, %parallel_loop3A_408 : vector<16xf32>
        %parallel_loop3A_412 = arith.mulf %parallel_loop3A_403, %parallel_loop3A_411 : vector<16xf32>
        %parallel_loop3A_413 = arith.mulf %parallel_loop3A_368, %parallel_loop3A_412 : vector<16xf32>
        %parallel_loop3A_414 = arith.constant 0 : i32
        %parallel_loop3A_415 = arith.index_cast %parallel_loop3A_414 : i32 to index
        %parallel_loop3A_416 = arith.index_cast %parallel_loop3A_363 : i32 to index
        %parallel_loop3A_417 = arith.constant 0 : index
        %parallel_loop3A_418 = tpu.vector_load %arg7[%parallel_loop3A_415, %parallel_loop3A_416, %parallel_loop3A_417] {strides = array<i32>} : memref<2x128x64xf32, #tpu.memory_space<vmem>>, vector<16xf32>,
        tpu.vector_store %arg7[%parallel_loop3A_415, %parallel_loop3A_416, %parallel_loop3A_417], %parallel_loop3A_413 {strides = array<i32>} : memref<2x128x64xf32, #tpu.memory_space<vmem>>, vector<16xf32>,
        %parallel_loop3A_419 = arith.mulf %parallel_loop3A_373, %parallel_loop3A_412 : vector<16xf32>
        %parallel_loop3A_420 = arith.constant 0 : i32
        %parallel_loop3A_421 = arith.index_cast %parallel_loop3A_420 : i32 to index
        %parallel_loop3A_422 = arith.index_cast %parallel_loop3A_363 : i32 to index
        %parallel_loop3A_423 = arith.constant 16 : index
        %parallel_loop3A_424 = tpu.vector_load %arg7[%parallel_loop3A_421, %parallel_loop3A_422, %parallel_loop3A_423] {strides = array<i32>} : memref<2x128x64xf32, #tpu.memory_space<vmem>>, vector<16xf32>,
        tpu.vector_store %arg7[%parallel_loop3A_421, %parallel_loop3A_422, %parallel_loop3A_423], %parallel_loop3A_419 {strides = array<i32>} : memref<2x128x64xf32, #tpu.memory_space<vmem>>, vector<16xf32>,
        %parallel_loop3A_425 = arith.mulf %parallel_loop3A_378, %parallel_loop3A_412 : vector<16xf32>
        %parallel_loop3A_426 = arith.constant 0 : i32
        %parallel_loop3A_427 = arith.index_cast %parallel_loop3A_426 : i32 to index
        %parallel_loop3A_428 = arith.index_cast %parallel_loop3A_363 : i32 to index
        %parallel_loop3A_429 = arith.constant 32 : index
        %parallel_loop3A_430 = tpu.vector_load %arg7[%parallel_loop3A_427, %parallel_loop3A_428, %parallel_loop3A_429] {strides = array<i32>} : memref<2x128x64xf32, #tpu.memory_space<vmem>>, vector<16xf32>,
        tpu.vector_store %arg7[%parallel_loop3A_427, %parallel_loop3A_428, %parallel_loop3A_429], %parallel_loop3A_425 {strides = array<i32>} : memref<2x128x64xf32, #tpu.memory_space<vmem>>, vector<16xf32>,
        %parallel_loop3A_431 = arith.mulf %parallel_loop3A_383, %parallel_loop3A_412 : vector<16xf32>
        %parallel_loop3A_432 = arith.constant 0 : i32
        %parallel_loop3A_433 = arith.index_cast %parallel_loop3A_432 : i32 to index
        %parallel_loop3A_434 = arith.index_cast %parallel_loop3A_363 : i32 to index
        %parallel_loop3A_435 = arith.constant 48 : index
        %parallel_loop3A_436 = tpu.vector_load %arg7[%parallel_loop3A_433, %parallel_loop3A_434, %parallel_loop3A_435] {strides = array<i32>} : memref<2x128x64xf32, #tpu.memory_space<vmem>>, vector<16xf32>,
        tpu.vector_store %arg7[%parallel_loop3A_433, %parallel_loop3A_434, %parallel_loop3A_435], %parallel_loop3A_431 {strides = array<i32>} : memref<2x128x64xf32, #tpu.memory_space<vmem>>, vector<16xf32>,
      } {sc.loop_unroll_factor = 12 : i64, sc.parallel_access}
      %mul3A_192 = arith.constant 128 : i32
      %mul3A_193 = arith.muli %add3A_175, %mul3A_192 : i32
      %add3A_194 = arith.addi %mul3A_2, %mul3A_193 : i32
      %dma_start3A_195 = arith.constant 0 : i32
      %dma_start3A_196 = arith.constant 0 : i32
      %dma_start3A_197 = arith.constant 0 : i32
      %dma_start3A_198 = tpu.memref_slice %arg7[%dma_start3A_195, %dma_start3A_196, %dma_start3A_197] : memref<2x128x64xf32, #tpu.memory_space<vmem>> -> memref<1x128x64xf32, #tpu.memory_space<vmem>>
      %dma_start3A_199 = tpu.memref_squeeze %dma_start3A_198 : memref<1x128x64xf32, #tpu.memory_space<vmem>> -> memref<128x64xf32, #tpu.memory_space<vmem>>
      %dma_start3A_200 = arith.constant 0 : i32
      %dma_start3A_201 = tpu.memref_slice %arg4[%add3A_194, %dma_start3A_200] : memref<819200x64xf32, #tpu.memory_space<hbm>> -> memref<128x64xf32, #tpu.memory_space<hbm>>
      %dma_start3A_202 = arith.constant 0 : i32
      %dma_start3A_203 = tpu.memref_slice %arg4[%add3A_194, %dma_start3A_202] : memref<819200x64xf32, #tpu.memory_space<hbm>> -> memref<128x64xf32, #tpu.memory_space<hbm>>
      %dma_start3A_204 = arith.constant 0 : i32
      %dma_start3A_205 = arith.constant 0 : i32
      %dma_start3A_206 = tpu.memref_slice %arg7[%dma_start3A_195, %dma_start3A_204, %dma_start3A_205] : memref<2x128x64xf32, #tpu.memory_space<vmem>> -> memref<1x128x64xf32, #tpu.memory_space<vmem>>
      %dma_start3A_207 = tpu.memref_squeeze %dma_start3A_206 : memref<1x128x64xf32, #tpu.memory_space<vmem>> -> memref<128x64xf32, #tpu.memory_space<vmem>>
      tpu.enqueue_dma source(%dma_start3A_207 : memref<128x64xf32, #tpu.memory_space<vmem>>) target(%dma_start3A_203 : memref<128x64xf32, #tpu.memory_space<hbm>>) target_semaphore(%arg16 : memref<!tpu.dma_semaphore, #tpu.memory_space<semaphore_mem>>)
      %lt3A = arith.constant 49 : i32
      %lt3A_208 = arith.cmpi slt, %scan3A_171, %lt3A : i32
      %convert_element_type3A_209 = arith.extui %lt3A_208 : i1 to i32
      %cond3A_210 = arith.constant 0 : i32
      %cond3A_211 = arith.cmpi ne, %convert_element_type3A_209, %cond3A_210 : i32
      scf.if %cond3A_211 {
        %add3A_363 = arith.constant 4 : i32
        %add3A_364 = arith.addi %add3A_175, %add3A_363 : i32
        %mul3A_365 = arith.constant 128 : i32
        %mul3A_366 = arith.muli %add3A_364, %mul3A_365 : i32
        %add3A_367 = arith.addi %mul3A_2, %mul3A_366 : i32
        %dma_start3A_368 = arith.constant 0 : i32
        %dma_start3A_369 = arith.constant 0 : i32
        %dma_start3A_370 = tpu.memref_slice %arg5[%dma_start3A_368, %dma_start3A_369] : memref<4x128xi32, #tpu.memory_space<vmem>> -> memref<1x128xi32, #tpu.memory_space<vmem>>
        %dma_start3A_371 = tpu.memref_squeeze %dma_start3A_370 : memref<1x128xi32, #tpu.memory_space<vmem>> -> memref<128xi32, #tpu.memory_space<vmem>>
        %dma_start3A_372 = tpu.memref_slice %arg2[%add3A_367] : memref<819200xi32, #tpu.memory_space<hbm>> -> memref<128xi32, #tpu.memory_space<hbm>>
        %dma_start3A_373 = arith.constant 0 : i32
        %dma_start3A_374 = tpu.memref_slice %arg5[%dma_start3A_368, %dma_start3A_373] : memref<4x128xi32, #tpu.memory_space<vmem>> -> memref<1x128xi32, #tpu.memory_space<vmem>>
        %dma_start3A_375 = tpu.memref_squeeze %dma_start3A_374 : memref<1x128xi32, #tpu.memory_space<vmem>> -> memref<128xi32, #tpu.memory_space<vmem>>
        %dma_start3A_376 = tpu.memref_slice %arg2[%add3A_367] : memref<819200xi32, #tpu.memory_space<hbm>> -> memref<128xi32, #tpu.memory_space<hbm>>
        tpu.enqueue_dma source(%dma_start3A_376 : memref<128xi32, #tpu.memory_space<hbm>>) target(%dma_start3A_375 : memref<128xi32, #tpu.memory_space<vmem>>) target_semaphore(%arg8 : memref<!tpu.dma_semaphore, #tpu.memory_space<semaphore_mem>>)
        %dma_wait3A_377 = arith.constant 0 : i32
        %dma_wait3A_378 = arith.constant 0 : i32
        %dma_wait3A_379 = tpu.memref_slice %arg5[%dma_wait3A_377, %dma_wait3A_378] : memref<4x128xi32, #tpu.memory_space<vmem>> -> memref<1x128xi32, #tpu.memory_space<vmem>>
        %dma_wait3A_380 = tpu.memref_squeeze %dma_wait3A_379 : memref<1x128xi32, #tpu.memory_space<vmem>> -> memref<128xi32, #tpu.memory_space<vmem>>
        %dma_wait3A_381 = tpu.memref_slice %arg2[%mul3A_2] : memref<819200xi32, #tpu.memory_space<hbm>> -> memref<128xi32, #tpu.memory_space<hbm>>
        %dma_wait3A_382 = arith.constant 0 : i32
        %dma_wait3A_383 = tpu.memref_slice %arg5[%dma_wait3A_377, %dma_wait3A_382] : memref<4x128xi32, #tpu.memory_space<vmem>> -> memref<1x128xi32, #tpu.memory_space<vmem>>
        %dma_wait3A_384 = tpu.memref_squeeze %dma_wait3A_383 : memref<1x128xi32, #tpu.memory_space<vmem>> -> memref<128xi32, #tpu.memory_space<vmem>>
        %dma_wait3A_385 = tpu.memref_slice %arg2[%mul3A_2] : memref<819200xi32, #tpu.memory_space<hbm>> -> memref<128xi32, #tpu.memory_space<hbm>>
        tpu.wait_dma2 semaphore(%arg8 : memref<!tpu.dma_semaphore, #tpu.memory_space<semaphore_mem>>) src(%dma_wait3A_385 : memref<128xi32, #tpu.memory_space<hbm>>) dst(%dma_wait3A_384 : memref<128xi32, #tpu.memory_space<vmem>>)
        %dma_start3A_386 = arith.constant 0 : i32
        %dma_start3A_387 = arith.constant 0 : i32
        %dma_start3A_388 = arith.constant 0 : i32
        %dma_start3A_389 = arith.constant 0 : i32
        %dma_start3A_390 = tpu.memref_slice %arg6[%dma_start3A_387, %dma_start3A_388, %dma_start3A_389] : memref<4x128x64xf32, #tpu.memory_space<vmem>> -> memref<1x128x64xf32, #tpu.memory_space<vmem>>
        %dma_start3A_391 = tpu.memref_squeeze %dma_start3A_390 : memref<1x128x64xf32, #tpu.memory_space<vmem>> -> memref<128x64xf32, #tpu.memory_space<vmem>>
        %dma_start3A_392 = arith.constant 0 : i32
        %dma_start3A_393 = tpu.memref_slice %arg5[%dma_start3A_386, %dma_start3A_392] : memref<4x128xi32, #tpu.memory_space<vmem>> -> memref<1x128xi32, #tpu.memory_space<vmem>>
        %dma_start3A_394 = tpu.memref_squeeze %dma_start3A_393 : memref<1x128xi32, #tpu.memory_space<vmem>> -> memref<128xi32, #tpu.memory_space<vmem>>
        %dma_start3A_395 = arith.constant 0 : i32
        %dma_start3A_396 = arith.constant 0 : i32
        %dma_start3A_397 = tpu.memref_slice %arg3[%dma_start3A_395, %dma_start3A_396] : memref<1000000x64xf32, #tpu.memory_space<hbm>> -> memref<1000000x64xf32, #tpu.memory_space<hbm>>
        tpu.enqueue_indirect_dma source(%dma_start3A_397 : memref<1000000x64xf32, #tpu.memory_space<hbm>>) target(%dma_start3A_391 : memref<128x64xf32, #tpu.memory_space<vmem>>) offsets(%dma_start3A_394 : memref<128xi32, #tpu.memory_space<vmem>>) semaphore(%arg12 : memref<!tpu.dma_semaphore, #tpu.memory_space<semaphore_mem>>)
      } else {
      }
      %mul3A_212 = arith.constant 4 : i32
      %mul3A_213 = arith.muli %scan3A_171, %mul3A_212 : i32
      %add3A_214 = arith.constant 1 : i32
      %add3A_215 = arith.addi %mul3A_213, %add3A_214 : i32
      %dma_wait3A_216 = arith.constant 1 : i32
      %dma_wait3A_217 = arith.constant 1 : i32
      %dma_wait3A_218 = arith.constant 0 : i32
      %dma_wait3A_219 = arith.constant 0 : i32
      %dma_wait3A_220 = tpu.memref_slice %arg6[%dma_wait3A_217, %dma_wait3A_218, %dma_wait3A_219] : memref<4x128x64xf32, #tpu.memory_space<vmem>> -> memref<1x128x64xf32, #tpu.memory_space<vmem>>
      %dma_wait3A_221 = tpu.memref_squeeze %dma_wait3A_220 : memref<1x128x64xf32, #tpu.memory_space<vmem>> -> memref<128x64xf32, #tpu.memory_space<vmem>>
      %dma_wait3A_222 = arith.constant 0 : i32
      %dma_wait3A_223 = tpu.memref_slice %arg5[%dma_wait3A_216, %dma_wait3A_222] : memref<4x128xi32, #tpu.memory_space<vmem>> -> memref<1x128xi32, #tpu.memory_space<vmem>>
      %dma_wait3A_224 = tpu.memref_squeeze %dma_wait3A_223 : memref<1x128xi32, #tpu.memory_space<vmem>> -> memref<128xi32, #tpu.memory_space<vmem>>
      %dma_wait3A_225 = arith.constant 0 : i32
      %dma_wait3A_226 = arith.constant 0 : i32
      %dma_wait3A_227 = tpu.memref_slice %arg3[%dma_wait3A_225, %dma_wait3A_226] : memref<1000000x64xf32, #tpu.memory_space<hbm>> -> memref<1000000x64xf32, #tpu.memory_space<hbm>>
      tpu.wait_indirect_dma semaphore(%arg13 : memref<!tpu.dma_semaphore, #tpu.memory_space<semaphore_mem>>) src(%dma_wait3A_227 : memref<1000000x64xf32, #tpu.memory_space<hbm>>) dst(%dma_wait3A_221 : memref<128x64xf32, #tpu.memory_space<vmem>>)
      %gt3A_228 = arith.constant 0 : i32
      %gt3A_229 = arith.cmpi sgt, %scan3A_171, %gt3A_228 : i32
      %convert_element_type3A_230 = arith.extui %gt3A_229 : i1 to i32
      %cond3A_231 = arith.constant 0 : i32
      %cond3A_232 = arith.cmpi ne, %convert_element_type3A_230, %cond3A_231 : i32
      scf.if %cond3A_232 {
        %dma_wait3A_363 = arith.constant 1 : i32
        %dma_wait3A_364 = arith.constant 0 : i32
        %dma_wait3A_365 = arith.constant 0 : i32
        %dma_wait3A_366 = tpu.memref_slice %arg7[%dma_wait3A_363, %dma_wait3A_364, %dma_wait3A_365] : memref<2x128x64xf32, #tpu.memory_space<vmem>> -> memref<1x128x64xf32, #tpu.memory_space<vmem>>
        %dma_wait3A_367 = tpu.memref_squeeze %dma_wait3A_366 : memref<1x128x64xf32, #tpu.memory_space<vmem>> -> memref<128x64xf32, #tpu.memory_space<vmem>>
        %dma_wait3A_368 = arith.constant 0 : i32
        %dma_wait3A_369 = tpu.memref_slice %arg4[%mul3A_2, %dma_wait3A_368] : memref<819200x64xf32, #tpu.memory_space<hbm>> -> memref<128x64xf32, #tpu.memory_space<hbm>>
        %dma_wait3A_370 = arith.constant 0 : i32
        %dma_wait3A_371 = tpu.memref_slice %arg4[%mul3A_2, %dma_wait3A_370] : memref<819200x64xf32, #tpu.memory_space<hbm>> -> memref<128x64xf32, #tpu.memory_space<hbm>>
        %dma_wait3A_372 = arith.constant 0 : i32
        %dma_wait3A_373 = arith.constant 0 : i32
        %dma_wait3A_374 = tpu.memref_slice %arg7[%dma_wait3A_363, %dma_wait3A_372, %dma_wait3A_373] : memref<2x128x64xf32, #tpu.memory_space<vmem>> -> memref<1x128x64xf32, #tpu.memory_space<vmem>>
        %dma_wait3A_375 = tpu.memref_squeeze %dma_wait3A_374 : memref<1x128x64xf32, #tpu.memory_space<vmem>> -> memref<128x64xf32, #tpu.memory_space<vmem>>
        tpu.wait_dma2 semaphore(%arg17 : memref<!tpu.dma_semaphore, #tpu.memory_space<semaphore_mem>>) src(%dma_wait3A_375 : memref<128x64xf32, #tpu.memory_space<vmem>>) dst(%dma_wait3A_371 : memref<128x64xf32, #tpu.memory_space<hbm>>)
      } else {
      }
      %parallel_loop3A_233 = arith.constant 0 : i32
      %parallel_loop3A_234 = arith.constant 128 : i32
      %parallel_loop3A_235 = arith.constant 1 : i32
      scf.for %parallel_loop3A_363 = %parallel_loop3A_233 to %parallel_loop3A_234 step %parallel_loop3A_235  : i32 {
        %parallel_loop3A_364 = arith.constant 1 : i32
        %parallel_loop3A_365 = arith.index_cast %parallel_loop3A_364 : i32 to index
        %parallel_loop3A_366 = arith.index_cast %parallel_loop3A_363 : i32 to index
        %parallel_loop3A_367 = arith.constant 0 : index
        %parallel_loop3A_368 = tpu.vector_load %arg6[%parallel_loop3A_365, %parallel_loop3A_366, %parallel_loop3A_367] {strides = array<i32>} : memref<4x128x64xf32, #tpu.memory_space<vmem>>, vector<16xf32>,
        %parallel_loop3A_369 = arith.constant 1 : i32
        %parallel_loop3A_370 = arith.index_cast %parallel_loop3A_369 : i32 to index
        %parallel_loop3A_371 = arith.index_cast %parallel_loop3A_363 : i32 to index
        %parallel_loop3A_372 = arith.constant 16 : index
        %parallel_loop3A_373 = tpu.vector_load %arg6[%parallel_loop3A_370, %parallel_loop3A_371, %parallel_loop3A_372] {strides = array<i32>} : memref<4x128x64xf32, #tpu.memory_space<vmem>>, vector<16xf32>,
        %parallel_loop3A_374 = arith.constant 1 : i32
        %parallel_loop3A_375 = arith.index_cast %parallel_loop3A_374 : i32 to index
        %parallel_loop3A_376 = arith.index_cast %parallel_loop3A_363 : i32 to index
        %parallel_loop3A_377 = arith.constant 32 : index
        %parallel_loop3A_378 = tpu.vector_load %arg6[%parallel_loop3A_375, %parallel_loop3A_376, %parallel_loop3A_377] {strides = array<i32>} : memref<4x128x64xf32, #tpu.memory_space<vmem>>, vector<16xf32>,
        %parallel_loop3A_379 = arith.constant 1 : i32
        %parallel_loop3A_380 = arith.index_cast %parallel_loop3A_379 : i32 to index
        %parallel_loop3A_381 = arith.index_cast %parallel_loop3A_363 : i32 to index
        %parallel_loop3A_382 = arith.constant 48 : index
        %parallel_loop3A_383 = tpu.vector_load %arg6[%parallel_loop3A_380, %parallel_loop3A_381, %parallel_loop3A_382] {strides = array<i32>} : memref<4x128x64xf32, #tpu.memory_space<vmem>>, vector<16xf32>,
        %parallel_loop3A_384 = arith.mulf %parallel_loop3A_368, %parallel_loop3A_368 : vector<16xf32>
        %parallel_loop3A_385 = arith.mulf %parallel_loop3A_373, %parallel_loop3A_373 : vector<16xf32>
        %parallel_loop3A_386 = arith.addf %parallel_loop3A_384, %parallel_loop3A_385 : vector<16xf32>
        %parallel_loop3A_387 = arith.mulf %parallel_loop3A_378, %parallel_loop3A_378 : vector<16xf32>
        %parallel_loop3A_388 = arith.addf %parallel_loop3A_386, %parallel_loop3A_387 : vector<16xf32>
        %parallel_loop3A_389 = arith.mulf %parallel_loop3A_383, %parallel_loop3A_383 : vector<16xf32>
        %parallel_loop3A_390 = arith.addf %parallel_loop3A_388, %parallel_loop3A_389 : vector<16xf32>
        %parallel_loop3A_391 = arith.constant true
        %parallel_loop3A_392 = vector.broadcast %parallel_loop3A_391 : i1 to vector<16xi1>
        %parallel_loop3A_393 = tpu.scan <sum>, %parallel_loop3A_390 masked %parallel_loop3A_392 : vector<16xf32>, vector<16xi1> -> vector<16xf32>
        %parallel_loop3A_394 = vector.extract %parallel_loop3A_393[15] : f32 from vector<16xf32>
        %parallel_loop3A_395 = vector.broadcast %parallel_loop3A_394 : f32 to vector<16xf32>
        %parallel_loop3A_396 = tpu.bitcast %parallel_loop3A_395 : vector<16xf32> -> vector<16xi32>
        %parallel_loop3A_397 = arith.constant 1 : i32
        %parallel_loop3A_398 = vector.broadcast %parallel_loop3A_397 : i32 to vector<16xi32>
        %parallel_loop3A_399 = arith.shrui %parallel_loop3A_396, %parallel_loop3A_398 : vector<16xi32>
        %parallel_loop3A_400 = arith.constant 1597463007 : i32
        %parallel_loop3A_401 = vector.broadcast %parallel_loop3A_400 : i32 to vector<16xi32>
        %parallel_loop3A_402 = arith.subi %parallel_loop3A_401, %parallel_loop3A_399 : vector<16xi32>
        %parallel_loop3A_403 = tpu.bitcast %parallel_loop3A_402 : vector<16xi32> -> vector<16xf32>
        %parallel_loop3A_404 = arith.constant 5.000000e-01 : f32
        %parallel_loop3A_405 = vector.broadcast %parallel_loop3A_404 : f32 to vector<16xf32>
        %parallel_loop3A_406 = arith.mulf %parallel_loop3A_405, %parallel_loop3A_395 : vector<16xf32>
        %parallel_loop3A_407 = arith.mulf %parallel_loop3A_406, %parallel_loop3A_403 : vector<16xf32>
        %parallel_loop3A_408 = arith.mulf %parallel_loop3A_407, %parallel_loop3A_403 : vector<16xf32>
        %parallel_loop3A_409 = arith.constant 1.500000e+00 : f32
        %parallel_loop3A_410 = vector.broadcast %parallel_loop3A_409 : f32 to vector<16xf32>
        %parallel_loop3A_411 = arith.subf %parallel_loop3A_410, %parallel_loop3A_408 : vector<16xf32>
        %parallel_loop3A_412 = arith.mulf %parallel_loop3A_403, %parallel_loop3A_411 : vector<16xf32>
        %parallel_loop3A_413 = arith.mulf %parallel_loop3A_368, %parallel_loop3A_412 : vector<16xf32>
        %parallel_loop3A_414 = arith.constant 1 : i32
        %parallel_loop3A_415 = arith.index_cast %parallel_loop3A_414 : i32 to index
        %parallel_loop3A_416 = arith.index_cast %parallel_loop3A_363 : i32 to index
        %parallel_loop3A_417 = arith.constant 0 : index
        %parallel_loop3A_418 = tpu.vector_load %arg7[%parallel_loop3A_415, %parallel_loop3A_416, %parallel_loop3A_417] {strides = array<i32>} : memref<2x128x64xf32, #tpu.memory_space<vmem>>, vector<16xf32>,
        tpu.vector_store %arg7[%parallel_loop3A_415, %parallel_loop3A_416, %parallel_loop3A_417], %parallel_loop3A_413 {strides = array<i32>} : memref<2x128x64xf32, #tpu.memory_space<vmem>>, vector<16xf32>,
        %parallel_loop3A_419 = arith.mulf %parallel_loop3A_373, %parallel_loop3A_412 : vector<16xf32>
        %parallel_loop3A_420 = arith.constant 1 : i32
        %parallel_loop3A_421 = arith.index_cast %parallel_loop3A_420 : i32 to index
        %parallel_loop3A_422 = arith.index_cast %parallel_loop3A_363 : i32 to index
        %parallel_loop3A_423 = arith.constant 16 : index
        %parallel_loop3A_424 = tpu.vector_load %arg7[%parallel_loop3A_421, %parallel_loop3A_422, %parallel_loop3A_423] {strides = array<i32>} : memref<2x128x64xf32, #tpu.memory_space<vmem>>, vector<16xf32>,
        tpu.vector_store %arg7[%parallel_loop3A_421, %parallel_loop3A_422, %parallel_loop3A_423], %parallel_loop3A_419 {strides = array<i32>} : memref<2x128x64xf32, #tpu.memory_space<vmem>>, vector<16xf32>,
        %parallel_loop3A_425 = arith.mulf %parallel_loop3A_378, %parallel_loop3A_412 : vector<16xf32>
        %parallel_loop3A_426 = arith.constant 1 : i32
        %parallel_loop3A_427 = arith.index_cast %parallel_loop3A_426 : i32 to index
        %parallel_loop3A_428 = arith.index_cast %parallel_loop3A_363 : i32 to index
        %parallel_loop3A_429 = arith.constant 32 : index
        %parallel_loop3A_430 = tpu.vector_load %arg7[%parallel_loop3A_427, %parallel_loop3A_428, %parallel_loop3A_429] {strides = array<i32>} : memref<2x128x64xf32, #tpu.memory_space<vmem>>, vector<16xf32>,
        tpu.vector_store %arg7[%parallel_loop3A_427, %parallel_loop3A_428, %parallel_loop3A_429], %parallel_loop3A_425 {strides = array<i32>} : memref<2x128x64xf32, #tpu.memory_space<vmem>>, vector<16xf32>,
        %parallel_loop3A_431 = arith.mulf %parallel_loop3A_383, %parallel_loop3A_412 : vector<16xf32>
        %parallel_loop3A_432 = arith.constant 1 : i32
        %parallel_loop3A_433 = arith.index_cast %parallel_loop3A_432 : i32 to index
        %parallel_loop3A_434 = arith.index_cast %parallel_loop3A_363 : i32 to index
        %parallel_loop3A_435 = arith.constant 48 : index
        %parallel_loop3A_436 = tpu.vector_load %arg7[%parallel_loop3A_433, %parallel_loop3A_434, %parallel_loop3A_435] {strides = array<i32>} : memref<2x128x64xf32, #tpu.memory_space<vmem>>, vector<16xf32>,
        tpu.vector_store %arg7[%parallel_loop3A_433, %parallel_loop3A_434, %parallel_loop3A_435], %parallel_loop3A_431 {strides = array<i32>} : memref<2x128x64xf32, #tpu.memory_space<vmem>>, vector<16xf32>,
      } {sc.loop_unroll_factor = 12 : i64, sc.parallel_access}
      %mul3A_236 = arith.constant 128 : i32
      %mul3A_237 = arith.muli %add3A_215, %mul3A_236 : i32
      %add3A_238 = arith.addi %mul3A_2, %mul3A_237 : i32
      %dma_start3A_239 = arith.constant 1 : i32
      %dma_start3A_240 = arith.constant 0 : i32
      %dma_start3A_241 = arith.constant 0 : i32
      %dma_start3A_242 = tpu.memref_slice %arg7[%dma_start3A_239, %dma_start3A_240, %dma_start3A_241] : memref<2x128x64xf32, #tpu.memory_space<vmem>> -> memref<1x128x64xf32, #tpu.memory_space<vmem>>
      %dma_start3A_243 = tpu.memref_squeeze %dma_start3A_242 : memref<1x128x64xf32, #tpu.memory_space<vmem>> -> memref<128x64xf32, #tpu.memory_space<vmem>>
      %dma_start3A_244 = arith.constant 0 : i32
      %dma_start3A_245 = tpu.memref_slice %arg4[%add3A_238, %dma_start3A_244] : memref<819200x64xf32, #tpu.memory_space<hbm>> -> memref<128x64xf32, #tpu.memory_space<hbm>>
      %dma_start3A_246 = arith.constant 0 : i32
      %dma_start3A_247 = tpu.memref_slice %arg4[%add3A_238, %dma_start3A_246] : memref<819200x64xf32, #tpu.memory_space<hbm>> -> memref<128x64xf32, #tpu.memory_space<hbm>>
      %dma_start3A_248 = arith.constant 0 : i32
      %dma_start3A_249 = arith.constant 0 : i32
      %dma_start3A_250 = tpu.memref_slice %arg7[%dma_start3A_239, %dma_start3A_248, %dma_start3A_249] : memref<2x128x64xf32, #tpu.memory_space<vmem>> -> memref<1x128x64xf32, #tpu.memory_space<vmem>>
      %dma_start3A_251 = tpu.memref_squeeze %dma_start3A_250 : memref<1x128x64xf32, #tpu.memory_space<vmem>> -> memref<128x64xf32, #tpu.memory_space<vmem>>
      tpu.enqueue_dma source(%dma_start3A_251 : memref<128x64xf32, #tpu.memory_space<vmem>>) target(%dma_start3A_247 : memref<128x64xf32, #tpu.memory_space<hbm>>) target_semaphore(%arg17 : memref<!tpu.dma_semaphore, #tpu.memory_space<semaphore_mem>>)
      %lt3A_252 = arith.constant 49 : i32
      %lt3A_253 = arith.cmpi slt, %scan3A_171, %lt3A_252 : i32
      %convert_element_type3A_254 = arith.extui %lt3A_253 : i1 to i32
      %cond3A_255 = arith.constant 0 : i32
      %cond3A_256 = arith.cmpi ne, %convert_element_type3A_254, %cond3A_255 : i32
      scf.if %cond3A_256 {
        %add3A_363 = arith.constant 4 : i32
        %add3A_364 = arith.addi %add3A_215, %add3A_363 : i32
        %mul3A_365 = arith.constant 128 : i32
        %mul3A_366 = arith.muli %add3A_364, %mul3A_365 : i32
        %add3A_367 = arith.addi %mul3A_2, %mul3A_366 : i32
        %dma_start3A_368 = arith.constant 1 : i32
        %dma_start3A_369 = arith.constant 0 : i32
        %dma_start3A_370 = tpu.memref_slice %arg5[%dma_start3A_368, %dma_start3A_369] : memref<4x128xi32, #tpu.memory_space<vmem>> -> memref<1x128xi32, #tpu.memory_space<vmem>>
        %dma_start3A_371 = tpu.memref_squeeze %dma_start3A_370 : memref<1x128xi32, #tpu.memory_space<vmem>> -> memref<128xi32, #tpu.memory_space<vmem>>
        %dma_start3A_372 = tpu.memref_slice %arg2[%add3A_367] : memref<819200xi32, #tpu.memory_space<hbm>> -> memref<128xi32, #tpu.memory_space<hbm>>
        %dma_start3A_373 = arith.constant 0 : i32
        %dma_start3A_374 = tpu.memref_slice %arg5[%dma_start3A_368, %dma_start3A_373] : memref<4x128xi32, #tpu.memory_space<vmem>> -> memref<1x128xi32, #tpu.memory_space<vmem>>
        %dma_start3A_375 = tpu.memref_squeeze %dma_start3A_374 : memref<1x128xi32, #tpu.memory_space<vmem>> -> memref<128xi32, #tpu.memory_space<vmem>>
        %dma_start3A_376 = tpu.memref_slice %arg2[%add3A_367] : memref<819200xi32, #tpu.memory_space<hbm>> -> memref<128xi32, #tpu.memory_space<hbm>>
        tpu.enqueue_dma source(%dma_start3A_376 : memref<128xi32, #tpu.memory_space<hbm>>) target(%dma_start3A_375 : memref<128xi32, #tpu.memory_space<vmem>>) target_semaphore(%arg9 : memref<!tpu.dma_semaphore, #tpu.memory_space<semaphore_mem>>)
        %dma_wait3A_377 = arith.constant 1 : i32
        %dma_wait3A_378 = arith.constant 0 : i32
        %dma_wait3A_379 = tpu.memref_slice %arg5[%dma_wait3A_377, %dma_wait3A_378] : memref<4x128xi32, #tpu.memory_space<vmem>> -> memref<1x128xi32, #tpu.memory_space<vmem>>
        %dma_wait3A_380 = tpu.memref_squeeze %dma_wait3A_379 : memref<1x128xi32, #tpu.memory_space<vmem>> -> memref<128xi32, #tpu.memory_space<vmem>>
        %dma_wait3A_381 = tpu.memref_slice %arg2[%mul3A_2] : memref<819200xi32, #tpu.memory_space<hbm>> -> memref<128xi32, #tpu.memory_space<hbm>>
        %dma_wait3A_382 = arith.constant 0 : i32
        %dma_wait3A_383 = tpu.memref_slice %arg5[%dma_wait3A_377, %dma_wait3A_382] : memref<4x128xi32, #tpu.memory_space<vmem>> -> memref<1x128xi32, #tpu.memory_space<vmem>>
        %dma_wait3A_384 = tpu.memref_squeeze %dma_wait3A_383 : memref<1x128xi32, #tpu.memory_space<vmem>> -> memref<128xi32, #tpu.memory_space<vmem>>
        %dma_wait3A_385 = tpu.memref_slice %arg2[%mul3A_2] : memref<819200xi32, #tpu.memory_space<hbm>> -> memref<128xi32, #tpu.memory_space<hbm>>
        tpu.wait_dma2 semaphore(%arg9 : memref<!tpu.dma_semaphore, #tpu.memory_space<semaphore_mem>>) src(%dma_wait3A_385 : memref<128xi32, #tpu.memory_space<hbm>>) dst(%dma_wait3A_384 : memref<128xi32, #tpu.memory_space<vmem>>)
        %dma_start3A_386 = arith.constant 1 : i32
        %dma_start3A_387 = arith.constant 1 : i32
        %dma_start3A_388 = arith.constant 0 : i32
        %dma_start3A_389 = arith.constant 0 : i32
        %dma_start3A_390 = tpu.memref_slice %arg6[%dma_start3A_387, %dma_start3A_388, %dma_start3A_389] : memref<4x128x64xf32, #tpu.memory_space<vmem>> -> memref<1x128x64xf32, #tpu.memory_space<vmem>>
        %dma_start3A_391 = tpu.memref_squeeze %dma_start3A_390 : memref<1x128x64xf32, #tpu.memory_space<vmem>> -> memref<128x64xf32, #tpu.memory_space<vmem>>
        %dma_start3A_392 = arith.constant 0 : i32
        %dma_start3A_393 = tpu.memref_slice %arg5[%dma_start3A_386, %dma_start3A_392] : memref<4x128xi32, #tpu.memory_space<vmem>> -> memref<1x128xi32, #tpu.memory_space<vmem>>
        %dma_start3A_394 = tpu.memref_squeeze %dma_start3A_393 : memref<1x128xi32, #tpu.memory_space<vmem>> -> memref<128xi32, #tpu.memory_space<vmem>>
        %dma_start3A_395 = arith.constant 0 : i32
        %dma_start3A_396 = arith.constant 0 : i32
        %dma_start3A_397 = tpu.memref_slice %arg3[%dma_start3A_395, %dma_start3A_396] : memref<1000000x64xf32, #tpu.memory_space<hbm>> -> memref<1000000x64xf32, #tpu.memory_space<hbm>>
        tpu.enqueue_indirect_dma source(%dma_start3A_397 : memref<1000000x64xf32, #tpu.memory_space<hbm>>) target(%dma_start3A_391 : memref<128x64xf32, #tpu.memory_space<vmem>>) offsets(%dma_start3A_394 : memref<128xi32, #tpu.memory_space<vmem>>) semaphore(%arg13 : memref<!tpu.dma_semaphore, #tpu.memory_space<semaphore_mem>>)
      } else {
      }
      %mul3A_257 = arith.constant 4 : i32
      %mul3A_258 = arith.muli %scan3A_171, %mul3A_257 : i32
      %add3A_259 = arith.constant 2 : i32
      %add3A_260 = arith.addi %mul3A_258, %add3A_259 : i32
      %dma_wait3A_261 = arith.constant 2 : i32
      %dma_wait3A_262 = arith.constant 2 : i32
      %dma_wait3A_263 = arith.constant 0 : i32
      %dma_wait3A_264 = arith.constant 0 : i32
      %dma_wait3A_265 = tpu.memref_slice %arg6[%dma_wait3A_262, %dma_wait3A_263, %dma_wait3A_264] : memref<4x128x64xf32, #tpu.memory_space<vmem>> -> memref<1x128x64xf32, #tpu.memory_space<vmem>>
      %dma_wait3A_266 = tpu.memref_squeeze %dma_wait3A_265 : memref<1x128x64xf32, #tpu.memory_space<vmem>> -> memref<128x64xf32, #tpu.memory_space<vmem>>
      %dma_wait3A_267 = arith.constant 0 : i32
      %dma_wait3A_268 = tpu.memref_slice %arg5[%dma_wait3A_261, %dma_wait3A_267] : memref<4x128xi32, #tpu.memory_space<vmem>> -> memref<1x128xi32, #tpu.memory_space<vmem>>
      %dma_wait3A_269 = tpu.memref_squeeze %dma_wait3A_268 : memref<1x128xi32, #tpu.memory_space<vmem>> -> memref<128xi32, #tpu.memory_space<vmem>>
      %dma_wait3A_270 = arith.constant 0 : i32
      %dma_wait3A_271 = arith.constant 0 : i32
      %dma_wait3A_272 = tpu.memref_slice %arg3[%dma_wait3A_270, %dma_wait3A_271] : memref<1000000x64xf32, #tpu.memory_space<hbm>> -> memref<1000000x64xf32, #tpu.memory_space<hbm>>
      tpu.wait_indirect_dma semaphore(%arg14 : memref<!tpu.dma_semaphore, #tpu.memory_space<semaphore_mem>>) src(%dma_wait3A_272 : memref<1000000x64xf32, #tpu.memory_space<hbm>>) dst(%dma_wait3A_266 : memref<128x64xf32, #tpu.memory_space<vmem>>)
      %dma_wait3A_273 = arith.constant 0 : i32
      %dma_wait3A_274 = arith.constant 0 : i32
      %dma_wait3A_275 = arith.constant 0 : i32
      %dma_wait3A_276 = tpu.memref_slice %arg7[%dma_wait3A_273, %dma_wait3A_274, %dma_wait3A_275] : memref<2x128x64xf32, #tpu.memory_space<vmem>> -> memref<1x128x64xf32, #tpu.memory_space<vmem>>
      %dma_wait3A_277 = tpu.memref_squeeze %dma_wait3A_276 : memref<1x128x64xf32, #tpu.memory_space<vmem>> -> memref<128x64xf32, #tpu.memory_space<vmem>>
      %dma_wait3A_278 = arith.constant 0 : i32
      %dma_wait3A_279 = tpu.memref_slice %arg4[%mul3A_2, %dma_wait3A_278] : memref<819200x64xf32, #tpu.memory_space<hbm>> -> memref<128x64xf32, #tpu.memory_space<hbm>>
      %dma_wait3A_280 = arith.constant 0 : i32
      %dma_wait3A_281 = tpu.memref_slice %arg4[%mul3A_2, %dma_wait3A_280] : memref<819200x64xf32, #tpu.memory_space<hbm>> -> memref<128x64xf32, #tpu.memory_space<hbm>>
      %dma_wait3A_282 = arith.constant 0 : i32
      %dma_wait3A_283 = arith.constant 0 : i32
      %dma_wait3A_284 = tpu.memref_slice %arg7[%dma_wait3A_273, %dma_wait3A_282, %dma_wait3A_283] : memref<2x128x64xf32, #tpu.memory_space<vmem>> -> memref<1x128x64xf32, #tpu.memory_space<vmem>>
      %dma_wait3A_285 = tpu.memref_squeeze %dma_wait3A_284 : memref<1x128x64xf32, #tpu.memory_space<vmem>> -> memref<128x64xf32, #tpu.memory_space<vmem>>
      tpu.wait_dma2 semaphore(%arg16 : memref<!tpu.dma_semaphore, #tpu.memory_space<semaphore_mem>>) src(%dma_wait3A_285 : memref<128x64xf32, #tpu.memory_space<vmem>>) dst(%dma_wait3A_281 : memref<128x64xf32, #tpu.memory_space<hbm>>)
      %parallel_loop3A_286 = arith.constant 0 : i32
      %parallel_loop3A_287 = arith.constant 128 : i32
      %parallel_loop3A_288 = arith.constant 1 : i32
      scf.for %parallel_loop3A_363 = %parallel_loop3A_286 to %parallel_loop3A_287 step %parallel_loop3A_288  : i32 {
        %parallel_loop3A_364 = arith.constant 2 : i32
        %parallel_loop3A_365 = arith.index_cast %parallel_loop3A_364 : i32 to index
        %parallel_loop3A_366 = arith.index_cast %parallel_loop3A_363 : i32 to index
        %parallel_loop3A_367 = arith.constant 0 : index
        %parallel_loop3A_368 = tpu.vector_load %arg6[%parallel_loop3A_365, %parallel_loop3A_366, %parallel_loop3A_367] {strides = array<i32>} : memref<4x128x64xf32, #tpu.memory_space<vmem>>, vector<16xf32>,
        %parallel_loop3A_369 = arith.constant 2 : i32
        %parallel_loop3A_370 = arith.index_cast %parallel_loop3A_369 : i32 to index
        %parallel_loop3A_371 = arith.index_cast %parallel_loop3A_363 : i32 to index
        %parallel_loop3A_372 = arith.constant 16 : index
        %parallel_loop3A_373 = tpu.vector_load %arg6[%parallel_loop3A_370, %parallel_loop3A_371, %parallel_loop3A_372] {strides = array<i32>} : memref<4x128x64xf32, #tpu.memory_space<vmem>>, vector<16xf32>,
        %parallel_loop3A_374 = arith.constant 2 : i32
        %parallel_loop3A_375 = arith.index_cast %parallel_loop3A_374 : i32 to index
        %parallel_loop3A_376 = arith.index_cast %parallel_loop3A_363 : i32 to index
        %parallel_loop3A_377 = arith.constant 32 : index
        %parallel_loop3A_378 = tpu.vector_load %arg6[%parallel_loop3A_375, %parallel_loop3A_376, %parallel_loop3A_377] {strides = array<i32>} : memref<4x128x64xf32, #tpu.memory_space<vmem>>, vector<16xf32>,
        %parallel_loop3A_379 = arith.constant 2 : i32
        %parallel_loop3A_380 = arith.index_cast %parallel_loop3A_379 : i32 to index
        %parallel_loop3A_381 = arith.index_cast %parallel_loop3A_363 : i32 to index
        %parallel_loop3A_382 = arith.constant 48 : index
        %parallel_loop3A_383 = tpu.vector_load %arg6[%parallel_loop3A_380, %parallel_loop3A_381, %parallel_loop3A_382] {strides = array<i32>} : memref<4x128x64xf32, #tpu.memory_space<vmem>>, vector<16xf32>,
        %parallel_loop3A_384 = arith.mulf %parallel_loop3A_368, %parallel_loop3A_368 : vector<16xf32>
        %parallel_loop3A_385 = arith.mulf %parallel_loop3A_373, %parallel_loop3A_373 : vector<16xf32>
        %parallel_loop3A_386 = arith.addf %parallel_loop3A_384, %parallel_loop3A_385 : vector<16xf32>
        %parallel_loop3A_387 = arith.mulf %parallel_loop3A_378, %parallel_loop3A_378 : vector<16xf32>
        %parallel_loop3A_388 = arith.addf %parallel_loop3A_386, %parallel_loop3A_387 : vector<16xf32>
        %parallel_loop3A_389 = arith.mulf %parallel_loop3A_383, %parallel_loop3A_383 : vector<16xf32>
        %parallel_loop3A_390 = arith.addf %parallel_loop3A_388, %parallel_loop3A_389 : vector<16xf32>
        %parallel_loop3A_391 = arith.constant true
        %parallel_loop3A_392 = vector.broadcast %parallel_loop3A_391 : i1 to vector<16xi1>
        %parallel_loop3A_393 = tpu.scan <sum>, %parallel_loop3A_390 masked %parallel_loop3A_392 : vector<16xf32>, vector<16xi1> -> vector<16xf32>
        %parallel_loop3A_394 = vector.extract %parallel_loop3A_393[15] : f32 from vector<16xf32>
        %parallel_loop3A_395 = vector.broadcast %parallel_loop3A_394 : f32 to vector<16xf32>
        %parallel_loop3A_396 = tpu.bitcast %parallel_loop3A_395 : vector<16xf32> -> vector<16xi32>
        %parallel_loop3A_397 = arith.constant 1 : i32
        %parallel_loop3A_398 = vector.broadcast %parallel_loop3A_397 : i32 to vector<16xi32>
        %parallel_loop3A_399 = arith.shrui %parallel_loop3A_396, %parallel_loop3A_398 : vector<16xi32>
        %parallel_loop3A_400 = arith.constant 1597463007 : i32
        %parallel_loop3A_401 = vector.broadcast %parallel_loop3A_400 : i32 to vector<16xi32>
        %parallel_loop3A_402 = arith.subi %parallel_loop3A_401, %parallel_loop3A_399 : vector<16xi32>
        %parallel_loop3A_403 = tpu.bitcast %parallel_loop3A_402 : vector<16xi32> -> vector<16xf32>
        %parallel_loop3A_404 = arith.constant 5.000000e-01 : f32
        %parallel_loop3A_405 = vector.broadcast %parallel_loop3A_404 : f32 to vector<16xf32>
        %parallel_loop3A_406 = arith.mulf %parallel_loop3A_405, %parallel_loop3A_395 : vector<16xf32>
        %parallel_loop3A_407 = arith.mulf %parallel_loop3A_406, %parallel_loop3A_403 : vector<16xf32>
        %parallel_loop3A_408 = arith.mulf %parallel_loop3A_407, %parallel_loop3A_403 : vector<16xf32>
        %parallel_loop3A_409 = arith.constant 1.500000e+00 : f32
        %parallel_loop3A_410 = vector.broadcast %parallel_loop3A_409 : f32 to vector<16xf32>
        %parallel_loop3A_411 = arith.subf %parallel_loop3A_410, %parallel_loop3A_408 : vector<16xf32>
        %parallel_loop3A_412 = arith.mulf %parallel_loop3A_403, %parallel_loop3A_411 : vector<16xf32>
        %parallel_loop3A_413 = arith.mulf %parallel_loop3A_368, %parallel_loop3A_412 : vector<16xf32>
        %parallel_loop3A_414 = arith.constant 0 : i32
        %parallel_loop3A_415 = arith.index_cast %parallel_loop3A_414 : i32 to index
        %parallel_loop3A_416 = arith.index_cast %parallel_loop3A_363 : i32 to index
        %parallel_loop3A_417 = arith.constant 0 : index
        %parallel_loop3A_418 = tpu.vector_load %arg7[%parallel_loop3A_415, %parallel_loop3A_416, %parallel_loop3A_417] {strides = array<i32>} : memref<2x128x64xf32, #tpu.memory_space<vmem>>, vector<16xf32>,
        tpu.vector_store %arg7[%parallel_loop3A_415, %parallel_loop3A_416, %parallel_loop3A_417], %parallel_loop3A_413 {strides = array<i32>} : memref<2x128x64xf32, #tpu.memory_space<vmem>>, vector<16xf32>,
        %parallel_loop3A_419 = arith.mulf %parallel_loop3A_373, %parallel_loop3A_412 : vector<16xf32>
        %parallel_loop3A_420 = arith.constant 0 : i32
        %parallel_loop3A_421 = arith.index_cast %parallel_loop3A_420 : i32 to index
        %parallel_loop3A_422 = arith.index_cast %parallel_loop3A_363 : i32 to index
        %parallel_loop3A_423 = arith.constant 16 : index
        %parallel_loop3A_424 = tpu.vector_load %arg7[%parallel_loop3A_421, %parallel_loop3A_422, %parallel_loop3A_423] {strides = array<i32>} : memref<2x128x64xf32, #tpu.memory_space<vmem>>, vector<16xf32>,
        tpu.vector_store %arg7[%parallel_loop3A_421, %parallel_loop3A_422, %parallel_loop3A_423], %parallel_loop3A_419 {strides = array<i32>} : memref<2x128x64xf32, #tpu.memory_space<vmem>>, vector<16xf32>,
        %parallel_loop3A_425 = arith.mulf %parallel_loop3A_378, %parallel_loop3A_412 : vector<16xf32>
        %parallel_loop3A_426 = arith.constant 0 : i32
        %parallel_loop3A_427 = arith.index_cast %parallel_loop3A_426 : i32 to index
        %parallel_loop3A_428 = arith.index_cast %parallel_loop3A_363 : i32 to index
        %parallel_loop3A_429 = arith.constant 32 : index
        %parallel_loop3A_430 = tpu.vector_load %arg7[%parallel_loop3A_427, %parallel_loop3A_428, %parallel_loop3A_429] {strides = array<i32>} : memref<2x128x64xf32, #tpu.memory_space<vmem>>, vector<16xf32>,
        tpu.vector_store %arg7[%parallel_loop3A_427, %parallel_loop3A_428, %parallel_loop3A_429], %parallel_loop3A_425 {strides = array<i32>} : memref<2x128x64xf32, #tpu.memory_space<vmem>>, vector<16xf32>,
        %parallel_loop3A_431 = arith.mulf %parallel_loop3A_383, %parallel_loop3A_412 : vector<16xf32>
        %parallel_loop3A_432 = arith.constant 0 : i32
        %parallel_loop3A_433 = arith.index_cast %parallel_loop3A_432 : i32 to index
        %parallel_loop3A_434 = arith.index_cast %parallel_loop3A_363 : i32 to index
        %parallel_loop3A_435 = arith.constant 48 : index
        %parallel_loop3A_436 = tpu.vector_load %arg7[%parallel_loop3A_433, %parallel_loop3A_434, %parallel_loop3A_435] {strides = array<i32>} : memref<2x128x64xf32, #tpu.memory_space<vmem>>, vector<16xf32>,
        tpu.vector_store %arg7[%parallel_loop3A_433, %parallel_loop3A_434, %parallel_loop3A_435], %parallel_loop3A_431 {strides = array<i32>} : memref<2x128x64xf32, #tpu.memory_space<vmem>>, vector<16xf32>,
      } {sc.loop_unroll_factor = 12 : i64, sc.parallel_access}
      %mul3A_289 = arith.constant 128 : i32
      %mul3A_290 = arith.muli %add3A_260, %mul3A_289 : i32
      %add3A_291 = arith.addi %mul3A_2, %mul3A_290 : i32
      %dma_start3A_292 = arith.constant 0 : i32
      %dma_start3A_293 = arith.constant 0 : i32
      %dma_start3A_294 = arith.constant 0 : i32
      %dma_start3A_295 = tpu.memref_slice %arg7[%dma_start3A_292, %dma_start3A_293, %dma_start3A_294] : memref<2x128x64xf32, #tpu.memory_space<vmem>> -> memref<1x128x64xf32, #tpu.memory_space<vmem>>
      %dma_start3A_296 = tpu.memref_squeeze %dma_start3A_295 : memref<1x128x64xf32, #tpu.memory_space<vmem>> -> memref<128x64xf32, #tpu.memory_space<vmem>>
      %dma_start3A_297 = arith.constant 0 : i32
      %dma_start3A_298 = tpu.memref_slice %arg4[%add3A_291, %dma_start3A_297] : memref<819200x64xf32, #tpu.memory_space<hbm>> -> memref<128x64xf32, #tpu.memory_space<hbm>>
      %dma_start3A_299 = arith.constant 0 : i32
      %dma_start3A_300 = tpu.memref_slice %arg4[%add3A_291, %dma_start3A_299] : memref<819200x64xf32, #tpu.memory_space<hbm>> -> memref<128x64xf32, #tpu.memory_space<hbm>>
      %dma_start3A_301 = arith.constant 0 : i32
      %dma_start3A_302 = arith.constant 0 : i32
      %dma_start3A_303 = tpu.memref_slice %arg7[%dma_start3A_292, %dma_start3A_301, %dma_start3A_302] : memref<2x128x64xf32, #tpu.memory_space<vmem>> -> memref<1x128x64xf32, #tpu.memory_space<vmem>>
      %dma_start3A_304 = tpu.memref_squeeze %dma_start3A_303 : memref<1x128x64xf32, #tpu.memory_space<vmem>> -> memref<128x64xf32, #tpu.memory_space<vmem>>
      tpu.enqueue_dma source(%dma_start3A_304 : memref<128x64xf32, #tpu.memory_space<vmem>>) target(%dma_start3A_300 : memref<128x64xf32, #tpu.memory_space<hbm>>) target_semaphore(%arg16 : memref<!tpu.dma_semaphore, #tpu.memory_space<semaphore_mem>>)
      %lt3A_305 = arith.constant 49 : i32
      %lt3A_306 = arith.cmpi slt, %scan3A_171, %lt3A_305 : i32
      %convert_element_type3A_307 = arith.extui %lt3A_306 : i1 to i32
      %cond3A_308 = arith.constant 0 : i32
      %cond3A_309 = arith.cmpi ne, %convert_element_type3A_307, %cond3A_308 : i32
      scf.if %cond3A_309 {
        %add3A_363 = arith.constant 4 : i32
        %add3A_364 = arith.addi %add3A_260, %add3A_363 : i32
        %mul3A_365 = arith.constant 128 : i32
        %mul3A_366 = arith.muli %add3A_364, %mul3A_365 : i32
        %add3A_367 = arith.addi %mul3A_2, %mul3A_366 : i32
        %dma_start3A_368 = arith.constant 2 : i32
        %dma_start3A_369 = arith.constant 0 : i32
        %dma_start3A_370 = tpu.memref_slice %arg5[%dma_start3A_368, %dma_start3A_369] : memref<4x128xi32, #tpu.memory_space<vmem>> -> memref<1x128xi32, #tpu.memory_space<vmem>>
        %dma_start3A_371 = tpu.memref_squeeze %dma_start3A_370 : memref<1x128xi32, #tpu.memory_space<vmem>> -> memref<128xi32, #tpu.memory_space<vmem>>
        %dma_start3A_372 = tpu.memref_slice %arg2[%add3A_367] : memref<819200xi32, #tpu.memory_space<hbm>> -> memref<128xi32, #tpu.memory_space<hbm>>
        %dma_start3A_373 = arith.constant 0 : i32
        %dma_start3A_374 = tpu.memref_slice %arg5[%dma_start3A_368, %dma_start3A_373] : memref<4x128xi32, #tpu.memory_space<vmem>> -> memref<1x128xi32, #tpu.memory_space<vmem>>
        %dma_start3A_375 = tpu.memref_squeeze %dma_start3A_374 : memref<1x128xi32, #tpu.memory_space<vmem>> -> memref<128xi32, #tpu.memory_space<vmem>>
        %dma_start3A_376 = tpu.memref_slice %arg2[%add3A_367] : memref<819200xi32, #tpu.memory_space<hbm>> -> memref<128xi32, #tpu.memory_space<hbm>>
        tpu.enqueue_dma source(%dma_start3A_376 : memref<128xi32, #tpu.memory_space<hbm>>) target(%dma_start3A_375 : memref<128xi32, #tpu.memory_space<vmem>>) target_semaphore(%arg10 : memref<!tpu.dma_semaphore, #tpu.memory_space<semaphore_mem>>)
        %dma_wait3A_377 = arith.constant 2 : i32
        %dma_wait3A_378 = arith.constant 0 : i32
        %dma_wait3A_379 = tpu.memref_slice %arg5[%dma_wait3A_377, %dma_wait3A_378] : memref<4x128xi32, #tpu.memory_space<vmem>> -> memref<1x128xi32, #tpu.memory_space<vmem>>
        %dma_wait3A_380 = tpu.memref_squeeze %dma_wait3A_379 : memref<1x128xi32, #tpu.memory_space<vmem>> -> memref<128xi32, #tpu.memory_space<vmem>>
        %dma_wait3A_381 = tpu.memref_slice %arg2[%mul3A_2] : memref<819200xi32, #tpu.memory_space<hbm>> -> memref<128xi32, #tpu.memory_space<hbm>>
        %dma_wait3A_382 = arith.constant 0 : i32
        %dma_wait3A_383 = tpu.memref_slice %arg5[%dma_wait3A_377, %dma_wait3A_382] : memref<4x128xi32, #tpu.memory_space<vmem>> -> memref<1x128xi32, #tpu.memory_space<vmem>>
        %dma_wait3A_384 = tpu.memref_squeeze %dma_wait3A_383 : memref<1x128xi32, #tpu.memory_space<vmem>> -> memref<128xi32, #tpu.memory_space<vmem>>
        %dma_wait3A_385 = tpu.memref_slice %arg2[%mul3A_2] : memref<819200xi32, #tpu.memory_space<hbm>> -> memref<128xi32, #tpu.memory_space<hbm>>
        tpu.wait_dma2 semaphore(%arg10 : memref<!tpu.dma_semaphore, #tpu.memory_space<semaphore_mem>>) src(%dma_wait3A_385 : memref<128xi32, #tpu.memory_space<hbm>>) dst(%dma_wait3A_384 : memref<128xi32, #tpu.memory_space<vmem>>)
        %dma_start3A_386 = arith.constant 2 : i32
        %dma_start3A_387 = arith.constant 2 : i32
        %dma_start3A_388 = arith.constant 0 : i32
        %dma_start3A_389 = arith.constant 0 : i32
        %dma_start3A_390 = tpu.memref_slice %arg6[%dma_start3A_387, %dma_start3A_388, %dma_start3A_389] : memref<4x128x64xf32, #tpu.memory_space<vmem>> -> memref<1x128x64xf32, #tpu.memory_space<vmem>>
        %dma_start3A_391 = tpu.memref_squeeze %dma_start3A_390 : memref<1x128x64xf32, #tpu.memory_space<vmem>> -> memref<128x64xf32, #tpu.memory_space<vmem>>
        %dma_start3A_392 = arith.constant 0 : i32
        %dma_start3A_393 = tpu.memref_slice %arg5[%dma_start3A_386, %dma_start3A_392] : memref<4x128xi32, #tpu.memory_space<vmem>> -> memref<1x128xi32, #tpu.memory_space<vmem>>
        %dma_start3A_394 = tpu.memref_squeeze %dma_start3A_393 : memref<1x128xi32, #tpu.memory_space<vmem>> -> memref<128xi32, #tpu.memory_space<vmem>>
        %dma_start3A_395 = arith.constant 0 : i32
        %dma_start3A_396 = arith.constant 0 : i32
        %dma_start3A_397 = tpu.memref_slice %arg3[%dma_start3A_395, %dma_start3A_396] : memref<1000000x64xf32, #tpu.memory_space<hbm>> -> memref<1000000x64xf32, #tpu.memory_space<hbm>>
        tpu.enqueue_indirect_dma source(%dma_start3A_397 : memref<1000000x64xf32, #tpu.memory_space<hbm>>) target(%dma_start3A_391 : memref<128x64xf32, #tpu.memory_space<vmem>>) offsets(%dma_start3A_394 : memref<128xi32, #tpu.memory_space<vmem>>) semaphore(%arg14 : memref<!tpu.dma_semaphore, #tpu.memory_space<semaphore_mem>>)
      } else {
      }
      %mul3A_310 = arith.constant 4 : i32
      %mul3A_311 = arith.muli %scan3A_171, %mul3A_310 : i32
      %add3A_312 = arith.constant 3 : i32
      %add3A_313 = arith.addi %mul3A_311, %add3A_312 : i32
      %dma_wait3A_314 = arith.constant 3 : i32
      %dma_wait3A_315 = arith.constant 3 : i32
      %dma_wait3A_316 = arith.constant 0 : i32
      %dma_wait3A_317 = arith.constant 0 : i32
      %dma_wait3A_318 = tpu.memref_slice %arg6[%dma_wait3A_315, %dma_wait3A_316, %dma_wait3A_317] : memref<4x128x64xf32, #tpu.memory_space<vmem>> -> memref<1x128x64xf32, #tpu.memory_space<vmem>>
      %dma_wait3A_319 = tpu.memref_squeeze %dma_wait3A_318 : memref<1x128x64xf32, #tpu.memory_space<vmem>> -> memref<128x64xf32, #tpu.memory_space<vmem>>
      %dma_wait3A_320 = arith.constant 0 : i32
      %dma_wait3A_321 = tpu.memref_slice %arg5[%dma_wait3A_314, %dma_wait3A_320] : memref<4x128xi32, #tpu.memory_space<vmem>> -> memref<1x128xi32, #tpu.memory_space<vmem>>
      %dma_wait3A_322 = tpu.memref_squeeze %dma_wait3A_321 : memref<1x128xi32, #tpu.memory_space<vmem>> -> memref<128xi32, #tpu.memory_space<vmem>>
      %dma_wait3A_323 = arith.constant 0 : i32
      %dma_wait3A_324 = arith.constant 0 : i32
      %dma_wait3A_325 = tpu.memref_slice %arg3[%dma_wait3A_323, %dma_wait3A_324] : memref<1000000x64xf32, #tpu.memory_space<hbm>> -> memref<1000000x64xf32, #tpu.memory_space<hbm>>
      tpu.wait_indirect_dma semaphore(%arg15 : memref<!tpu.dma_semaphore, #tpu.memory_space<semaphore_mem>>) src(%dma_wait3A_325 : memref<1000000x64xf32, #tpu.memory_space<hbm>>) dst(%dma_wait3A_319 : memref<128x64xf32, #tpu.memory_space<vmem>>)
      %dma_wait3A_326 = arith.constant 1 : i32
      %dma_wait3A_327 = arith.constant 0 : i32
      %dma_wait3A_328 = arith.constant 0 : i32
      %dma_wait3A_329 = tpu.memref_slice %arg7[%dma_wait3A_326, %dma_wait3A_327, %dma_wait3A_328] : memref<2x128x64xf32, #tpu.memory_space<vmem>> -> memref<1x128x64xf32, #tpu.memory_space<vmem>>
      %dma_wait3A_330 = tpu.memref_squeeze %dma_wait3A_329 : memref<1x128x64xf32, #tpu.memory_space<vmem>> -> memref<128x64xf32, #tpu.memory_space<vmem>>
      %dma_wait3A_331 = arith.constant 0 : i32
      %dma_wait3A_332 = tpu.memref_slice %arg4[%mul3A_2, %dma_wait3A_331] : memref<819200x64xf32, #tpu.memory_space<hbm>> -> memref<128x64xf32, #tpu.memory_space<hbm>>
      %dma_wait3A_333 = arith.constant 0 : i32
      %dma_wait3A_334 = tpu.memref_slice %arg4[%mul3A_2, %dma_wait3A_333] : memref<819200x64xf32, #tpu.memory_space<hbm>> -> memref<128x64xf32, #tpu.memory_space<hbm>>
      %dma_wait3A_335 = arith.constant 0 : i32
      %dma_wait3A_336 = arith.constant 0 : i32
      %dma_wait3A_337 = tpu.memref_slice %arg7[%dma_wait3A_326, %dma_wait3A_335, %dma_wait3A_336] : memref<2x128x64xf32, #tpu.memory_space<vmem>> -> memref<1x128x64xf32, #tpu.memory_space<vmem>>
      %dma_wait3A_338 = tpu.memref_squeeze %dma_wait3A_337 : memref<1x128x64xf32, #tpu.memory_space<vmem>> -> memref<128x64xf32, #tpu.memory_space<vmem>>
      tpu.wait_dma2 semaphore(%arg17 : memref<!tpu.dma_semaphore, #tpu.memory_space<semaphore_mem>>) src(%dma_wait3A_338 : memref<128x64xf32, #tpu.memory_space<vmem>>) dst(%dma_wait3A_334 : memref<128x64xf32, #tpu.memory_space<hbm>>)
      %parallel_loop3A_339 = arith.constant 0 : i32
      %parallel_loop3A_340 = arith.constant 128 : i32
      %parallel_loop3A_341 = arith.constant 1 : i32
      scf.for %parallel_loop3A_363 = %parallel_loop3A_339 to %parallel_loop3A_340 step %parallel_loop3A_341  : i32 {
        %parallel_loop3A_364 = arith.constant 3 : i32
        %parallel_loop3A_365 = arith.index_cast %parallel_loop3A_364 : i32 to index
        %parallel_loop3A_366 = arith.index_cast %parallel_loop3A_363 : i32 to index
        %parallel_loop3A_367 = arith.constant 0 : index
        %parallel_loop3A_368 = tpu.vector_load %arg6[%parallel_loop3A_365, %parallel_loop3A_366, %parallel_loop3A_367] {strides = array<i32>} : memref<4x128x64xf32, #tpu.memory_space<vmem>>, vector<16xf32>,
        %parallel_loop3A_369 = arith.constant 3 : i32
        %parallel_loop3A_370 = arith.index_cast %parallel_loop3A_369 : i32 to index
        %parallel_loop3A_371 = arith.index_cast %parallel_loop3A_363 : i32 to index
        %parallel_loop3A_372 = arith.constant 16 : index
        %parallel_loop3A_373 = tpu.vector_load %arg6[%parallel_loop3A_370, %parallel_loop3A_371, %parallel_loop3A_372] {strides = array<i32>} : memref<4x128x64xf32, #tpu.memory_space<vmem>>, vector<16xf32>,
        %parallel_loop3A_374 = arith.constant 3 : i32
        %parallel_loop3A_375 = arith.index_cast %parallel_loop3A_374 : i32 to index
        %parallel_loop3A_376 = arith.index_cast %parallel_loop3A_363 : i32 to index
        %parallel_loop3A_377 = arith.constant 32 : index
        %parallel_loop3A_378 = tpu.vector_load %arg6[%parallel_loop3A_375, %parallel_loop3A_376, %parallel_loop3A_377] {strides = array<i32>} : memref<4x128x64xf32, #tpu.memory_space<vmem>>, vector<16xf32>,
        %parallel_loop3A_379 = arith.constant 3 : i32
        %parallel_loop3A_380 = arith.index_cast %parallel_loop3A_379 : i32 to index
        %parallel_loop3A_381 = arith.index_cast %parallel_loop3A_363 : i32 to index
        %parallel_loop3A_382 = arith.constant 48 : index
        %parallel_loop3A_383 = tpu.vector_load %arg6[%parallel_loop3A_380, %parallel_loop3A_381, %parallel_loop3A_382] {strides = array<i32>} : memref<4x128x64xf32, #tpu.memory_space<vmem>>, vector<16xf32>,
        %parallel_loop3A_384 = arith.mulf %parallel_loop3A_368, %parallel_loop3A_368 : vector<16xf32>
        %parallel_loop3A_385 = arith.mulf %parallel_loop3A_373, %parallel_loop3A_373 : vector<16xf32>
        %parallel_loop3A_386 = arith.addf %parallel_loop3A_384, %parallel_loop3A_385 : vector<16xf32>
        %parallel_loop3A_387 = arith.mulf %parallel_loop3A_378, %parallel_loop3A_378 : vector<16xf32>
        %parallel_loop3A_388 = arith.addf %parallel_loop3A_386, %parallel_loop3A_387 : vector<16xf32>
        %parallel_loop3A_389 = arith.mulf %parallel_loop3A_383, %parallel_loop3A_383 : vector<16xf32>
        %parallel_loop3A_390 = arith.addf %parallel_loop3A_388, %parallel_loop3A_389 : vector<16xf32>
        %parallel_loop3A_391 = arith.constant true
        %parallel_loop3A_392 = vector.broadcast %parallel_loop3A_391 : i1 to vector<16xi1>
        %parallel_loop3A_393 = tpu.scan <sum>, %parallel_loop3A_390 masked %parallel_loop3A_392 : vector<16xf32>, vector<16xi1> -> vector<16xf32>
        %parallel_loop3A_394 = vector.extract %parallel_loop3A_393[15] : f32 from vector<16xf32>
        %parallel_loop3A_395 = vector.broadcast %parallel_loop3A_394 : f32 to vector<16xf32>
        %parallel_loop3A_396 = tpu.bitcast %parallel_loop3A_395 : vector<16xf32> -> vector<16xi32>
        %parallel_loop3A_397 = arith.constant 1 : i32
        %parallel_loop3A_398 = vector.broadcast %parallel_loop3A_397 : i32 to vector<16xi32>
        %parallel_loop3A_399 = arith.shrui %parallel_loop3A_396, %parallel_loop3A_398 : vector<16xi32>
        %parallel_loop3A_400 = arith.constant 1597463007 : i32
        %parallel_loop3A_401 = vector.broadcast %parallel_loop3A_400 : i32 to vector<16xi32>
        %parallel_loop3A_402 = arith.subi %parallel_loop3A_401, %parallel_loop3A_399 : vector<16xi32>
        %parallel_loop3A_403 = tpu.bitcast %parallel_loop3A_402 : vector<16xi32> -> vector<16xf32>
        %parallel_loop3A_404 = arith.constant 5.000000e-01 : f32
        %parallel_loop3A_405 = vector.broadcast %parallel_loop3A_404 : f32 to vector<16xf32>
        %parallel_loop3A_406 = arith.mulf %parallel_loop3A_405, %parallel_loop3A_395 : vector<16xf32>
        %parallel_loop3A_407 = arith.mulf %parallel_loop3A_406, %parallel_loop3A_403 : vector<16xf32>
        %parallel_loop3A_408 = arith.mulf %parallel_loop3A_407, %parallel_loop3A_403 : vector<16xf32>
        %parallel_loop3A_409 = arith.constant 1.500000e+00 : f32
        %parallel_loop3A_410 = vector.broadcast %parallel_loop3A_409 : f32 to vector<16xf32>
        %parallel_loop3A_411 = arith.subf %parallel_loop3A_410, %parallel_loop3A_408 : vector<16xf32>
        %parallel_loop3A_412 = arith.mulf %parallel_loop3A_403, %parallel_loop3A_411 : vector<16xf32>
        %parallel_loop3A_413 = arith.mulf %parallel_loop3A_368, %parallel_loop3A_412 : vector<16xf32>
        %parallel_loop3A_414 = arith.constant 1 : i32
        %parallel_loop3A_415 = arith.index_cast %parallel_loop3A_414 : i32 to index
        %parallel_loop3A_416 = arith.index_cast %parallel_loop3A_363 : i32 to index
        %parallel_loop3A_417 = arith.constant 0 : index
        %parallel_loop3A_418 = tpu.vector_load %arg7[%parallel_loop3A_415, %parallel_loop3A_416, %parallel_loop3A_417] {strides = array<i32>} : memref<2x128x64xf32, #tpu.memory_space<vmem>>, vector<16xf32>,
        tpu.vector_store %arg7[%parallel_loop3A_415, %parallel_loop3A_416, %parallel_loop3A_417], %parallel_loop3A_413 {strides = array<i32>} : memref<2x128x64xf32, #tpu.memory_space<vmem>>, vector<16xf32>,
        %parallel_loop3A_419 = arith.mulf %parallel_loop3A_373, %parallel_loop3A_412 : vector<16xf32>
        %parallel_loop3A_420 = arith.constant 1 : i32
        %parallel_loop3A_421 = arith.index_cast %parallel_loop3A_420 : i32 to index
        %parallel_loop3A_422 = arith.index_cast %parallel_loop3A_363 : i32 to index
        %parallel_loop3A_423 = arith.constant 16 : index
        %parallel_loop3A_424 = tpu.vector_load %arg7[%parallel_loop3A_421, %parallel_loop3A_422, %parallel_loop3A_423] {strides = array<i32>} : memref<2x128x64xf32, #tpu.memory_space<vmem>>, vector<16xf32>,
        tpu.vector_store %arg7[%parallel_loop3A_421, %parallel_loop3A_422, %parallel_loop3A_423], %parallel_loop3A_419 {strides = array<i32>} : memref<2x128x64xf32, #tpu.memory_space<vmem>>, vector<16xf32>,
        %parallel_loop3A_425 = arith.mulf %parallel_loop3A_378, %parallel_loop3A_412 : vector<16xf32>
        %parallel_loop3A_426 = arith.constant 1 : i32
        %parallel_loop3A_427 = arith.index_cast %parallel_loop3A_426 : i32 to index
        %parallel_loop3A_428 = arith.index_cast %parallel_loop3A_363 : i32 to index
        %parallel_loop3A_429 = arith.constant 32 : index
        %parallel_loop3A_430 = tpu.vector_load %arg7[%parallel_loop3A_427, %parallel_loop3A_428, %parallel_loop3A_429] {strides = array<i32>} : memref<2x128x64xf32, #tpu.memory_space<vmem>>, vector<16xf32>,
        tpu.vector_store %arg7[%parallel_loop3A_427, %parallel_loop3A_428, %parallel_loop3A_429], %parallel_loop3A_425 {strides = array<i32>} : memref<2x128x64xf32, #tpu.memory_space<vmem>>, vector<16xf32>,
        %parallel_loop3A_431 = arith.mulf %parallel_loop3A_383, %parallel_loop3A_412 : vector<16xf32>
        %parallel_loop3A_432 = arith.constant 1 : i32
        %parallel_loop3A_433 = arith.index_cast %parallel_loop3A_432 : i32 to index
        %parallel_loop3A_434 = arith.index_cast %parallel_loop3A_363 : i32 to index
        %parallel_loop3A_435 = arith.constant 48 : index
        %parallel_loop3A_436 = tpu.vector_load %arg7[%parallel_loop3A_433, %parallel_loop3A_434, %parallel_loop3A_435] {strides = array<i32>} : memref<2x128x64xf32, #tpu.memory_space<vmem>>, vector<16xf32>,
        tpu.vector_store %arg7[%parallel_loop3A_433, %parallel_loop3A_434, %parallel_loop3A_435], %parallel_loop3A_431 {strides = array<i32>} : memref<2x128x64xf32, #tpu.memory_space<vmem>>, vector<16xf32>,
      } {sc.loop_unroll_factor = 12 : i64, sc.parallel_access}
      %mul3A_342 = arith.constant 128 : i32
      %mul3A_343 = arith.muli %add3A_313, %mul3A_342 : i32
      %add3A_344 = arith.addi %mul3A_2, %mul3A_343 : i32
      %dma_start3A_345 = arith.constant 1 : i32
      %dma_start3A_346 = arith.constant 0 : i32
      %dma_start3A_347 = arith.constant 0 : i32
      %dma_start3A_348 = tpu.memref_slice %arg7[%dma_start3A_345, %dma_start3A_346, %dma_start3A_347] : memref<2x128x64xf32, #tpu.memory_space<vmem>> -> memref<1x128x64xf32, #tpu.memory_space<vmem>>
      %dma_start3A_349 = tpu.memref_squeeze %dma_start3A_348 : memref<1x128x64xf32, #tpu.memory_space<vmem>> -> memref<128x64xf32, #tpu.memory_space<vmem>>
      %dma_start3A_350 = arith.constant 0 : i32
      %dma_start3A_351 = tpu.memref_slice %arg4[%add3A_344, %dma_start3A_350] : memref<819200x64xf32, #tpu.memory_space<hbm>> -> memref<128x64xf32, #tpu.memory_space<hbm>>
      %dma_start3A_352 = arith.constant 0 : i32
      %dma_start3A_353 = tpu.memref_slice %arg4[%add3A_344, %dma_start3A_352] : memref<819200x64xf32, #tpu.memory_space<hbm>> -> memref<128x64xf32, #tpu.memory_space<hbm>>
      %dma_start3A_354 = arith.constant 0 : i32
      %dma_start3A_355 = arith.constant 0 : i32
      %dma_start3A_356 = tpu.memref_slice %arg7[%dma_start3A_345, %dma_start3A_354, %dma_start3A_355] : memref<2x128x64xf32, #tpu.memory_space<vmem>> -> memref<1x128x64xf32, #tpu.memory_space<vmem>>
      %dma_start3A_357 = tpu.memref_squeeze %dma_start3A_356 : memref<1x128x64xf32, #tpu.memory_space<vmem>> -> memref<128x64xf32, #tpu.memory_space<vmem>>
      tpu.enqueue_dma source(%dma_start3A_357 : memref<128x64xf32, #tpu.memory_space<vmem>>) target(%dma_start3A_353 : memref<128x64xf32, #tpu.memory_space<hbm>>) target_semaphore(%arg17 : memref<!tpu.dma_semaphore, #tpu.memory_space<semaphore_mem>>)
      %lt3A_358 = arith.constant 49 : i32
      %lt3A_359 = arith.cmpi slt, %scan3A_171, %lt3A_358 : i32
      %convert_element_type3A_360 = arith.extui %lt3A_359 : i1 to i32
      %cond3A_361 = arith.constant 0 : i32
      %cond3A_362 = arith.cmpi ne, %convert_element_type3A_360, %cond3A_361 : i32
      scf.if %cond3A_362 {
        %add3A_363 = arith.constant 4 : i32
        %add3A_364 = arith.addi %add3A_313, %add3A_363 : i32
        %mul3A_365 = arith.constant 128 : i32
        %mul3A_366 = arith.muli %add3A_364, %mul3A_365 : i32
        %add3A_367 = arith.addi %mul3A_2, %mul3A_366 : i32
        %dma_start3A_368 = arith.constant 3 : i32
        %dma_start3A_369 = arith.constant 0 : i32
        %dma_start3A_370 = tpu.memref_slice %arg5[%dma_start3A_368, %dma_start3A_369] : memref<4x128xi32, #tpu.memory_space<vmem>> -> memref<1x128xi32, #tpu.memory_space<vmem>>
        %dma_start3A_371 = tpu.memref_squeeze %dma_start3A_370 : memref<1x128xi32, #tpu.memory_space<vmem>> -> memref<128xi32, #tpu.memory_space<vmem>>
        %dma_start3A_372 = tpu.memref_slice %arg2[%add3A_367] : memref<819200xi32, #tpu.memory_space<hbm>> -> memref<128xi32, #tpu.memory_space<hbm>>
        %dma_start3A_373 = arith.constant 0 : i32
        %dma_start3A_374 = tpu.memref_slice %arg5[%dma_start3A_368, %dma_start3A_373] : memref<4x128xi32, #tpu.memory_space<vmem>> -> memref<1x128xi32, #tpu.memory_space<vmem>>
        %dma_start3A_375 = tpu.memref_squeeze %dma_start3A_374 : memref<1x128xi32, #tpu.memory_space<vmem>> -> memref<128xi32, #tpu.memory_space<vmem>>
        %dma_start3A_376 = tpu.memref_slice %arg2[%add3A_367] : memref<819200xi32, #tpu.memory_space<hbm>> -> memref<128xi32, #tpu.memory_space<hbm>>
        tpu.enqueue_dma source(%dma_start3A_376 : memref<128xi32, #tpu.memory_space<hbm>>) target(%dma_start3A_375 : memref<128xi32, #tpu.memory_space<vmem>>) target_semaphore(%arg11 : memref<!tpu.dma_semaphore, #tpu.memory_space<semaphore_mem>>)
        %dma_wait3A_377 = arith.constant 3 : i32
        %dma_wait3A_378 = arith.constant 0 : i32
        %dma_wait3A_379 = tpu.memref_slice %arg5[%dma_wait3A_377, %dma_wait3A_378] : memref<4x128xi32, #tpu.memory_space<vmem>> -> memref<1x128xi32, #tpu.memory_space<vmem>>
        %dma_wait3A_380 = tpu.memref_squeeze %dma_wait3A_379 : memref<1x128xi32, #tpu.memory_space<vmem>> -> memref<128xi32, #tpu.memory_space<vmem>>
        %dma_wait3A_381 = tpu.memref_slice %arg2[%mul3A_2] : memref<819200xi32, #tpu.memory_space<hbm>> -> memref<128xi32, #tpu.memory_space<hbm>>
        %dma_wait3A_382 = arith.constant 0 : i32
        %dma_wait3A_383 = tpu.memref_slice %arg5[%dma_wait3A_377, %dma_wait3A_382] : memref<4x128xi32, #tpu.memory_space<vmem>> -> memref<1x128xi32, #tpu.memory_space<vmem>>
        %dma_wait3A_384 = tpu.memref_squeeze %dma_wait3A_383 : memref<1x128xi32, #tpu.memory_space<vmem>> -> memref<128xi32, #tpu.memory_space<vmem>>
        %dma_wait3A_385 = tpu.memref_slice %arg2[%mul3A_2] : memref<819200xi32, #tpu.memory_space<hbm>> -> memref<128xi32, #tpu.memory_space<hbm>>
        tpu.wait_dma2 semaphore(%arg11 : memref<!tpu.dma_semaphore, #tpu.memory_space<semaphore_mem>>) src(%dma_wait3A_385 : memref<128xi32, #tpu.memory_space<hbm>>) dst(%dma_wait3A_384 : memref<128xi32, #tpu.memory_space<vmem>>)
        %dma_start3A_386 = arith.constant 3 : i32
        %dma_start3A_387 = arith.constant 3 : i32
        %dma_start3A_388 = arith.constant 0 : i32
        %dma_start3A_389 = arith.constant 0 : i32
        %dma_start3A_390 = tpu.memref_slice %arg6[%dma_start3A_387, %dma_start3A_388, %dma_start3A_389] : memref<4x128x64xf32, #tpu.memory_space<vmem>> -> memref<1x128x64xf32, #tpu.memory_space<vmem>>
        %dma_start3A_391 = tpu.memref_squeeze %dma_start3A_390 : memref<1x128x64xf32, #tpu.memory_space<vmem>> -> memref<128x64xf32, #tpu.memory_space<vmem>>
        %dma_start3A_392 = arith.constant 0 : i32
        %dma_start3A_393 = tpu.memref_slice %arg5[%dma_start3A_386, %dma_start3A_392] : memref<4x128xi32, #tpu.memory_space<vmem>> -> memref<1x128xi32, #tpu.memory_space<vmem>>
        %dma_start3A_394 = tpu.memref_squeeze %dma_start3A_393 : memref<1x128xi32, #tpu.memory_space<vmem>> -> memref<128xi32, #tpu.memory_space<vmem>>
        %dma_start3A_395 = arith.constant 0 : i32
        %dma_start3A_396 = arith.constant 0 : i32
        %dma_start3A_397 = tpu.memref_slice %arg3[%dma_start3A_395, %dma_start3A_396] : memref<1000000x64xf32, #tpu.memory_space<hbm>> -> memref<1000000x64xf32, #tpu.memory_space<hbm>>
        tpu.enqueue_indirect_dma source(%dma_start3A_397 : memref<1000000x64xf32, #tpu.memory_space<hbm>>) target(%dma_start3A_391 : memref<128x64xf32, #tpu.memory_space<vmem>>) offsets(%dma_start3A_394 : memref<128xi32, #tpu.memory_space<vmem>>) semaphore(%arg15 : memref<!tpu.dma_semaphore, #tpu.memory_space<semaphore_mem>>)
      } else {
      }
    }
    %scan3A_144 = arith.constant 50 : i32
    %dma_wait3A_145 = arith.constant 0 : i32
    %dma_wait3A_146 = arith.constant 0 : i32
    %dma_wait3A_147 = arith.constant 0 : i32
    %dma_wait3A_148 = tpu.memref_slice %arg7[%dma_wait3A_145, %dma_wait3A_146, %dma_wait3A_147] : memref<2x128x64xf32, #tpu.memory_space<vmem>> -> memref<1x128x64xf32, #tpu.memory_space<vmem>>
    %dma_wait3A_149 = tpu.memref_squeeze %dma_wait3A_148 : memref<1x128x64xf32, #tpu.memory_space<vmem>> -> memref<128x64xf32, #tpu.memory_space<vmem>>
    %dma_wait3A_150 = arith.constant 0 : i32
    %dma_wait3A_151 = tpu.memref_slice %arg4[%mul3A_2, %dma_wait3A_150] : memref<819200x64xf32, #tpu.memory_space<hbm>> -> memref<128x64xf32, #tpu.memory_space<hbm>>
    %dma_wait3A_152 = arith.constant 0 : i32
    %dma_wait3A_153 = tpu.memref_slice %arg4[%mul3A_2, %dma_wait3A_152] : memref<819200x64xf32, #tpu.memory_space<hbm>> -> memref<128x64xf32, #tpu.memory_space<hbm>>
    %dma_wait3A_154 = arith.constant 0 : i32
    %dma_wait3A_155 = arith.constant 0 : i32
    %dma_wait3A_156 = tpu.memref_slice %arg7[%dma_wait3A_145, %dma_wait3A_154, %dma_wait3A_155] : memref<2x128x64xf32, #tpu.memory_space<vmem>> -> memref<1x128x64xf32, #tpu.memory_space<vmem>>
    %dma_wait3A_157 = tpu.memref_squeeze %dma_wait3A_156 : memref<1x128x64xf32, #tpu.memory_space<vmem>> -> memref<128x64xf32, #tpu.memory_space<vmem>>
    tpu.wait_dma2 semaphore(%arg16 : memref<!tpu.dma_semaphore, #tpu.memory_space<semaphore_mem>>) src(%dma_wait3A_157 : memref<128x64xf32, #tpu.memory_space<vmem>>) dst(%dma_wait3A_153 : memref<128x64xf32, #tpu.memory_space<hbm>>)
    %dma_wait3A_158 = arith.constant 1 : i32
    %dma_wait3A_159 = arith.constant 0 : i32
    %dma_wait3A_160 = arith.constant 0 : i32
    %dma_wait3A_161 = tpu.memref_slice %arg7[%dma_wait3A_158, %dma_wait3A_159, %dma_wait3A_160] : memref<2x128x64xf32, #tpu.memory_space<vmem>> -> memref<1x128x64xf32, #tpu.memory_space<vmem>>
    %dma_wait3A_162 = tpu.memref_squeeze %dma_wait3A_161 : memref<1x128x64xf32, #tpu.memory_space<vmem>> -> memref<128x64xf32, #tpu.memory_space<vmem>>
    %dma_wait3A_163 = arith.constant 0 : i32
    %dma_wait3A_164 = tpu.memref_slice %arg4[%mul3A_2, %dma_wait3A_163] : memref<819200x64xf32, #tpu.memory_space<hbm>> -> memref<128x64xf32, #tpu.memory_space<hbm>>
    %dma_wait3A_165 = arith.constant 0 : i32
    %dma_wait3A_166 = tpu.memref_slice %arg4[%mul3A_2, %dma_wait3A_165] : memref<819200x64xf32, #tpu.memory_space<hbm>> -> memref<128x64xf32, #tpu.memory_space<hbm>>
    %dma_wait3A_167 = arith.constant 0 : i32
    %dma_wait3A_168 = arith.constant 0 : i32
    %dma_wait3A_169 = tpu.memref_slice %arg7[%dma_wait3A_158, %dma_wait3A_167, %dma_wait3A_168] : memref<2x128x64xf32, #tpu.memory_space<vmem>> -> memref<1x128x64xf32, #tpu.memory_space<vmem>>
    %dma_wait3A_170 = tpu.memref_squeeze %dma_wait3A_169 : memref<1x128x64xf32, #tpu.memory_space<vmem>> -> memref<128x64xf32, #tpu.memory_space<vmem>>
    tpu.wait_dma2 semaphore(%arg17 : memref<!tpu.dma_semaphore, #tpu.memory_space<semaphore_mem>>) src(%dma_wait3A_170 : memref<128x64xf32, #tpu.memory_space<vmem>>) dst(%dma_wait3A_166 : memref<128x64xf32, #tpu.memory_space<hbm>>)
    return
  }
}

</mosaic_0001>

<sc_bundles>
// kernel: kernel.3.cloned.1.call-start
scs
__scs_entry_jumppad:
0x0: {  	(pc) =	sbr.rel $0x88, $3  }
0x1: {  	(tag) =	ssettag $0x0;
	lr =	simm.s32 $0x1  }
0x2: {  	[smem:$0x3F9F] =	sst lr;
	_ =	strace $0xD0000000  }
0x3: {  	_ = 	snop  }
0x4: {  	_ = 	snop  }
0x5: {  	_ = 	snop  }
0x6: {  	_ = 	snop  }
0x7: {  	_ = 	snop  }
__scs_overlays_trampoline_lowered:
0x8: {  	[smem:$0x3FAE] =	sst s0  }
0x9: {  	[smem:$0x3FAF] =	sst s1  }
0xa: {  	[smem:$0x3FB0] =	sst s2  }
0xb: {  	[smem:$0x3FB1] =	sst s3  }
0xc: {  	[smem:$0x3FB2] =	sst s4  }
0xd: {  	[smem:$0x3FB3] =	sst s5  }
0xe: {  	[smem:$0x3FB4] =	sst s6  }
0xf: {  	[smem:$0x3FB5] =	sst s7  }
0x10: {  	[smem:$0x3FB6] =	sst s8  }
0x11: {  	[smem:$0x3FB7] =	sst s9;
	s0 =	simm.s32 @!p0 $0x0  }
0x12: {  	s1 =	sld [smem:$0x3F9D];
	s0 =	simm.s32 @p0 $0x1  }
0x13: {  	[smem:$0x3FB8] =	sst s0;
	s0 =	simm.s32 @!p1 $0x0  }
0x14: {  	s2 =	sld [smem:$0x3F9C];
	s0 =	simm.s32 @p1 $0x1  }
0x15: {  	[smem:$0x3FB9] =	sst s0;
	s0 =	simm.s32 @!p2 $0x0  }
0x16: {  	s3 =	sld [smem:$0x3FDB];
	s0 =	simm.s32 @p2 $0x1  }
0x17: {  	s4 =	simm.s32 $0x1BF5;
	[smem:$0x3FBB] =	sst s0  }
0x18: {  	s0 =	sld [smem:$0x3F9E];
	_ =	swait.ge [sflag:s4], $0x0  }
0x19: {  	s7 =	sld [smem:$0x3F9F]  }
0x1a: {  	s8 =	sadd.s32 $0xFFFFE003, lr  }
0x1b: {  	s9 =	sadd.s32 $0xFFFFFEF7, lr;
	s5 =	simm.s32 $0xFFFFFFFF;
	p2 =	slt.u32 s8, $0xFFFFF086  }
0x1c: {  	p1 =	slt.u32 s9, $0xF7A;
	s5 =	simm.s32 @!p2 $0x0  }
0x1d: {  	s5 =	simm.s32 @p1 $0x1;
	p0 =	seq.s32 s7, s2  }
0x1e: {  	s7 =	smul.u32 @!p0 $0xF7A, s2;
	p2 =	seq.s32 @!p0 s5, $0x0  }
0x1f: {  	s9 =	smul.u32 $0xF7A, s1;
	s8 =	simm.s32 @!p0 $0x1BF5;
	p2 =	por !p2, p0  }
0x20: {  	[sflag:s8] =	ssyncset.s32 @!p0 $0xFFFFF086;
	s6 =	sadd.s32 @!p0 s3, s7;
	s7 =	simm.s32 @!p0 $0x108  }
0x21: {  	s3 =	sadd.s32 s3, s9;
	s6 =	sadd.s32 @!p0 $0x88, s6;
	s7 =	simm.s32 @p2 $0x1082  }
0x22: {  	[simem:s7], [sflag:s8] =	dma.local @!p0 [hbm:s6], $0xF7A  }
0x23: {  	s9 =	sor.u32 $0xD0000000, s2;
	s6 =	simm.s32 $0x108;
	_ =	swait.ge @!p0 [sflag:s8], $0x0  }
0x24: {  	s3 =	sadd.s32 $0x88, s3;
	s6 =	simm.s32 @!p1 $0x1082;
	[sflag:s4] =	ssyncset.s32 $0xFFFFF086  }
0x25: {  	[simem:s6], [sflag:s4] =	dma.local [hbm:s3], $0xF7A  }
0x26: {  	[smem:$0x3F9F] =	sst s1;
	(tag) =	ssettag s2;
	_ =	strace s9  }
0x27: {  	s1 =	sld [smem:$0x3FAF]  }
0x28: {  	s2 =	sld [smem:$0x3FB0]  }
0x29: {  	s4 =	sld [smem:$0x3FB2]  }
0x2a: {  	p0 =	seq.s32 s5, $0x0;
	s5 =	sld [smem:$0x3FB3]  }
0x2b: {  	s6 =	sld [smem:$0x3FB4]  }
0x2c: {  	s7 =	sld [smem:$0x3FB5]  }
0x2d: {  	s3 =	simm.s32 $0x108;
	s8 =	sld [smem:$0x3FB6]  }
0x2e: {  	s3 =	simm.s32 @!p0 $0x1082;
	s9 =	sld [smem:$0x3FB7]  }
0x2f: {  	lr =	sadd.s32 s0, s3;
	s0 =	sld [smem:$0x3FAE]  }
0x30: {  	s3 =	sld [smem:$0x3FB1]  }
0x31: {  	[smem:$0x3FBA] =	sst s10  }
0x32: {  	s10 =	sld [smem:$0x3FB8];
	_ =	sdelay $0x3  }
0x33: {  	p0 =	seq.s32 s10, $0x1;
	s10 =	sld [smem:$0x3FBA];
	_ =	sdelay $0x3  }
0x34: {  	[smem:$0x3FBA] =	sst s10  }
0x35: {  	s10 =	sld [smem:$0x3FB9];
	_ =	sdelay $0x3  }
0x36: {  	p1 =	seq.s32 s10, $0x1;
	s10 =	sld [smem:$0x3FBA];
	_ =	sdelay $0x3  }
0x37: {  	[smem:$0x3FBA] =	sst s10  }
0x38: {  	s10 =	sld [smem:$0x3FBB]  }
0x39: {  	_ = 	snop;
	(pc) =	sbr.ind lr, $3  }
0x3a: {  	_ = 	snop  }
0x3b: {  	_ = 	snop  }
0x3c: {  	p2 =	seq.s32 s10, $0x1;
	s10 =	sld [smem:$0x3FBA]  }
0x3d: {  	_ =	shalt  }
0x3e: {  	_ =	shalt  }
0x3f: {  	_ =	shalt  }
0x40: {  	_ =	shalt  }
0x41: {  	_ =	shalt  }
0x42: {  	_ =	shalt  }
0x43: {  	_ =	shalt  }
0x44: {  	_ =	shalt  }
0x45: {  	_ =	shalt  }
0x46: {  	_ =	shalt  }
0x47: {  	_ =	shalt  }
0x48: {  	_ =	shalt  }
0x49: {  	_ =	shalt  }
0x4a: {  	_ =	shalt  }
0x4b: {  	_ =	shalt  }
0x4c: {  	_ =	shalt  }
0x4d: {  	_ =	shalt  }
0x4e: {  	_ =	shalt  }
0x4f: {  	_ =	shalt  }
0x50: {  	_ =	shalt  }
0x51: {  	_ =	shalt  }
0x52: {  	_ =	shalt  }
0x53: {  	_ =	shalt  }
0x54: {  	_ =	shalt  }
0x55: {  	_ =	shalt  }
0x56: {  	_ =	shalt  }
0x57: {  	_ =	shalt  }
0x58: {  	_ =	shalt  }
0x59: {  	_ =	shalt  }
0x5a: {  	_ =	shalt  }
0x5b: {  	_ =	shalt  }
0x5c: {  	_ =	shalt  }
0x5d: {  	_ =	shalt  }
0x5e: {  	_ =	shalt  }
0x5f: {  	_ =	shalt  }
0x60: {  	_ =	shalt  }
0x61: {  	_ =	shalt  }
0x62: {  	_ =	shalt  }
0x63: {  	_ =	shalt  }
0x64: {  	_ =	shalt  }
0x65: {  	_ =	shalt  }
0x66: {  	_ =	shalt  }
0x67: {  	_ =	shalt  }
0x68: {  	_ =	shalt  }
0x69: {  	_ =	shalt  }
0x6a: {  	_ =	shalt  }
0x6b: {  	_ =	shalt  }
0x6c: {  	_ =	shalt  }
0x6d: {  	_ =	shalt  }
0x6e: {  	_ =	shalt  }
0x6f: {  	_ =	shalt  }
0x70: {  	_ =	shalt  }
0x71: {  	_ =	shalt  }
0x72: {  	_ =	shalt  }
0x73: {  	_ =	shalt  }
0x74: {  	_ =	shalt  }
0x75: {  	_ =	shalt  }
0x76: {  	_ =	shalt  }
0x77: {  	_ =	shalt  }
0x78: {  	_ =	shalt  }
0x79: {  	_ =	shalt  }
0x7a: {  	_ =	shalt  }
0x7b: {  	_ =	shalt  }
0x7c: {  	_ =	shalt  }
0x7d: {  	_ =	shalt  }
0x7e: {  	_ =	shalt  }
0x7f: {  	_ =	shalt  }
0x80: {  	_ =	shalt  }
0x81: {  	_ =	shalt  }
0x82: {  	_ =	shalt  }
0x83: {  	_ =	shalt  }
0x84: {  	_ =	shalt  }
0x85: {  	_ =	shalt  }
0x86: {  	_ =	shalt  }
0x87: {  	_ =	shalt  }
.Lfunc_end0:
.L_simem_size_0:
called_computation.1_lowered:
.L_overlay_start_0:
0x88: {  	s2 =	sld [smem:$0x3FD9]  }
0x89: {  	s3 =	sld [smem:$0x3FFE];
	_ =	sdelay $0x1  }
0x8a: {  	s1 =	srdreg.scid  }
0x8b: {  	s0 =	sand.u32 $0x1, s1  }
0x8c: {  	s17 =	sshll.u32 s0, $0xA;
	s2 =	sadd.s32 s3, s2  }
0x8d: {  	s2 =	sadd.s32 s2, s17  }
0x8e: {  	[smem:$0x3FC6] =	sst s2  }
0x8f: {  	_ = 	snop  }
0x90: {  	s2 =	sld [smem:$0x3FD0];
	(tm) =	ssettm $0x1  }
0x91: {  	s18 =	sld [smem:$0x3FFB];
	_ =	sdelay $0x3  }
0x92: {  	_ =	strace s18  }
0x93: {  	s3 =	sld [smem:$0x3FFC];
	_ =	sdelay $0x3  }
0x94: {  	_ =	strace s3  }
0x95: {  	s3 =	sld [smem:$0x3FFD];
	_ =	sdelay $0x3  }
0x96: {  	_ =	strace s3  }
0x97: {  	_ =	strace $0x8FFFFFFF  }
0x98: {  	s19 =	sld [smem:$0x3FDB];
	_ =	sdelay $0x1  }
0x99: {  	s4 =	simm.s32 $_scs_section_size  }
0x9a: {  	s5 =	simm.s32 $_size__tile_overlayer_lowered;
	s6 =	simm.s32 $_tile_overlayer_lowered  }
0x9b: {  	s22 =	simm.s32 $0x1BFF;
	s21 =	sshll.u32 s6, $0x1;
	s3 =	sadd.s32 s4, s19  }
0x9c: {  	s7 =	simm.s32 $0x0;
	s20 =	sshll.u32 s5, $0x1;
	s5 =	sadd.s32 s21, s3  }
0x9d: {  	[timem:s7], [sflag:s22] =	dma.local [hbm:s5], s20  }
0x9e: {  	_ =	swait.ge [sflag:s22], s20  }
0x9f: {  	s4 =	ssub.s32 $0x0, s20;
	[sflag:s22] =	ssyncset.done $0x0  }
0xa0: {  	[sflag:s22] =	ssyncadd.s32 s4;
	_ =	sdelay $0x1  }
0xa1: {  	s23 =	simm.s32 $0x1B8B  }
0xa2: {  	_ =	swait.ge [sflag:s23], $0x1  }
0xa3: {  	[sflag:s23] =	ssyncset.done $0x0  }
0xa4: {  	s25 =	simm.s32 $0x1B8E;
	s24 =	sld [smem:$0x3FFE];
	[sflag:s23] =	ssyncadd.s32 $0xFFFFFFFF  }
0xa5: {  	s26 =	simm.s32 $execute0_lowered;
	[smem:$0x3FD2] =	sst s25  }
0xa6: {  	s5 =	sshll.u32 s26, $0x1;
	_ =	strace $0x80000046;
	[dreg:$0x1] =	wrdreg $0xFFFFFFFF  }
0xa7: {  	s28 =	simm.s32 $_size_execute0_lowered;
	s3 =	sadd.s32 s3, s5;
	[dreg:$0x0] =	wrdreg $0x0  }
0xa8: {  	s5 =	sshll.u32 s28, $0x1;
	[dreg:$0x2] =	wrdreg s3  }
0xa9: {  	[dreg:$0x3] =	wrdreg s5  }
0xaa: {  	[dreg:$0x4] =	wrdreg $0xC0  }
0xab: {  	_ =	task [dreg:s7], $0x5FFFF  }
0xac: {  	[dreg:$0x1] =	wrdreg $0xFFFFFFFF  }
0xad: {  	[dreg:$0x0] =	wrdreg $0x60  }
0xae: {  	[dreg:$0x2] =	wrdreg s24  }
0xaf: {  	[dreg:$0x3] =	wrdreg s2  }
0xb0: {  	[dreg:$0x4] =	wrdreg $0x9  }
0xb1: {  	_ =	task.clear_ibuf [dreg:s7], $0x5FFFF;
	_ =	strace $0x90000046  }
0xb2: {  	s29 =	simm.s32 $0x9;
	_ =	strace $0x80000048  }
0xb3: {  	_ =	swait.ge [sflag:s29], $0x1  }
0xb4: {  	[sflag:s29] =	ssyncadd.s32 $0xFFFFFFFF  }
0xb5: {  	_ =	strace $0x90000048  }
0xb6: {  	_ =	sfence  }
0xb7: {  	s30 =	sld [smem:$0x0];
	_ =	sdelay $0x2  }
0xb8: {  	s31 =	sshll.u32 s1, $0xD;
	s1 =	sshrl.u32 s1, $0x2  }
0xb9: {  	s3 =	sand.u32 $0x4000, s31;
	s1 =	sadd.s32 s1, s30  }
0xba: {  	s0 =	sor.u32 s3, s0;
	s1 =	sshll.u32 s1, $0x11  }
0xbb: {  	s0 =	sor.u32 s1, s0  }
0xbc: {  	s0 =	sadd.s32 $0x8F2B, s0  }
0xbd: {  	[sflag:s0] =	ssyncadd.remote.s32 $0x1  }
0xbe: {  	_ =	sfence.sel $0xFFFF  }
0xbf: {  	[dreg:$0x0] =	wrdreg $0xFFFFFFFF;
	(pc) =	sbr.abs _section_cstart, $3  }
0xc0: {  	[dreg:$0x1] =	wrdreg $0xFFFFFFFF  }
0xc1: {  	_ =	task.clear_ibuf [dreg:s7], $0x2FFFF;
	_ =	strace $0x9FFFFFFF  }
0xc2: {  	(tm) =	ssettm $0x7FFFFFFF  }
0xc3: {  	_ =	shalt  }
tec
execute0_lowered:
.L_overlay_start_1:
0x0: {  	(tag) =	ssettag $0x1  }
0x1: {  	s0 =	rddreg [dreg:$0x0]  }
0x2: {  	s1 =	srdreg.scid;
	s3 =	stileid.u32  }
0x3: {  	s2 =	rddreg [dreg:$0x1];
	s19 =	simm.s32 $0x80;
	s21 =	simm.s32 $0x180  }
0x4: {  	s29 =	simm.s32 $0x4;
	s30 =	simm.s32 $0x6200;
	s31 =	simm.s32 $0x5  }
0x5: {  	s28 =	simm.s32 $0xA200;
	s20 =	simm.s32 $0x7;
	s9 =	simm.s32 $0x0  }
0x6: {  	s1 =	sand.u32 $0x1, s1;
	s4 =	sshll.u32 s3, $0x1;
	s3 =	simm.s32 $0x0  }
0x7: {  	s5 =	sadd.s32 $0xF42E00, s0;
	s6 =	sor.u32 s1, s4;
	[smem:$0x7FF] =	sst s3  }
0x8: {  	s4 =	sadd.s32 $0xA00, s0;
	s1 =	ssub.s32 $0x2, s1;
	s7 =	smul.u32 $0x6400, s6  }
0x9: {  	_ =	strace $0x80000047;
	s22 =	sshrl.u32 s1, $0x1;
	s10 =	smul.u32 $0x190000, s6  }
0xa: {  	s0 =	ssub.s32 s1, s22;
	s22 =	simm.s32 $0x1;
	s1 =	simm.s32 $0x8200  }
0xb: {  	s8 =	sshrl.u32 s7, $0x3;
	s26 =	sor.u32 $0x200, s7;
	s12 =	sor.u32 $0x80, s7  }
0xc: {  	s13 =	sor.u32 $0x280, s7;
	s14 =	sor.u32 $0x100, s7;
	s15 =	sor.u32 $0x300, s7  }
0xd: {  	s16 =	sor.u32 $0x180, s7;
	s0 =	smax.u32 s0, $0x1;
	[dreg:$0x7] =	wrdreg s26  }
.Ltmp0:
0xe: {  	s8 =	sadd.s32 s4, s8;
	[dreg:$0x8] =	wrdreg s0;
	(pc) =	sbr.rel .LBB2_1-.Ltmp0, $4  }
0xf: {  	s17 =	sor.u32 $0x380, s7;
	s23 =	sadd.s32 $0x10, s8;
	[dreg:$0x3] =	wrdreg s8  }
0x10: {  	s7 =	simm.s32 $0x9;
	s24 =	sadd.s32 $0x20, s8;
	[dreg:$0x4] =	wrdreg s23  }
0x11: {  	s0 =	simm.s32 $0x6;
	s25 =	sadd.s32 $0x30, s8;
	[dreg:$0x5] =	wrdreg s24  }
0x12: {  	s8 =	simm.s32 $0x8;
	[dreg:$0x6] =	wrdreg s25;
	s25 =	simm.s32 $0xA  }
.LBB2_24:
0x13: {  	_ =	swait.ge [sflag:s7], $0x2000  }
0x14: {  	[sflag:s7] =	ssyncset.done $0x0  }
0x15: {  	[sflag:s7] =	ssyncadd.s32 $0xFFFFE000  }
0x16: {  	_ =	swait.ge [sflag:s25], $0x2000  }
0x17: {  	s9 =	rddreg [dreg:$0x9]  }
0x18: {  	s6 =	rddreg [dreg:$0x8];
	s9 =	sadd.s32 $0x1, s9  }
0x19: {  	p0 =	sne.s32 s9, s6  }
.Ltmp1:
0x1a: {  	_ = 	snop;
	(pc) =	sbr.rel @!p0 .LBB2_25-.Ltmp1, $3  }
0x1b: {  	_ =	sdelay $0x1  }
0x1c: {  	[sflag:s25] =	ssyncset.done $0x0  }
0x1d: {  	[sflag:s25] =	ssyncadd.s32 $0xFFFFE000  }
.LBB2_1:
0x1e: {  	[dreg:$0x9] =	wrdreg s9  }
0x1f: {  	s6 =	rddreg [dreg:$0x3]  }
0x20: {  	[tilespmem:s3], [sflag:$0x1] =	stream.linear.gather [hbm4b:s6+s3], $0x80, $0x38;
	[tilespmem:$0xC200] =	vst v63  }
0x21: {  	s23 =	rddreg [dreg:$0x4]  }
0x22: {  	[tilespmem:s19], [sflag:$0x2] =	stream.linear.gather [hbm4b:s23+s3], $0x80, $0x38;
	[tilespmem:$0xC200] =	vst v63  }
0x23: {  	s24 =	rddreg [dreg:$0x5];
	s9 =	simm.s32 $0x100  }
0x24: {  	[tilespmem:s9], [sflag:$0x3] =	stream.linear.gather [hbm4b:s24+s3], $0x80, $0x38;
	[tilespmem:$0xC200] =	vst v63  }
0x25: {  	s26 =	rddreg [dreg:$0x6]  }
0x26: {  	[tilespmem:s21], [sflag:$0x4] =	stream.linear.gather [hbm4b:s26+s3], $0x80, $0x38;
	[tilespmem:$0xC200] =	vst v63  }
0x27: {  	_ =	swait.ge [sflag:s22], $0x80  }
0x28: {  	[sflag:s22] =	ssyncset.done $0x0  }
0x29: {  	s11 =	simm.s32 $0x200;
	s18 =	simm.s32 $0x2;
	[sflag:s22] =	ssyncadd.s32 $0xFFFFFF80  }
0x2a: {  	[tilespmem:s11], [sflag:$0x5] =	stream.indirect.gather [hbm4b:s5+s19], $0x40, s3, s19, $0xb8;
	[tilespmem:$0xC200] =	vst v63  }
0x2b: {  	_ =	swait.ge [sflag:s18], $0x80  }
0x2c: {  	[sflag:s18] =	ssyncset.done $0x0  }
0x2d: {  	s23 =	simm.s32 $0x2200;
	s24 =	simm.s32 $0x3;
	[sflag:s18] =	ssyncadd.s32 $0xFFFFFF80  }
0x2e: {  	[tilespmem:s23], [sflag:$0x6] =	stream.indirect.gather [hbm4b:s5+s19], $0x40, s19, s19, $0xb8;
	[tilespmem:$0xC200] =	vst v63  }
0x2f: {  	_ =	swait.ge [sflag:s24], $0x80  }
0x30: {  	[sflag:s24] =	ssyncset.done $0x0  }
0x31: {  	s26 =	simm.s32 $0x4200;
	[sflag:s24] =	ssyncadd.s32 $0xFFFFFF80  }
0x32: {  	[tilespmem:s26], [sflag:$0x7] =	stream.indirect.gather [hbm4b:s5+s19], $0x40, s9, s19, $0xb8;
	[tilespmem:$0xC200] =	vst v63  }
0x33: {  	_ =	swait.ge [sflag:s29], $0x80  }
0x34: {  	[sflag:s29] =	ssyncset.done $0x0  }
0x35: {  	s18 =	simm.s32 $0x0;
	[sflag:s29] =	ssyncadd.s32 $0xFFFFFF80  }
0x36: {  	[tilespmem:s30], [sflag:$0x8] =	stream.indirect.gather [hbm4b:s5+s19], $0x40, s21, s19, $0xb8;
	[tilespmem:$0xC200] =	vst v63  }
.LBB2_2:
0x37: {  	_ =	swait.ge [sflag:s31], $0x2000  }
0x38: {  	p0 =	seq.s32 s18, $0x0;
	[sflag:s31] =	ssyncset.done $0x0  }
0x39: {  	s6 =	simm.s32 @!p0 $0x9;
	[sflag:s31] =	ssyncadd.s32 $0xFFFFE000  }
0x3a: {  	_ =	swait.ge @!p0 [sflag:s6], $0x2000  }
0x3b: {  	[sflag:s6] =	ssyncset.done @!p0 $0x0  }
0x3c: {  	s26 =	simm.s32 $0x380;
	[sflag:s6] =	ssyncadd.s32 @!p0 $0xFFFFE000  }
0x3d: {  	v2 =	vld [tilespmem:s26+$0x140]  }
0x3e: {  	v1 =	vld [tilespmem:s26+$0x150]  }
0x3f: {  	v19 =	vld [tilespmem:s26+$0xFFFFFE90]  }
0x40: {  	v0 =	vld [tilespmem:s26+$0x160]  }
0x41: {  	v20 =	vld [tilespmem:s26+$0xFFFFFEC0]  }
0x42: {  	v3 =	vld [tilespmem:s26+$0x170]  }
0x43: {  	v63 =	vld [tilespmem:s26+$0xFFFFFED0]  }
0x44: {  	v23 =	vld [tilespmem:s26+$0xFFFFFF00]  }
0x45: {  	v30 =	vld [tilespmem:s26+$0xFFFFFF10]  }
0x46: {  	v29 =	vld [tilespmem:s26+$0xFFFFFF40]  }
0x47: {  	v31 =	vld [tilespmem:s26+$0xFFFFFF50]  }
0x48: {  	v10 =	vld [tilespmem:s26+$0xFFFFFF80]  }
0x49: {  	v62 =	vld [tilespmem:s26+$0xFFFFFF90]  }
0x4a: {  	v58 =	vld [tilespmem:s26+$0xFFFFFFC0]  }
0x4b: {  	v46 =	vld [tilespmem:s26+$0xFFFFFFD0];
	v4 =	vmul.f32 v2, v2;
	v5 =	vmul.f32 v1, v1  }
0x4c: {  	v61 =	vld [tilespmem:s26+$0x0]  }
0x4d: {  	v57 =	vld [tilespmem:s26+$0x10];
	v4 =	vadd.f32 v5, v4;
	v5 =	vmul.f32 v0, v0  }
0x4e: {  	v56 =	vld [tilespmem:s26+$0x40]  }
0x4f: {  	v52 =	vld [tilespmem:s26+$0x50];
	v4 =	vadd.f32 v5, v4;
	v5 =	vmul.f32 v3, v3  }
0x50: {  	v50 =	vld [tilespmem:s26+$0x80]  }
0x51: {  	v51 =	vld [tilespmem:s26+$0x90];
	v4 =	vadd.f32 v5, v4  }
0x52: {  	v42 =	vld [tilespmem:s26+$0xFFFFFE80]  }
0x53: {  	v16 =	vld [tilespmem:s26+$0xC0];
	(xrf2) =	vadd.scan.msk.f32 $0xffff, v4  }
0x54: {  	v25 =	vld [tilespmem:s26+$0xFFFFFEA0];
	v6 =	vmul.f32 v63, v63;
	v7 =	vmul.f32 v23, v23  }
0x55: {  	v22 =	vld [tilespmem:s26+$0xD0];
	v8 =	vmul.f32 v30, v30;
	v9 =	vmul.f32 v29, v29  }
0x56: {  	v17 =	vld [tilespmem:s26+$0x100];
	[tilespmem:$0x1FFA0] =	vst v10;
	v10 =	vmul.f32 v10, v10;
	v11 =	vmul.f32 v58, v58  }
0x57: {  	v37 =	vmul.f32 v46, v46;
	v12 =	vmul.f32 v42, v42  }
0x58: {  	v38 =	vmul.f32 v61, v61;
	v13 =	vmul.f32 v57, v57;
	v18 =	vld [tilespmem:s26+$0x110]  }
0x59: {  	v14 =	vmul.f32 v25, v25;
	v36 =	vld [tilespmem:s26+$0xFFFFFEB0];
	v5 =	vmul.f32 v20, v20  }
0x5a: {  	v45 =	vmul.f32 v56, v56;
	v47 =	vmul.f32 v52, v52;
	v35 =	vld [tilespmem:s26+$0xFFFFFEE0]  }
0x5b: {  	v26 =	vmul.f32 v50, v50;
	v34 =	vld [tilespmem:s26+$0xFFFFFF20];
	v5 =	vadd.f32 v6, v5;
	v6 =	vmul.f32 v31, v31  }
0x5c: {  	v53 =	vmul.f32 v51, v51;
	v43 =	vld [tilespmem:s26+$0xFFFFFEF0];
	v4 =	vmul.f32 v19, v19  }
0x5d: {  	v41 =	vld [tilespmem:s26+$0xFFFFFFA0];
	v7 =	vadd.f32 v8, v7;
	v8 =	vmul.f32 v62, v62;
	v6 =	vadd.f32 v6, v9;
	v39, _, _ =	vpop (xrf2)  }
0x5e: {  	v33 =	vld [tilespmem:s26+$0xFFFFFF30];
	v9 =	vadd.f32 v37, v11;
	v4 =	vadd.f32 v4, v12;
	v11 =	vbroadcast v39, $0xF  }
0x5f: {  	v55 =	vmul.f32 v22, v22;
	v59 =	vld [tilespmem:s26+$0xFFFFFFE0];
	v8 =	vadd.f32 v8, v10;
	v48 =	vmul.f32 v36, v36  }
0x60: {  	v32 =	vld [tilespmem:s26+$0x20];
	v4 =	vadd.f32 v14, v4;
	v15 =	vshrl.u32 v11, $0x1;
	v11 =	vmul.f32 $5.000000000e-01, v11  }
0x61: {  	v10 =	vadd.f32 v13, v38;
	v38 =	vld [tilespmem:s26+$0xFFFFFF60];
	[tilespmem:$0x1FFB0] =	vst v16;
	v21 =	vmul.f32 v35, v35;
	v15 =	vsub.s32 $0x5F3759DF, v15  }
0x62: {  	v27 =	vld [tilespmem:s26+$0xFFFFFF70];
	v49 =	vmul.f32 v43, v43;
	v4 =	vadd.f32 v48, v4;
	v11 =	vmul.f32 v15, v11  }
0x63: {  	v24 =	vld [tilespmem:s26+$0xE0];
	v54 =	vmul.f32 v34, v34;
	v60 =	vmul.f32 v33, v33;
	v5 =	vadd.f32 v21, v5  }
0x64: {  	v13 =	vadd.f32 v53, v26;
	v40 =	vmul.f32 v41, v41;
	v37 =	vld [tilespmem:s26+$0x60];
	(xrf2) =	vadd.scan.msk.f32 $0xffff, v4;
	v4 =	vmul.f32 v15, v11  }
0x65: {  	v7 =	vadd.f32 v54, v7;
	v21 =	vmul.f32 v16, v16;
	v5 =	vadd.f32 v49, v5;
	v39 =	vld [tilespmem:s26+$0xA0];
	[tilespmem:$0x1FFC0] =	vst v33  }
0x66: {  	v8 =	vadd.f32 v40, v8;
	v26 =	vmul.f32 v38, v38;
	v16 =	vld [tilespmem:s26+$0xFFFFFFB0];
	v4 =	vsub.f32 $1.500000000e+00, v4  }
0x67: {  	v44 =	vmul.f32 v17, v17;
	v7 =	vadd.f32 v60, v7;
	(xrf2) =	vadd.scan.msk.f32 $0xffff, v5;
	v5 =	vadd.f32 v55, v21;
	v21 =	vld [tilespmem:s26+$0xFFFFFFF0]  }
0x68: {  	v6 =	vadd.f32 v26, v6;
	v26 =	vld [tilespmem:s26+$0x120];
	[tilespmem:$0x1FFD0] =	vst v27;
	v4 =	vmul.f32 v15, v4;
	v15 =	vmul.f32 v27, v27  }
0x69: {  	v12 =	vadd.f32 v47, v45;
	v45 =	vmul.f32 v59, v59;
	v47 =	vmul.f32 v32, v32;
	v28 =	vld [tilespmem:s26+$0x70]  }
0x6a: {  	v53 =	vmul.f32 v24, v24;
	v48 =	vmul.f32 v37, v37;
	(xrf2) =	vadd.scan.msk.f32 $0xffff, v7;
	v40 =	vld [tilespmem:s26+$0xB0];
	v6 =	vadd.f32 v15, v6  }
0x6b: {  	v14 =	vmul.f32 v18, v18;
	v10 =	vadd.f32 v47, v10;
	v49 =	vmul.f32 v39, v39  }
0x6c: {  	v7 =	vadd.f32 v45, v9;
	v9 =	vadd.f32 v48, v12;
	v60 =	vld [tilespmem:s26+$0x30];
	[tilespmem:$0x1FFE0] =	vst v16;
	v15 =	vmul.f32 v16, v16  }
0x6d: {  	v54 =	vmul.f32 v21, v21;
	v11 =	vadd.f32 v49, v13;
	v27 =	vld [tilespmem:s26+$0xF0];
	[tilespmem:$0x1FFF0] =	vst v21;
	(xrf2) =	vadd.scan.msk.f32 $0xffff, v6  }
0x6e: {  	v13 =	vmul.f32 v26, v26;
	v45 =	vmul.f32 v28, v28;
	v16 =	vld [tilespmem:s26+$0x130];
	v8 =	vadd.f32 v15, v8;
	v6, _, _ =	vpop (xrf2)  }
0x6f: {  	v5 =	vadd.f32 v53, v5;
	v47 =	vmul.f32 v40, v40;
	v6 =	vbroadcast v6, $0xF  }
0x70: {  	v7 =	vadd.f32 v54, v7;
	v3 =	vmul.f32 v4, v3;
	v2 =	vmul.f32 v4, v2;
	(xrf2) =	vadd.scan.msk.f32 $0xffff, v8  }
0x71: {  	v15 =	vmul.f32 v60, v60;
	v21, _, _ =	vpop (xrf2);
	v8 =	vshrl.u32 v6, $0x1;
	v6 =	vmul.f32 $5.000000000e-01, v6  }
0x72: {  	v12 =	vmul.f32 v27, v27;
	v21 =	vbroadcast v21, $0xF;
	v8 =	vsub.s32 $0x5F3759DF, v8  }
0x73: {  	v10 =	vadd.f32 v15, v10;
	(xrf2) =	vadd.scan.msk.f32 $0xffff, v7;
	v48 =	vmul.f32 v16, v16;
	v6 =	vmul.f32 v8, v6  }
0x74: {  	v7 =	vmul.f32 $5.000000000e-01, v21;
	v15 =	vshrl.u32 v21, $0x1;
	v21 =	vmul.f32 v4, v1;
	v1, _, _ =	vpop (xrf2)  }
0x75: {  	v15 =	vsub.s32 $0x5F3759DF, v15;
	v1 =	vbroadcast v1, $0xF;
	v6 =	vmul.f32 v8, v6  }
0x76: {  	v9 =	vadd.f32 v45, v9;
	v4 =	vmul.f32 v4, v0;
	(xrf2) =	vadd.scan.msk.f32 $0xffff, v10;
	v7 =	vmul.f32 v15, v7  }
0x77: {  	v55, _, _ =	vpop (xrf2);
	v0 =	vsub.f32 $1.500000000e+00, v6;
	v6 =	vshrl.u32 v1, $0x1;
	v1 =	vmul.f32 $5.000000000e-01, v1  }
0x78: {  	v7 =	vmul.f32 v15, v7;
	v10 =	vbroadcast v55, $0xF;
	v6 =	vsub.s32 $0x5F3759DF, v6  }
0x79: {  	v11 =	vadd.f32 v47, v11;
	(xrf2) =	vadd.scan.msk.f32 $0xffff, v9;
	v55 =	vmul.f32 v8, v0;
	v0 =	vmul.f32 v6, v1  }
0x7a: {  	v33, _, _ =	vpop (xrf2);
	v1 =	vsub.f32 $1.500000000e+00, v7;
	v7 =	vshrl.u32 v10, $0x1;
	v8 =	vmul.f32 $5.000000000e-01, v10  }
0x7b: {  	v9 =	vbroadcast v33, $0xF;
	v7 =	vsub.s32 $0x5F3759DF, v7;
	v0 =	vmul.f32 v6, v0  }
0x7c: {  	v5 =	vadd.f32 v12, v5;
	v54 =	vmul.f32 v15, v1;
	v1 =	vmul.f32 v7, v8  }
0x7d: {  	(xrf2) =	vadd.scan.msk.f32 $0xffff, v11;
	v45, _, _ =	vpop (xrf2);
	v8 =	vshrl.u32 v9, $0x1;
	v9 =	vmul.f32 $5.000000000e-01, v9;
	v0 =	vsub.f32 $1.500000000e+00, v0  }
0x7e: {  	v10 =	vbroadcast v45, $0xF;
	v8 =	vsub.s32 $0x5F3759DF, v8;
	v1 =	vmul.f32 v7, v1  }
0x7f: {  	v47 =	vadd.f32 v14, v44;
	v53 =	vmul.f32 v6, v0;
	v0 =	vmul.f32 v8, v9  }
0x80: {  	(xrf2) =	vadd.scan.msk.f32 $0xffff, v5;
	v5 =	vshrl.u32 v10, $0x1;
	v49, _, _ =	vpop (xrf2);
	v1 =	vsub.f32 $1.500000000e+00, v1;
	v6 =	vmul.f32 $5.000000000e-01, v10  }
0x81: {  	v5 =	vsub.s32 $0x5F3759DF, v5;
	v9 =	vbroadcast v49, $0xF;
	v0 =	vmul.f32 v8, v0  }
0x82: {  	v12 =	vadd.f32 v13, v47;
	v49 =	vmul.f32 v7, v1;
	v1 =	vmul.f32 v5, v6  }
0x83: {  	v13, _, _ =	vpop (xrf2);
	v6 =	vshrl.u32 v9, $0x1;
	v7 =	vmul.f32 $5.000000000e-01, v9;
	v0 =	vsub.f32 $1.500000000e+00, v0  }
0x84: {  	s26 =	simm.s32 $0x8380;
	v14 =	vmul.f32 v5, v1;
	v1 =	vsub.s32 $0x5F3759DF, v6;
	v6 =	vbroadcast v13, $0xF  }
0x85: {  	[tilespmem:s26+$0x170] =	vst v3;
	v3 =	vadd.f32 v48, v12;
	v48 =	vmul.f32 v8, v0  }
0x86: {  	v0 =	vmul.f32 v1, v7;
	v7 =	vshrl.u32 v6, $0x1;
	v6 =	vmul.f32 $5.000000000e-01, v6  }
0x87: {  	[tilespmem:s26+$0x140] =	vst v2;
	v2 =	vsub.f32 $1.500000000e+00, v14;
	v8, _, _ =	vpop (xrf2)  }
0x88: {  	[tilespmem:s26+$0x150] =	vst v21;
	v33 =	vmul.f32 v1, v0;
	v0 =	vsub.s32 $0x5F3759DF, v7;
	v7 =	vbroadcast v8, $0xF  }
0x89: {  	s9 =	simm.s32 $0x0;
	[tilespmem:s26+$0x160] =	vst v4;
	v47 =	vmul.f32 v5, v2;
	v4 =	vmul.f32 v0, v6  }
0x8a: {  	s23 =	simm.s32 $0x680;
	s24 =	simm.s32 $0x8380;
	s6 =	sshll.u32 s18, $0x9;
	(xrf2) =	vadd.scan.msk.f32 $0xffff, v3;
	v2 =	vsub.f32 $1.500000000e+00, v33;
	v5 =	vshrl.u32 v7, $0x1;
	v3 =	vmul.f32 $5.000000000e-01, v7;
	v6, _, _ =	vpop (xrf2)  }
.LBB2_3:
0x8b: {  	[tilespmem:$0x1FE10] =	vst v61  }
0x8c: {  	[tilespmem:$0x1FEA0] =	vst v22  }
0x8d: {  	[tilespmem:$0x1FEB0] =	vst v24  }
0x8e: {  	[tilespmem:$0x1FEE0] =	vst v26  }
0x8f: {  	[tilespmem:$0x1FE20] =	vst v56  }
0x90: {  	[tilespmem:$0x1FEC0] =	vst v27  }
0x91: {  	[tilespmem:$0x1FE40] =	vst v37  }
0x92: {  	[tilespmem:$0x1FE50] =	vst v28  }
0x93: {  	[tilespmem:$0x1FE90] =	vst v40;
	v8 =	vld [tilespmem:s23+$0x140];
	v6 =	vbroadcast v6, $0xF  }
0x94: {  	[tilespmem:$0x1FE80] =	vst v39;
	v5 =	vsub.s32 $0x5F3759DF, v5;
	v13 =	vld [tilespmem:s23+$0x150];
	v24 =	vmul.f32 v54, v35;
	v4 =	vmul.f32 v0, v4  }
0x95: {  	[tilespmem:$0x1FE30] =	vst v52;
	v15 =	vld [tilespmem:s23+$0x160];
	v52 =	vmul.f32 v1, v2;
	v1 =	vmul.f32 v5, v3  }
0x96: {  	[tilespmem:$0x1FED0] =	vst v17;
	v9 =	vld [tilespmem:s23+$0xFFFFFEC0];
	v3 =	vsub.f32 $1.500000000e+00, v4;
	v4 =	vshrl.u32 v6, $0x1;
	v6 =	vmul.f32 $5.000000000e-01, v6;
	v7, _, _ =	vpop (xrf2)  }
0x97: {  	[tilespmem:$0x1FE60] =	vst v50;
	v12 =	vld [tilespmem:s23+$0x170];
	v1 =	vmul.f32 v5, v1;
	v7 =	vbroadcast v7, $0xF  }
0x98: {  	[tilespmem:$0x1FEF0] =	vst v16;
	v10 =	vld [tilespmem:s23+$0xFFFFFED0];
	v4 =	vsub.s32 $0x5F3759DF, v4;
	v27 =	vmul.f32 v54, v20;
	v50 =	vmul.f32 v0, v3  }
0x99: {  	v14 =	vld [tilespmem:s23+$0xFFFFFF10];
	[tilespmem:s26+$0xFFFFFEE0] =	vst v24;
	v0 =	vmul.f32 v4, v6;
	v3 =	vshrl.u32 v7, $0x1;
	v6 =	vmul.f32 $5.000000000e-01, v7  }
0x9a: {  	v16 =	vld [tilespmem:s23+$0xFFFFFF40];
	[tilespmem:$0x1FF00] =	vst v8;
	v8 =	vmul.f32 v8, v8;
	v11 =	vmul.f32 v13, v13;
	v3 =	vsub.s32 $0x5F3759DF, v3  }
0x9b: {  	v24 =	vmul.f32 v53, v23;
	[tilespmem:$0x1FF10] =	vst v13;
	v13 =	vld [tilespmem:s23+$0xFFFFFF00];
	v6 =	vmul.f32 v3, v6  }
0x9c: {  	v2 =	vld [tilespmem:s23+$0xFFFFFE90];
	[tilespmem:$0x1FF20] =	vst v15;
	v15 =	vmul.f32 v15, v15;
	v11 =	vadd.f32 v11, v8;
	v0 =	vmul.f32 v4, v0  }
0x9d: {  	[tilespmem:$0x1FE70] =	vst v51;
	v37 =	vmovc v58;
	v58 =	vld [tilespmem:s23+$0xFFFFFF80];
	v1 =	vsub.f32 $1.500000000e+00, v1;
	v51 =	vmul.f32 v9, v9;
	v6 =	vmul.f32 v3, v6  }
0x9e: {  	v45 =	vmovc v59;
	v40 =	vmovc v57;
	v57 =	vld [tilespmem:s23+$0xFFFFFF90];
	v11 =	vadd.f32 v15, v11;
	v15 =	vmul.f32 v12, v12;
	v0 =	vsub.f32 $1.500000000e+00, v0  }
0x9f: {  	v39 =	vmovc v62;
	v33 =	vmul.f32 v10, v10;
	[tilespmem:s26+$0xFFFFFEC0] =	vst v27;
	v8 =	vld [tilespmem:s23+$0xFFFFFF50];
	v62 =	vmul.f32 v5, v1;
	v1 =	vsub.f32 $1.500000000e+00, v6  }
0xa0: {  	v59 =	vld [tilespmem:s23+$0xFFFFFFC0];
	[tilespmem:s26+$0xFFFFFF00] =	vst v24;
	v5 =	vmul.f32 v13, v13;
	v56 =	vmul.f32 v4, v0;
	v6 =	vadd.f32 v15, v11  }
0xa1: {  	v61 =	vld [tilespmem:s23+$0xFFFFFFD0];
	v4 =	vmovc v2;
	v15 =	vadd.f32 v33, v51;
	v51 =	vmul.f32 v3, v1;
	v3 =	vmul.f32 v55, v42  }
0xa2: {  	v28 =	vmovc v60;
	v60 =	vld [tilespmem:s23+$0x40];
	v0 =	vmul.f32 v14, v14;
	[tilespmem:$0x1FF60] =	vst v4;
	(xrf2) =	vadd.scan.msk.f32 $0xffff, v6;
	v6 =	vmul.f32 v55, v19  }
0xa3: {  	v21 =	vld [tilespmem:s23+$0x50];
	v1 =	vmul.f32 v16, v16;
	v42 =	vmov v18;
	v18 =	vmul.f32 v53, v34;
	[tilespmem:s26+$0xFFFFFE80] =	vst v3  }
0xa4: {  	v7 =	vmul.f32 v2, v2;
	v4 =	vld [tilespmem:s23+$0x10];
	v17 =	vadd.f32 v0, v5;
	v0 =	vmul.f32 v8, v8;
	[tilespmem:s26+$0xFFFFFE90] =	vst v6  }
0xa5: {  	v2 =	vmul.f32 v58, v58;
	v5 =	vld [tilespmem:s23+$0x0];
	v3 =	vmul.f32 v55, v25;
	[tilespmem:s26+$0xFFFFFF20] =	vst v18;
	v25 =	vmov v8  }
0xa6: {  	v19 =	vadd.f32 v0, v1;
	v0 =	vmul.f32 v57, v57;
	v6 =	vmul.f32 v55, v36;
	v55 =	vld [tilespmem:s23+$0x90];
	[tilespmem:$0x1FF40] =	vst v25  }
0xa7: {  	v18 =	vld [tilespmem:$0x1FFC0];
	[tilespmem:s26+$0xFFFFFEA0] =	vst v3;
	v1 =	vmov v9  }
0xa8: {  	v25 =	vld [tilespmem:$0x1FFD0];
	v20 =	vadd.f32 v0, v2;
	v0 =	vmul.f32 v61, v61;
	[tilespmem:s26+$0xFFFFFEB0] =	vst v6;
	v6 =	vmul.f32 v54, v63  }
0xa9: {  	v44 =	vmul.f32 v59, v59;
	v2 =	vld [tilespmem:s23+$0xC0];
	[tilespmem:$0x1FF70] =	vst v1  }
0xaa: {  	v29 =	vmul.f32 v49, v29;
	v3 =	vld [tilespmem:s23+$0x80];
	[tilespmem:s26+$0xFFFFFED0] =	vst v6;
	v6 =	vmul.f32 v54, v43;
	v1 =	vmov v10  }
0xab: {  	v35 =	vmul.f32 v60, v60;
	v33 =	vmul.f32 v4, v4;
	v22 =	vadd.f32 v0, v44;
	v44 =	vld [tilespmem:s23+$0xD0];
	[tilespmem:$0x1FF50] =	vst v1  }
0xac: {  	v36 =	vmul.f32 v21, v21;
	v24 =	vld [tilespmem:s23+$0xFFFFFE80];
	[tilespmem:s26+$0xFFFFFEF0] =	vst v6;
	v6 =	vmul.f32 v53, v30;
	v0 =	vmov v14  }
0xad: {  	v63 =	vmul.f32 v5, v5;
	v54 =	vld [tilespmem:s23+$0x100];
	v9 =	vmul.f32 v55, v55;
	[tilespmem:$0x1FF90] =	vst v0  }
0xae: {  	v43 =	vmul.f32 v53, v18;
	v0 =	vld [tilespmem:s23+$0xFFFFFEA0];
	v1 =	vmov v13;
	v27, _, _ =	vpop (xrf2);
	[tilespmem:s26+$0xFFFFFF10] =	vst v6;
	v6 =	vmul.f32 v2, v2  }
0xaf: {  	v10 =	vmul.f32 v3, v3;
	v13 =	vadd.f32 v33, v63;
	v63 =	vld [tilespmem:s23+$0x110];
	[tilespmem:$0x1FF80] =	vst v1;
	v11 =	vbroadcast v27, $0xF  }
0xb0: {  	v14 =	vadd.f32 v36, v35;
	v33 =	vmul.f32 v49, v38;
	v53 =	vmul.f32 v44, v44;
	v27 =	vld [tilespmem:s23+$0xFFFFFF20];
	[tilespmem:s26+$0xFFFFFF30] =	vst v43  }
0xb1: {  	v25 =	vmul.f32 v49, v25;
	v23 =	vadd.f32 v9, v10;
	v1 =	vmovc v32;
	v34 =	vshrl.u32 v11, $0x1;
	v32 =	vld [tilespmem:s23+$0xFFFFFF60];
	[tilespmem:s26+$0xFFFFFF40] =	vst v29  }
0xb2: {  	v11 =	vmul.f32 $5.000000000e-01, v11;
	v26 =	vadd.f32 v53, v6;
	v29 =	vmul.f32 v49, v31;
	[tilespmem:s26+$0xFFFFFF60] =	vst v33;
	v6 =	vmovc v16  }
0xb3: {  	v18 =	vld [tilespmem:s23+$0xFFFFFEE0];
	v9 =	vmul.f32 v54, v54;
	v43 =	vmul.f32 v24, v24;
	v36 =	vsub.s32 $0x5F3759DF, v34;
	[tilespmem:$0x1FF30] =	vst v6  }
0xb4: {  	v10 =	vmul.f32 v63, v63;
	v35 =	vmul.f32 v36, v11;
	v6 =	vld [tilespmem:s23+$0xFFFFFFE0];
	[tilespmem:s26+$0xFFFFFF50] =	vst v29  }
0xb5: {  	v7 =	vadd.f32 v7, v43;
	[tilespmem:s24+$0xFFFFFF70] =	vst v25;
	v25 =	vld [tilespmem:$0x1FFA0]  }
0xb6: {  	v16 =	vmul.f32 v0, v0;
	v30 =	vadd.f32 v10, v9;
	v35 =	vmul.f32 v36, v35;
	v9 =	vld [tilespmem:s23+$0x60]  }
0xb7: {  	v31 =	vmul.f32 v27, v27  }
0xb8: {  	v43 =	vmul.f32 v18, v18;
	v16 =	vadd.f32 v16, v7;
	v7 =	vld [tilespmem:s23+$0xE0];
	v35 =	vsub.f32 $1.500000000e+00, v35  }
0xb9: {  	v17 =	vadd.f32 v31, v17;
	v31 =	vmul.f32 v6, v6  }
0xba: {  	v33 =	vmul.f32 v48, v41;
	v41 =	vld [tilespmem:$0x1FFE0];
	v34 =	vadd.f32 v43, v15;
	v15 =	vmul.f32 v36, v35  }
0xbb: {  	v49 =	vmul.f32 v48, v25;
	v25 =	vld [tilespmem:s23+$0xFFFFFF70];
	v22 =	vadd.f32 v31, v22;
	v31 =	vmul.f32 v9, v9;
	_ =	sdelay $0x1  }
0xbc: {  	v53 =	vld [tilespmem:s23+$0xA0];
	v12 =	vmul.f32 v15, v12;
	v31 =	vadd.f32 v31, v14;
	v14 =	vmul.f32 v7, v7  }
0xbd: {  	v11 =	vld [tilespmem:s23+$0xFFFFFFA0];
	s26 =	sadd.s32 $0x300, s26  }
0xbe: {  	v43 =	vld [tilespmem:s23+$0xFFFFFEF0];
	[tilespmem:s26+$0x170] =	vst v12;
	v26 =	vadd.f32 v14, v26;
	v14 =	vmul.f32 v47, v37  }
0xbf: {  	v39 =	vmul.f32 v48, v39;
	v12 =	vmul.f32 v48, v41;
	v48 =	vld [tilespmem:s23+$0xFFFFFFF0];
	[tilespmem:$0x1FFD0] =	vst v25  }
0xc0: {  	[tilespmem:s24+$0xFFFFFFC0] =	vst v14;
	v14 =	vmul.f32 v25, v25;
	v25 =	vmov v0;
	v0 =	vld [tilespmem:$0x1FFF0]  }
0xc1: {  	[tilespmem:s24+$0xFFFFFF90] =	vst v39;
	v38 =	vmul.f32 v53, v53;
	v36 =	vld [tilespmem:s23+$0xFFFFFEB0]  }
0xc2: {  	[tilespmem:s24+$0xFFFFFF80] =	vst v49  }
0xc3: {  	v23 =	vadd.f32 v38, v23;
	v38 =	vld [tilespmem:s23+$0xFFFFFFB0];
	[tilespmem:s24+$0xFFFFFFA0] =	vst v33;
	v33 =	vmul.f32 v43, v43;
	_ =	sdelay $0x1  }
0xc4: {  	v33 =	vadd.f32 v33, v34;
	v34 =	vmul.f32 v47, v0;
	v0 =	vld [tilespmem:$0x1FE10]  }
0xc5: {  	v41 =	vmul.f32 v36, v36;
	_ =	sdelay $0x1  }
0xc6: {  	v16 =	vadd.f32 v41, v16;
	_ =	sdelay $0x1  }
0xc7: {  	(xrf2) =	vadd.scan.msk.f32 $0xffff, v16;
	v16 =	vmul.f32 v52, v0;
	v0 =	vld [tilespmem:$0x1FE20]  }
0xc8: {  	v10 =	vld [tilespmem:s23+$0x20];
	_ =	sdelay $0x1  }
0xc9: {  	v49 =	vld [tilespmem:s23+$0x30]  }
0xca: {  	v29 =	vmul.f32 v11, v11  }
0xcb: {  	[tilespmem:s24+$0x0] =	vst v16;
	v16 =	vmul.f32 v50, v0;
	v0 =	vld [tilespmem:$0x1FE30]  }
0xcc: {  	v8 =	vmul.f32 v32, v32;
	v20 =	vadd.f32 v29, v20;
	v29 =	vmul.f32 v10, v10;
	v35 =	vmovc v32;
	v32 =	vld [tilespmem:s23+$0xFFFFFF30];
	_ =	sdelay $0x1  }
0xcd: {  	v39 =	vmul.f32 v47, v45;
	v29 =	vadd.f32 v29, v13;
	v45 =	vmul.f32 v49, v49;
	_ =	sdelay $0x1  }
0xce: {  	v29 =	vadd.f32 v45, v29;
	v45 =	vmul.f32 v50, v0;
	v0 =	vld [tilespmem:$0x1FE40]  }
0xcf: {  	v19 =	vadd.f32 v8, v19;
	v8 =	vld [tilespmem:s23+$0x120];
	v37 =	vmul.f32 v47, v46;
	v46 =	vmul.f32 v32, v32;
	_ =	sdelay $0x1  }
0xd0: {  	v17 =	vadd.f32 v46, v17  }
0xd1: {  	(xrf2) =	vadd.scan.msk.f32 $0xffff, v33  }
0xd2: {  	(xrf2) =	vadd.scan.msk.f32 $0xffff, v17;
	v17 =	vmul.f32 v50, v0;
	v0 =	vld [tilespmem:$0x1FE50]  }
0xd3: {  	v13 =	vmul.f32 v8, v8;
	_ =	sdelay $0x1  }
0xd4: {  	v30 =	vadd.f32 v13, v30;
	v13 =	vld [tilespmem:s23+$0xB0];
	_ =	sdelay $0x1  }
0xd5: {  	v50 =	vmul.f32 v50, v0;
	v0 =	vld [tilespmem:$0x1FE60]  }
0xd6: {  	[tilespmem:s24+$0xFFFFFFB0] =	vst v12;
	v12 =	vld [tilespmem:s23+$0x70]  }
0xd7: {  	[tilespmem:s24+$0xFFFFFFE0] =	vst v39;
	v39 =	vmul.f32 v52, v40;
	v33 =	vmul.f32 v52, v28  }
0xd8: {  	v19 =	vadd.f32 v14, v19;
	v14 =	vld [tilespmem:s23+$0x130];
	[tilespmem:s24+$0xFFFFFFF0] =	vst v34;
	v34 =	vmul.f32 v52, v1;
	v52 =	vmul.f32 v13, v13  }
0xd9: {  	v46 =	vmul.f32 v48, v48  }
0xda: {  	v23 =	vadd.f32 v52, v23;
	v52 =	vmul.f32 v62, v0;
	v0 =	vld [tilespmem:$0x1FE70]  }
0xdb: {  	v22 =	vadd.f32 v46, v22;
	v46 =	vmul.f32 v12, v12;
	_ =	sdelay $0x1  }
0xdc: {  	v31 =	vadd.f32 v46, v31;
	v46 =	vmul.f32 v14, v14;
	_ =	sdelay $0x1  }
0xdd: {  	v40 =	vadd.f32 v46, v30;
	v30 =	vmul.f32 v62, v0;
	v0 =	vld [tilespmem:$0x1FE80];
	_ =	sdelay $0x4  }
0xde: {  	[tilespmem:s24+$0x30] =	vst v33;
	v33 =	vmul.f32 v62, v0;
	v0 =	vld [tilespmem:$0x1FE90];
	_ =	sdelay $0x4  }
0xdf: {  	[tilespmem:s24+$0x40] =	vst v16;
	v16 =	vmul.f32 v62, v0;
	v0 =	vld [tilespmem:$0x1FEA0];
	_ =	sdelay $0x3  }
0xe0: {  	[tilespmem:$0x1FFC0] =	vst v32  }
0xe1: {  	[tilespmem:$0x1FFE0] =	vst v38;
	v32 =	vmul.f32 v38, v38;
	v38 =	vmul.f32 v56, v0;
	v0 =	vld [tilespmem:$0x1FEB0];
	_ =	sdelay $0x4  }
0xe2: {  	[tilespmem:s24+$0x10] =	vst v39;
	v39 =	vmul.f32 v56, v0;
	v0 =	vld [tilespmem:$0x1FEC0];
	_ =	sdelay $0x4  }
0xe3: {  	[tilespmem:s24+$0x60] =	vst v17;
	v17 =	vmul.f32 v56, v0;
	v0 =	vld [tilespmem:$0x1FED0];
	_ =	sdelay $0x3  }
0xe4: {  	v46, _, _ =	vpop (xrf2)  }
0xe5: {  	v1 =	vbroadcast v46, $0xF;
	v46 =	vmovc v61;
	v61 =	vmov v5;
	v5 =	vmul.f32 v51, v0;
	v0 =	vld [tilespmem:$0x1FEE0];
	_ =	sdelay $0x2  }
0xe6: {  	v20 =	vadd.f32 v32, v20  }
0xe7: {  	(xrf2) =	vadd.scan.msk.f32 $0xffff, v19  }
0xe8: {  	(xrf2) =	vadd.scan.msk.f32 $0xffff, v20;
	v20 =	vmul.f32 v51, v42;
	v42 =	vmul.f32 v51, v0;
	v0 =	vld [tilespmem:$0x1FEF0];
	_ =	sdelay $0x3  }
0xe9: {  	v47 =	vld [tilespmem:s23+$0xF0]  }
0xea: {  	[tilespmem:s24+$0x90] =	vst v30;
	v30 =	vmul.f32 v51, v0;
	v0 =	vld [tilespmem:$0x1FF00];
	_ =	sdelay $0x4  }
0xeb: {  	[tilespmem:s24+$0x20] =	vst v34;
	v32 =	vmul.f32 v47, v47;
	v34 =	vmul.f32 v15, v0;
	v0 =	vld [tilespmem:$0x1FF10];
	_ =	sdelay $0x1  }
0xec: {  	v19 =	vld [tilespmem:$0x1FFB0];
	_ =	sdelay $0x1  }
0xed: {  	v26 =	vadd.f32 v32, v26;
	v32, _, _ =	vpop (xrf2);
	[tilespmem:s24+$0x70] =	vst v50;
	v50 =	vmul.f32 $5.000000000e-01, v1  }
0xee: {  	v28 =	vmovc v58;
	[tilespmem:s24+$0x50] =	vst v45;
	v62 =	vmovc v57;
	v57 =	vmov v4;
	v4 =	vshrl.u32 v1, $0x1;
	v45 =	vmul.f32 v15, v0;
	v0 =	vld [tilespmem:$0x1FF20]  }
0xef: {  	[tilespmem:$0x1FFA0] =	vst v28;
	v28 =	vbroadcast v32, $0xF;
	v4 =	vsub.s32 $0x5F3759DF, v4  }
0xf0: {  	v19 =	vmul.f32 v56, v19;
	(xrf2) =	vadd.scan.msk.f32 $0xffff, v22;
	[tilespmem:s24+$0x80] =	vst v52;
	v52 =	vmovc v21;
	v1 =	vmul.f32 v4, v50  }
0xf1: {  	v21 =	vmul.f32 $5.000000000e-01, v28;
	v50 =	vmov v3;
	v3 =	vshrl.u32 v28, $0x1;
	v51, _, _ =	vpop (xrf2)  }
0xf2: {  	[tilespmem:s24+$0xB0] =	vst v16;
	v3 =	vsub.s32 $0x5F3759DF, v3;
	v1 =	vmul.f32 v4, v1;
	v16 =	vbroadcast v51, $0xF  }
0xf3: {  	v28 =	vmovc v2;
	v2 =	vmul.f32 v3, v21;
	(xrf2) =	vadd.scan.msk.f32 $0xffff, v29;
	v15 =	vmul.f32 v15, v0  }
0xf4: {  	[tilespmem:s24+$0xC0] =	vst v19;
	v19, _, _ =	vpop (xrf2);
	v0 =	vsub.f32 $1.500000000e+00, v1;
	v1 =	vshrl.u32 v16, $0x1;
	v16 =	vmul.f32 $5.000000000e-01, v16  }
0xf5: {  	[tilespmem:s24+$0xFFFFFFD0] =	vst v37;
	v41 =	vmovc v11;
	v2 =	vmul.f32 v3, v2;
	v19 =	vbroadcast v19, $0xF;
	v1 =	vsub.s32 $0x5F3759DF, v1  }
0xf6: {  	v58 =	vmovc v59;
	v51 =	vmov v55;
	(xrf2) =	vadd.scan.msk.f32 $0xffff, v31;
	v55 =	vmul.f32 v4, v0;
	v0 =	vmul.f32 v1, v16  }
0xf7: {  	v2 =	vsub.f32 $1.500000000e+00, v2;
	[tilespmem:s24+$0x100] =	vst v5;
	v59, _, _ =	vpop (xrf2);
	v5 =	vmul.f32 $5.000000000e-01, v19;
	v4 =	vshrl.u32 v19, $0x1  }
0xf8: {  	v37 =	vmovc v9;
	(xrf2) =	vadd.scan.msk.f32 $0xffff, v23;
	v11 =	vbroadcast v59, $0xF;
	v4 =	vsub.s32 $0x5F3759DF, v4;
	v0 =	vmul.f32 v1, v0  }
0xf9: {  	[tilespmem:s24+$0xF0] =	vst v17;
	v17 =	vmovc v54;
	v54 =	vmul.f32 v3, v2;
	v59 =	vmov v6;
	v2 =	vmul.f32 v4, v5  }
0xfa: {  	[tilespmem:s24+$0x110] =	vst v20;
	v6, _, _ =	vpop (xrf2);
	v3 =	vshrl.u32 v11, $0x1;
	v5 =	vmul.f32 $5.000000000e-01, v11;
	v0 =	vsub.f32 $1.500000000e+00, v0  }
0xfb: {  	[tilespmem:s24+$0xD0] =	vst v38;
	v38 =	vmovc v35;
	v56 =	vmovc v60;
	v60 =	vbroadcast v6, $0xF;
	v3 =	vsub.s32 $0x5F3759DF, v3;
	v2 =	vmul.f32 v4, v2  }
0xfc: {  	[tilespmem:s24+$0xE0] =	vst v39;
	v39 =	vmovc v53;
	(xrf2) =	vadd.scan.msk.f32 $0xffff, v26;
	v53 =	vmul.f32 v1, v0;
	v0 =	vmul.f32 v3, v5  }
0xfd: {  	[tilespmem:s24+$0xA0] =	vst v33;
	v6, _, _ =	vpop (xrf2);
	v1 =	vsub.f32 $1.500000000e+00, v2;
	v2 =	vshrl.u32 v60, $0x1;
	v5 =	vmul.f32 $5.000000000e-01, v60  }
0xfe: {  	[tilespmem:s24+$0x120] =	vst v42;
	v42 =	vmovc v24;
	v26 =	vmovc v8;
	v8 =	vbroadcast v6, $0xF;
	v2 =	vsub.s32 $0x5F3759DF, v2;
	v0 =	vmul.f32 v3, v0  }
0xff: {  	v24 =	vmovc v7;
	v7 =	vmovc v48;
	v60 =	vmov v49;
	v49 =	vmul.f32 v4, v1;
	v1 =	vmul.f32 v2, v5  }
0x100: {  	s9 =	sadd.s32 $0xC, s9;
	v20 =	vld [tilespmem:$0x1FF70];
	[tilespmem:$0x1FFB0] =	vst v28;
	v6, _, _ =	vpop (xrf2);
	v4 =	vshrl.u32 v8, $0x1;
	v5 =	vmul.f32 $5.000000000e-01, v8;
	v0 =	vsub.f32 $1.500000000e+00, v0  }
0x101: {  	p1 =	slt.u32 s9, $0x6C;
	v35 =	vmovc v18;
	v18 =	vmovc v63;
	v63 =	vld [tilespmem:$0x1FF50];
	[tilespmem:$0x1FFF0] =	vst v7;
	v7 =	vmul.f32 v2, v1;
	v1 =	vsub.s32 $0x5F3759DF, v4;
	v4 =	vbroadcast v6, $0xF  }
.Ltmp2:
0x102: {  	v22 =	vmov v44;
	v29 =	vld [tilespmem:$0x1FF30];
	[tilespmem:s24+$0x130] =	vst v30;
	v6, _, _ =	vpop (xrf2);
	v48 =	vmul.f32 v3, v0;
	v0 =	vmul.f32 v1, v5;
	(pc) =	sbr.rel @p1 .LBB2_3-.Ltmp2, $4  }
0x103: {  	v32 =	vmovc v10;
	v28 =	vmovc v12;
	v31 =	vld [tilespmem:$0x1FF40];
	[tilespmem:s26+$0x140] =	vst v34;
	v34 =	vmov v27;
	v8 =	vbroadcast v6, $0xF;
	v3 =	vsub.f32 $1.500000000e+00, v7  }
0x104: {  	v23 =	vld [tilespmem:$0x1FF80];
	v27 =	vmovc v47;
	(xrf2) =	vadd.scan.msk.f32 $0xffff, v40;
	v5 =	vshrl.u32 v4, $0x1;
	v4 =	vmul.f32 $5.000000000e-01, v4;
	v7 =	vmul.f32 v1, v0  }
0x105: {  	v30 =	vld [tilespmem:$0x1FF90];
	v40 =	vmovc v13;
	[tilespmem:s26+$0x150] =	vst v45;
	v16 =	vmovc v14;
	v0 =	vsub.s32 $0x5F3759DF, v5;
	v47 =	vmul.f32 v2, v3;
	v5 =	vshrl.u32 v8, $0x1  }
0x106: {  	s11 =	simm.s32 $0x0;
	s23 =	sadd.s32 $0x300, s23;
	s24 =	smov.u32 s26;
	v19 =	vld [tilespmem:$0x1FF60];
	[tilespmem:s26+$0x160] =	vst v15;
	v6, _, _ =	vpop (xrf2);
	v3 =	vmul.f32 $5.000000000e-01, v8;
	v4 =	vmul.f32 v0, v4;
	v2 =	vsub.f32 $1.500000000e+00, v7  }
0x107: {  	v7 =	vmul.f32 v55, v42  }
0x108: {  	v45 =	vmul.f32 v55, v25  }
0x109: {  	v12 =	vmul.f32 v54, v20;
	[tilespmem:s26+$0xFFFFFE80] =	vst v7  }
0x10a: {  	v13 =	vmul.f32 v54, v63;
	[tilespmem:s26+$0xFFFFFEA0] =	vst v45  }
0x10b: {  	v14 =	vmul.f32 v54, v35;
	[tilespmem:s26+$0xFFFFFEC0] =	vst v12  }
0x10c: {  	v15 =	vmul.f32 v54, v43;
	[tilespmem:s26+$0xFFFFFED0] =	vst v13  }
0x10d: {  	[tilespmem:s26+$0xFFFFFEE0] =	vst v14;
	v20 =	vmul.f32 v53, v30  }
0x10e: {  	[tilespmem:s26+$0xFFFFFEF0] =	vst v15;
	v8 =	vmul.f32 v55, v19  }
0x10f: {  	v55 =	vmul.f32 v55, v36;
	[tilespmem:s26+$0xFFFFFF10] =	vst v20  }
0x110: {  	v19 =	vmul.f32 v53, v23;
	[tilespmem:s26+$0xFFFFFE90] =	vst v8  }
0x111: {  	[tilespmem:s26+$0xFFFFFEB0] =	vst v55  }
0x112: {  	[tilespmem:s26+$0xFFFFFF00] =	vst v19  }
0x113: {  	v8 =	vld [tilespmem:$0x1FFC0];
	_ =	sdelay $0x1  }
0x114: {  	v21 =	vmul.f32 v53, v34  }
0x115: {  	v23 =	vmul.f32 v49, v29  }
0x116: {  	v25 =	vmul.f32 v49, v31;
	[tilespmem:s26+$0xFFFFFF20] =	vst v21  }
0x117: {  	[tilespmem:s26+$0xFFFFFF40] =	vst v23;
	v8 =	vmul.f32 v53, v8  }
0x118: {  	v29 =	vmul.f32 v49, v38;
	[tilespmem:s26+$0xFFFFFF50] =	vst v25  }
0x119: {  	[tilespmem:s26+$0xFFFFFF30] =	vst v8  }
0x11a: {  	v8 =	vld [tilespmem:$0x1FFD0];
	[tilespmem:s26+$0xFFFFFF60] =	vst v29  }
0x11b: {  	v7 =	vld [tilespmem:$0x1FFA0];
	_ =	sdelay $0x2  }
0x11c: {  	v30 =	vmul.f32 v48, v62  }
0x11d: {  	v8 =	vmul.f32 v49, v8  }
0x11e: {  	[tilespmem:s24+$0xFFFFFF90] =	vst v30;
	v7 =	vmul.f32 v48, v7  }
0x11f: {  	[tilespmem:s24+$0xFFFFFF70] =	vst v8  }
0x120: {  	[tilespmem:s24+$0xFFFFFF80] =	vst v7  }
0x121: {  	v8 =	vld [tilespmem:$0x1FFE0];
	_ =	sdelay $0x1  }
0x122: {  	v31 =	vmul.f32 v48, v41  }
0x123: {  	v33 =	vmul.f32 v47, v58;
	v34 =	vmul.f32 v47, v46  }
0x124: {  	v5 =	vsub.s32 $0x5F3759DF, v5;
	v4 =	vmul.f32 v0, v4;
	v1 =	vmul.f32 v1, v2;
	[tilespmem:s24+$0xFFFFFFA0] =	vst v31  }
0x125: {  	v3 =	vmul.f32 v5, v3;
	[tilespmem:s24+$0xFFFFFFC0] =	vst v33;
	v8 =	vmul.f32 v48, v8  }
0x126: {  	v6 =	vbroadcast v6, $0xF;
	v35 =	vmul.f32 v47, v59;
	[tilespmem:s24+$0xFFFFFFD0] =	vst v34  }
0x127: {  	v4 =	vsub.f32 $1.500000000e+00, v4;
	v3 =	vmul.f32 v5, v3;
	v10 =	vmul.f32 v1, v61;
	[tilespmem:s24+$0xFFFFFFB0] =	vst v8  }
0x128: {  	v41 =	vmul.f32 v1, v57;
	v44 =	vmul.f32 v1, v32;
	v2 =	vld [tilespmem:$0x1FFF0];
	[tilespmem:s24+$0xFFFFFFE0] =	vst v35  }
0x129: {  	v36 =	vmul.f32 $5.000000000e-01, v6;
	v6 =	vshrl.u32 v6, $0x1;
	v43 =	vmul.f32 v0, v4;
	[tilespmem:s24+$0x0] =	vst v10  }
0x12a: {  	v1 =	vmul.f32 v1, v60;
	v42 =	vsub.s32 $0x5F3759DF, v6;
	v3 =	vsub.f32 $1.500000000e+00, v3;
	[tilespmem:s24+$0x10] =	vst v41  }
0x12b: {  	v6 =	vmul.f32 v42, v36;
	v46 =	vmul.f32 v43, v56;
	[tilespmem:s24+$0x20] =	vst v44  }
0x12c: {  	v3 =	vmul.f32 v5, v3;
	v48 =	vmul.f32 v43, v52;
	[tilespmem:s24+$0x30] =	vst v1  }
0x12d: {  	v9, _, _ =	vpop (xrf2);
	v0 =	vmul.f32 v43, v28;
	v52 =	vmul.f32 v43, v37;
	[tilespmem:s24+$0x40] =	vst v46  }
0x12e: {  	v38 =	vbroadcast v9, $0xF;
	v6 =	vmul.f32 v42, v6;
	[tilespmem:s24+$0x50] =	vst v48  }
0x12f: {  	v54 =	vmul.f32 v3, v50;
	v56 =	vmul.f32 v3, v51;
	[tilespmem:s24+$0x60] =	vst v52  }
0x130: {  	v45 =	vmul.f32 $5.000000000e-01, v38;
	[tilespmem:s24+$0x70] =	vst v0;
	v2 =	vmul.f32 v47, v2;
	v47 =	vshrl.u32 v38, $0x1  }
0x131: {  	[tilespmem:s24+$0x80] =	vst v54;
	v49 =	vsub.s32 $0x5F3759DF, v47  }
0x132: {  	v6 =	vsub.f32 $1.500000000e+00, v6;
	[tilespmem:s24+$0x90] =	vst v56;
	v53 =	vmul.f32 v49, v45  }
0x133: {  	v58 =	vmul.f32 v3, v39;
	[tilespmem:s24+$0xFFFFFFF0] =	vst v2  }
0x134: {  	v57 =	vmul.f32 v42, v6;
	v5 =	vld [tilespmem:$0x1FFB0];
	v55 =	vmul.f32 v49, v53  }
0x135: {  	v3 =	vmul.f32 v3, v40  }
0x136: {  	v59 =	vmul.f32 v57, v22;
	[tilespmem:s24+$0xA0] =	vst v58;
	v4 =	vsub.f32 $1.500000000e+00, v55  }
0x137: {  	v60 =	vmul.f32 v57, v24;
	[tilespmem:s24+$0xB0] =	vst v3  }
0x138: {  	v0 =	vmul.f32 v57, v27;
	[tilespmem:s24+$0xD0] =	vst v59;
	v1 =	vmul.f32 v49, v4  }
0x139: {  	[tilespmem:s24+$0xE0] =	vst v60;
	v5 =	vmul.f32 v57, v5  }
0x13a: {  	[tilespmem:s24+$0xF0] =	vst v0;
	v61 =	vmul.f32 v1, v17  }
0x13b: {  	[tilespmem:s24+$0xC0] =	vst v5;
	v62 =	vmul.f32 v1, v18  }
0x13c: {  	v63 =	vmul.f32 v1, v26;
	[tilespmem:s24+$0x100] =	vst v61  }
0x13d: {  	v1 =	vmul.f32 v1, v16;
	[tilespmem:s24+$0x110] =	vst v62  }
0x13e: {  	[tilespmem:s24+$0x120] =	vst v63  }
0x13f: {  	[tilespmem:s24+$0x130] =	vst v1  }
.LBB2_5:
0x140: {  	s9 =	sshra.s32 s11, $0x2  }
0x141: {  	v0 =	vld [tilespmem:s9+$0x2000]  }
0x142: {  	v1 =	vld [tilespmem:s9+$0x2010];
	_ =	sdelay $0x1  }
0x143: {  	v2 =	vld [tilespmem:s9+$0x2020];
	_ =	sdelay $0x1  }
0x144: {  	v3 =	vld [tilespmem:s9+$0x2030]  }
0x145: {  	v4 =	vmul.f32 v0, v0;
	v5 =	vmul.f32 v1, v1;
	_ =	sdelay $0x1  }
0x146: {  	v59 =	vmul.f32 v2, v2;
	v4 =	vadd.f32 v5, v4;
	_ =	sdelay $0x1  }
0x147: {  	v60 =	vmul.f32 v3, v3;
	v4 =	vadd.f32 v59, v4;
	_ =	sdelay $0x1  }
0x148: {  	v4 =	vadd.f32 v60, v4;
	_ =	sdelay $0x1  }
0x149: {  	(xrf2) =	vadd.scan.msk.f32 $0xffff, v4;
	_ =	sdelay $0x9  }
0x14a: {  	v4, _, _ =	vpop (xrf2)  }
0x14b: {  	v4 =	vbroadcast v4, $0xF;
	_ =	sdelay $0x1  }
0x14c: {  	v61 =	vshrl.u32 v4, $0x1;
	v4 =	vmul.f32 $-5.000000000e-01, v4  }
0x14d: {  	v5 =	vsub.s32 $0x5F3759DF, v61  }
0x14e: {  	v4 =	vmul.f32 v5, v4;
	_ =	sdelay $0x1  }
0x14f: {  	v4 =	vmul.f32 v5, v4;
	_ =	sdelay $0x1  }
0x150: {  	v4 =	vadd.f32 $1.500000000e+00, v4;
	_ =	sdelay $0x1  }
0x151: {  	v4 =	vmul.f32 v5, v4;
	_ =	sdelay $0x1  }
0x152: {  	p1 =	sne.s32 s11, $0x700;
	v0 =	vmul.f32 v4, v0  }
.Ltmp3:
0x153: {  	v1 =	vmul.f32 v4, v1;
	(pc) =	sbr.rel @p1 .LBB2_5-.Ltmp3, $4  }
0x154: {  	v62 =	vmul.f32 v4, v2;
	[tilespmem:s9+$0xA000] =	vst v0  }
0x155: {  	v63 =	vmul.f32 v4, v3;
	[tilespmem:s9+$0xA010] =	vst v1  }
0x156: {  	[tilespmem:s9+$0xA020] =	vst v62  }
0x157: {  	s11 =	sadd.s32 $0x100, s11;
	[tilespmem:s9+$0xA030] =	vst v63  }
0x158: {  	p1 =	sne.s32 s18, $0x31  }
.Ltmp4:
0x159: {  	s9 =	sshll.u32 s18, $0xF;
	(pc) =	sbr.rel @p1 .LBB2_8-.Ltmp4, $4  }
0x15a: {  	s9 =	sadd.s32 s10, s9  }
0x15b: {  	s9 =	sshrl.u32 s9, $0x3  }
0x15c: {  	s9 =	sadd.s32 s2, s9  }
0x15d: {  	[hbm4b:s9+s3] =	stream.linear.scatter [tilespmem:s1], [sflag:$0x9], $0x2000, $0x38;
	[tilespmem:$0xC200] =	vst v63  }
.Ltmp5:
0x15e: {  	(pc) =	sbr.rel .LBB2_9-.Ltmp5, $4  }
0x15f: {  	_ = 	snop  }
0x160: {  	_ =	swait.ge [sflag:s0], $0x2000  }
0x161: {  	[sflag:s0] =	ssyncset.done $0x0  }
0x162: {  	[sflag:s0] =	ssyncadd.s32 $0xFFFFE000  }
.LBB2_8:
0x163: {  	s9 =	rddreg [dreg:$0x7]  }
0x164: {  	s9 =	sadd.s32 s6, s9  }
0x165: {  	s9 =	sshrl.u32 s9, $0x3  }
0x166: {  	s9 =	sadd.s32 s4, s9  }
0x167: {  	[tilespmem:s3], [sflag:$0x1] =	stream.linear.gather [hbm4b:s9+s3], $0x80, $0x38;
	[tilespmem:$0xC200] =	vst v63  }
0x168: {  	_ =	swait.ge [sflag:s22], $0x80  }
0x169: {  	[sflag:s22] =	ssyncset.done $0x0  }
.Ltmp6:
0x16a: {  	s26 =	simm.s32 $0x200;
	[sflag:s22] =	ssyncadd.s32 $0xFFFFFF80;
	(pc) =	sbr.rel @p0 .LBB2_10-.Ltmp6, $4  }
0x16b: {  	[tilespmem:s26], [sflag:$0x5] =	stream.indirect.gather [hbm4b:s5+s19], $0x40, s3, s19, $0xb8;
	[tilespmem:$0xC200] =	vst v63  }
0x16c: {  	_ =	swait.ge [sflag:s0], $0x2000  }
0x16d: {  	[sflag:s0] =	ssyncset.done $0x0  }
0x16e: {  	[sflag:s0] =	ssyncadd.s32 $0xFFFFE000  }
.LBB2_9:
0x16f: {  	_ =	swait.ge [sflag:s25], $0x2000  }
0x170: {  	[sflag:s25] =	ssyncset.done $0x0  }
0x171: {  	[sflag:s25] =	ssyncadd.s32 $0xFFFFE000  }
.LBB2_10:
0x172: {  	s9 =	simm.s32 $0x24F0  }
0x173: {  	v2 =	vld [tilespmem:s9+$0xFFFFFFD0]  }
0x174: {  	v1 =	vld [tilespmem:s9+$0xFFFFFFE0]  }
0x175: {  	v19 =	vld [tilespmem:s9+$0xFFFFFD20]  }
0x176: {  	v0 =	vld [tilespmem:s9+$0xFFFFFFF0]  }
0x177: {  	v20 =	vld [tilespmem:s9+$0xFFFFFD50]  }
0x178: {  	v3 =	vld [tilespmem:s9+$0x0]  }
0x179: {  	v63 =	vld [tilespmem:s9+$0xFFFFFD60]  }
0x17a: {  	v23 =	vld [tilespmem:s9+$0xFFFFFD90]  }
0x17b: {  	v30 =	vld [tilespmem:s9+$0xFFFFFDA0]  }
0x17c: {  	v29 =	vld [tilespmem:s9+$0xFFFFFDD0]  }
0x17d: {  	v31 =	vld [tilespmem:s9+$0xFFFFFDE0]  }
0x17e: {  	v10 =	vld [tilespmem:s9+$0xFFFFFE10]  }
0x17f: {  	v62 =	vld [tilespmem:s9+$0xFFFFFE20]  }
0x180: {  	v58 =	vld [tilespmem:s9+$0xFFFFFE50]  }
0x181: {  	v46 =	vld [tilespmem:s9+$0xFFFFFE60];
	v4 =	vmul.f32 v2, v2;
	v5 =	vmul.f32 v1, v1  }
0x182: {  	v61 =	vld [tilespmem:s9+$0xFFFFFE90]  }
0x183: {  	v57 =	vld [tilespmem:s9+$0xFFFFFEA0];
	v4 =	vadd.f32 v5, v4;
	v5 =	vmul.f32 v0, v0  }
0x184: {  	v56 =	vld [tilespmem:s9+$0xFFFFFED0]  }
0x185: {  	v52 =	vld [tilespmem:s9+$0xFFFFFEE0];
	v4 =	vadd.f32 v5, v4;
	v5 =	vmul.f32 v3, v3  }
0x186: {  	v50 =	vld [tilespmem:s9+$0xFFFFFF10]  }
0x187: {  	v51 =	vld [tilespmem:s9+$0xFFFFFF20];
	v4 =	vadd.f32 v5, v4  }
0x188: {  	v42 =	vld [tilespmem:s9+$0xFFFFFD10]  }
0x189: {  	v16 =	vld [tilespmem:s9+$0xFFFFFF50];
	(xrf2) =	vadd.scan.msk.f32 $0xffff, v4  }
0x18a: {  	v25 =	vld [tilespmem:s9+$0xFFFFFD30];
	v6 =	vmul.f32 v63, v63;
	v7 =	vmul.f32 v23, v23  }
0x18b: {  	v22 =	vld [tilespmem:s9+$0xFFFFFF60];
	v8 =	vmul.f32 v30, v30;
	v9 =	vmul.f32 v29, v29  }
0x18c: {  	v17 =	vld [tilespmem:s9+$0xFFFFFF90];
	[tilespmem:$0x1FDB0] =	vst v10;
	v10 =	vmul.f32 v10, v10;
	v11 =	vmul.f32 v58, v58  }
0x18d: {  	v37 =	vmul.f32 v46, v46;
	v12 =	vmul.f32 v42, v42  }
0x18e: {  	v38 =	vmul.f32 v61, v61;
	v13 =	vmul.f32 v57, v57;
	v18 =	vld [tilespmem:s9+$0xFFFFFFA0]  }
0x18f: {  	v14 =	vmul.f32 v25, v25;
	v36 =	vld [tilespmem:s9+$0xFFFFFD40];
	v5 =	vmul.f32 v20, v20  }
0x190: {  	v45 =	vmul.f32 v56, v56;
	v47 =	vmul.f32 v52, v52;
	v35 =	vld [tilespmem:s9+$0xFFFFFD70]  }
0x191: {  	v26 =	vmul.f32 v50, v50;
	v34 =	vld [tilespmem:s9+$0xFFFFFDB0];
	v5 =	vadd.f32 v6, v5;
	v6 =	vmul.f32 v31, v31  }
0x192: {  	v53 =	vmul.f32 v51, v51;
	v43 =	vld [tilespmem:s9+$0xFFFFFD80];
	v4 =	vmul.f32 v19, v19  }
0x193: {  	v41 =	vld [tilespmem:s9+$0xFFFFFE30];
	v7 =	vadd.f32 v8, v7;
	v8 =	vmul.f32 v62, v62;
	v6 =	vadd.f32 v6, v9;
	v39, _, _ =	vpop (xrf2)  }
0x194: {  	v33 =	vld [tilespmem:s9+$0xFFFFFDC0];
	v9 =	vadd.f32 v37, v11;
	v4 =	vadd.f32 v4, v12;
	v11 =	vbroadcast v39, $0xF  }
0x195: {  	v55 =	vmul.f32 v22, v22;
	v59 =	vld [tilespmem:s9+$0xFFFFFE70];
	v8 =	vadd.f32 v8, v10;
	v48 =	vmul.f32 v36, v36  }
0x196: {  	v32 =	vld [tilespmem:s9+$0xFFFFFEB0];
	v4 =	vadd.f32 v14, v4;
	v15 =	vshrl.u32 v11, $0x1;
	v11 =	vmul.f32 $5.000000000e-01, v11  }
0x197: {  	v10 =	vadd.f32 v13, v38;
	v38 =	vld [tilespmem:s9+$0xFFFFFDF0];
	[tilespmem:$0x1FDC0] =	vst v16;
	v21 =	vmul.f32 v35, v35;
	v15 =	vsub.s32 $0x5F3759DF, v15  }
0x198: {  	v27 =	vld [tilespmem:s9+$0xFFFFFE00];
	v49 =	vmul.f32 v43, v43;
	v4 =	vadd.f32 v48, v4;
	v11 =	vmul.f32 v15, v11  }
0x199: {  	v24 =	vld [tilespmem:s9+$0xFFFFFF70];
	v54 =	vmul.f32 v34, v34;
	v60 =	vmul.f32 v33, v33;
	v5 =	vadd.f32 v21, v5  }
0x19a: {  	v13 =	vadd.f32 v53, v26;
	v40 =	vmul.f32 v41, v41;
	v37 =	vld [tilespmem:s9+$0xFFFFFEF0];
	(xrf2) =	vadd.scan.msk.f32 $0xffff, v4;
	v4 =	vmul.f32 v15, v11  }
0x19b: {  	v7 =	vadd.f32 v54, v7;
	v21 =	vmul.f32 v16, v16;
	v5 =	vadd.f32 v49, v5;
	v39 =	vld [tilespmem:s9+$0xFFFFFF30];
	[tilespmem:$0x1FDD0] =	vst v33  }
0x19c: {  	v8 =	vadd.f32 v40, v8;
	v26 =	vmul.f32 v38, v38;
	v16 =	vld [tilespmem:s9+$0xFFFFFE40];
	v4 =	vsub.f32 $1.500000000e+00, v4  }
0x19d: {  	v44 =	vmul.f32 v17, v17;
	v7 =	vadd.f32 v60, v7;
	(xrf2) =	vadd.scan.msk.f32 $0xffff, v5;
	v5 =	vadd.f32 v55, v21;
	v21 =	vld [tilespmem:s9+$0xFFFFFE80]  }
0x19e: {  	v6 =	vadd.f32 v26, v6;
	v26 =	vld [tilespmem:s9+$0xFFFFFFB0];
	[tilespmem:$0x1FDE0] =	vst v27;
	v4 =	vmul.f32 v15, v4;
	v15 =	vmul.f32 v27, v27  }
0x19f: {  	v12 =	vadd.f32 v47, v45;
	v45 =	vmul.f32 v59, v59;
	v47 =	vmul.f32 v32, v32;
	v28 =	vld [tilespmem:s9+$0xFFFFFF00]  }
0x1a0: {  	v53 =	vmul.f32 v24, v24;
	v48 =	vmul.f32 v37, v37;
	(xrf2) =	vadd.scan.msk.f32 $0xffff, v7;
	v40 =	vld [tilespmem:s9+$0xFFFFFF40];
	v6 =	vadd.f32 v15, v6  }
0x1a1: {  	v14 =	vmul.f32 v18, v18;
	v10 =	vadd.f32 v47, v10;
	v49 =	vmul.f32 v39, v39  }
0x1a2: {  	v7 =	vadd.f32 v45, v9;
	v9 =	vadd.f32 v48, v12;
	v60 =	vld [tilespmem:s9+$0xFFFFFEC0];
	[tilespmem:$0x1FDF0] =	vst v16;
	v15 =	vmul.f32 v16, v16  }
0x1a3: {  	v54 =	vmul.f32 v21, v21;
	v11 =	vadd.f32 v49, v13;
	v27 =	vld [tilespmem:s9+$0xFFFFFF80];
	[tilespmem:$0x1FE00] =	vst v21;
	(xrf2) =	vadd.scan.msk.f32 $0xffff, v6  }
0x1a4: {  	v13 =	vmul.f32 v26, v26;
	v45 =	vmul.f32 v28, v28;
	v16 =	vld [tilespmem:s9+$0xFFFFFFC0];
	v8 =	vadd.f32 v15, v8;
	v6, _, _ =	vpop (xrf2)  }
0x1a5: {  	v5 =	vadd.f32 v53, v5;
	v47 =	vmul.f32 v40, v40;
	v6 =	vbroadcast v6, $0xF  }
0x1a6: {  	v7 =	vadd.f32 v54, v7;
	v3 =	vmul.f32 v4, v3;
	v2 =	vmul.f32 v4, v2;
	(xrf2) =	vadd.scan.msk.f32 $0xffff, v8  }
0x1a7: {  	v15 =	vmul.f32 v60, v60;
	v21, _, _ =	vpop (xrf2);
	v8 =	vshrl.u32 v6, $0x1;
	v6 =	vmul.f32 $5.000000000e-01, v6  }
0x1a8: {  	v12 =	vmul.f32 v27, v27;
	v21 =	vbroadcast v21, $0xF;
	v8 =	vsub.s32 $0x5F3759DF, v8  }
0x1a9: {  	v10 =	vadd.f32 v15, v10;
	(xrf2) =	vadd.scan.msk.f32 $0xffff, v7;
	v48 =	vmul.f32 v16, v16;
	v6 =	vmul.f32 v8, v6  }
0x1aa: {  	v7 =	vmul.f32 $5.000000000e-01, v21;
	v15 =	vshrl.u32 v21, $0x1;
	v21 =	vmul.f32 v4, v1;
	v1, _, _ =	vpop (xrf2)  }
0x1ab: {  	v15 =	vsub.s32 $0x5F3759DF, v15;
	v1 =	vbroadcast v1, $0xF;
	v6 =	vmul.f32 v8, v6  }
0x1ac: {  	v9 =	vadd.f32 v45, v9;
	v4 =	vmul.f32 v4, v0;
	(xrf2) =	vadd.scan.msk.f32 $0xffff, v10;
	v7 =	vmul.f32 v15, v7  }
0x1ad: {  	v55, _, _ =	vpop (xrf2);
	v0 =	vsub.f32 $1.500000000e+00, v6;
	v6 =	vshrl.u32 v1, $0x1;
	v1 =	vmul.f32 $5.000000000e-01, v1  }
0x1ae: {  	v7 =	vmul.f32 v15, v7;
	v10 =	vbroadcast v55, $0xF;
	v6 =	vsub.s32 $0x5F3759DF, v6  }
0x1af: {  	v11 =	vadd.f32 v47, v11;
	(xrf2) =	vadd.scan.msk.f32 $0xffff, v9;
	v55 =	vmul.f32 v8, v0;
	v0 =	vmul.f32 v6, v1  }
0x1b0: {  	v33, _, _ =	vpop (xrf2);
	v1 =	vsub.f32 $1.500000000e+00, v7;
	v7 =	vshrl.u32 v10, $0x1;
	v8 =	vmul.f32 $5.000000000e-01, v10  }
0x1b1: {  	v9 =	vbroadcast v33, $0xF;
	v7 =	vsub.s32 $0x5F3759DF, v7;
	v0 =	vmul.f32 v6, v0  }
0x1b2: {  	v5 =	vadd.f32 v12, v5;
	v54 =	vmul.f32 v15, v1;
	v1 =	vmul.f32 v7, v8  }
0x1b3: {  	(xrf2) =	vadd.scan.msk.f32 $0xffff, v11;
	v45, _, _ =	vpop (xrf2);
	v8 =	vshrl.u32 v9, $0x1;
	v9 =	vmul.f32 $5.000000000e-01, v9;
	v0 =	vsub.f32 $1.500000000e+00, v0  }
0x1b4: {  	v10 =	vbroadcast v45, $0xF;
	v8 =	vsub.s32 $0x5F3759DF, v8;
	v1 =	vmul.f32 v7, v1  }
0x1b5: {  	v47 =	vadd.f32 v14, v44;
	v53 =	vmul.f32 v6, v0;
	v0 =	vmul.f32 v8, v9  }
0x1b6: {  	(xrf2) =	vadd.scan.msk.f32 $0xffff, v5;
	v5 =	vshrl.u32 v10, $0x1;
	v49, _, _ =	vpop (xrf2);
	v1 =	vsub.f32 $1.500000000e+00, v1;
	v6 =	vmul.f32 $5.000000000e-01, v10  }
0x1b7: {  	v5 =	vsub.s32 $0x5F3759DF, v5;
	v9 =	vbroadcast v49, $0xF;
	v0 =	vmul.f32 v8, v0  }
0x1b8: {  	v12 =	vadd.f32 v13, v47;
	v49 =	vmul.f32 v7, v1;
	v1 =	vmul.f32 v5, v6  }
0x1b9: {  	v13, _, _ =	vpop (xrf2);
	v6 =	vshrl.u32 v9, $0x1;
	v7 =	vmul.f32 $5.000000000e-01, v9;
	v0 =	vsub.f32 $1.500000000e+00, v0  }
0x1ba: {  	s26 =	simm.s32 $0xA4F0;
	v14 =	vmul.f32 v5, v1;
	v1 =	vsub.s32 $0x5F3759DF, v6;
	v6 =	vbroadcast v13, $0xF  }
0x1bb: {  	[tilespmem:s26+$0x0] =	vst v3;
	v3 =	vadd.f32 v48, v12;
	v48 =	vmul.f32 v8, v0  }
0x1bc: {  	v0 =	vmul.f32 v1, v7;
	v7 =	vshrl.u32 v6, $0x1;
	v6 =	vmul.f32 $5.000000000e-01, v6  }
0x1bd: {  	[tilespmem:s26+$0xFFFFFFD0] =	vst v2;
	v2 =	vsub.f32 $1.500000000e+00, v14;
	v8, _, _ =	vpop (xrf2)  }
0x1be: {  	[tilespmem:s26+$0xFFFFFFE0] =	vst v21;
	v33 =	vmul.f32 v1, v0;
	v0 =	vsub.s32 $0x5F3759DF, v7;
	v7 =	vbroadcast v8, $0xF  }
0x1bf: {  	[tilespmem:s26+$0xFFFFFFF0] =	vst v4;
	v47 =	vmul.f32 v5, v2;
	v4 =	vmul.f32 v0, v6  }
0x1c0: {  	s23 =	simm.s32 $0x27F0;
	s24 =	simm.s32 $0xA4F0;
	s9 =	simm.s32 $0x0;
	(xrf2) =	vadd.scan.msk.f32 $0xffff, v3;
	v2 =	vsub.f32 $1.500000000e+00, v33;
	v5 =	vshrl.u32 v7, $0x1;
	v3 =	vmul.f32 $5.000000000e-01, v7;
	v6, _, _ =	vpop (xrf2)  }
.LBB2_11:
0x1c1: {  	[tilespmem:$0x1FC20] =	vst v61  }
0x1c2: {  	[tilespmem:$0x1FCB0] =	vst v22  }
0x1c3: {  	[tilespmem:$0x1FCC0] =	vst v24  }
0x1c4: {  	[tilespmem:$0x1FCF0] =	vst v26  }
0x1c5: {  	[tilespmem:$0x1FC30] =	vst v56  }
0x1c6: {  	[tilespmem:$0x1FCD0] =	vst v27  }
0x1c7: {  	[tilespmem:$0x1FC50] =	vst v37  }
0x1c8: {  	[tilespmem:$0x1FC60] =	vst v28  }
0x1c9: {  	[tilespmem:$0x1FCA0] =	vst v40;
	v8 =	vld [tilespmem:s23+$0xFFFFFFD0];
	v6 =	vbroadcast v6, $0xF  }
0x1ca: {  	[tilespmem:$0x1FC90] =	vst v39;
	v5 =	vsub.s32 $0x5F3759DF, v5;
	v13 =	vld [tilespmem:s23+$0xFFFFFFE0];
	v24 =	vmul.f32 v54, v35;
	v4 =	vmul.f32 v0, v4  }
0x1cb: {  	[tilespmem:$0x1FC40] =	vst v52;
	v15 =	vld [tilespmem:s23+$0xFFFFFFF0];
	v52 =	vmul.f32 v1, v2;
	v1 =	vmul.f32 v5, v3  }
0x1cc: {  	[tilespmem:$0x1FCE0] =	vst v17;
	v9 =	vld [tilespmem:s23+$0xFFFFFD50];
	v3 =	vsub.f32 $1.500000000e+00, v4;
	v4 =	vshrl.u32 v6, $0x1;
	v6 =	vmul.f32 $5.000000000e-01, v6;
	v7, _, _ =	vpop (xrf2)  }
0x1cd: {  	[tilespmem:$0x1FC70] =	vst v50;
	v12 =	vld [tilespmem:s23+$0x0];
	v1 =	vmul.f32 v5, v1;
	v7 =	vbroadcast v7, $0xF  }
0x1ce: {  	[tilespmem:$0x1FD00] =	vst v16;
	v10 =	vld [tilespmem:s23+$0xFFFFFD60];
	v4 =	vsub.s32 $0x5F3759DF, v4;
	v27 =	vmul.f32 v54, v20;
	v50 =	vmul.f32 v0, v3  }
0x1cf: {  	v14 =	vld [tilespmem:s23+$0xFFFFFDA0];
	[tilespmem:s26+$0xFFFFFD70] =	vst v24;
	v0 =	vmul.f32 v4, v6;
	v3 =	vshrl.u32 v7, $0x1;
	v6 =	vmul.f32 $5.000000000e-01, v7  }
0x1d0: {  	v16 =	vld [tilespmem:s23+$0xFFFFFDD0];
	[tilespmem:$0x1FD10] =	vst v8;
	v8 =	vmul.f32 v8, v8;
	v11 =	vmul.f32 v13, v13;
	v3 =	vsub.s32 $0x5F3759DF, v3  }
0x1d1: {  	v24 =	vmul.f32 v53, v23;
	[tilespmem:$0x1FD20] =	vst v13;
	v13 =	vld [tilespmem:s23+$0xFFFFFD90];
	v6 =	vmul.f32 v3, v6  }
0x1d2: {  	v2 =	vld [tilespmem:s23+$0xFFFFFD20];
	[tilespmem:$0x1FD30] =	vst v15;
	v15 =	vmul.f32 v15, v15;
	v11 =	vadd.f32 v11, v8;
	v0 =	vmul.f32 v4, v0  }
0x1d3: {  	[tilespmem:$0x1FC80] =	vst v51;
	v37 =	vmovc v58;
	v58 =	vld [tilespmem:s23+$0xFFFFFE10];
	v1 =	vsub.f32 $1.500000000e+00, v1;
	v51 =	vmul.f32 v9, v9;
	v6 =	vmul.f32 v3, v6  }
0x1d4: {  	v45 =	vmovc v59;
	v40 =	vmovc v57;
	v57 =	vld [tilespmem:s23+$0xFFFFFE20];
	v11 =	vadd.f32 v15, v11;
	v15 =	vmul.f32 v12, v12;
	v0 =	vsub.f32 $1.500000000e+00, v0  }
0x1d5: {  	v39 =	vmovc v62;
	v33 =	vmul.f32 v10, v10;
	[tilespmem:s26+$0xFFFFFD50] =	vst v27;
	v8 =	vld [tilespmem:s23+$0xFFFFFDE0];
	v62 =	vmul.f32 v5, v1;
	v1 =	vsub.f32 $1.500000000e+00, v6  }
0x1d6: {  	v59 =	vld [tilespmem:s23+$0xFFFFFE50];
	[tilespmem:s26+$0xFFFFFD90] =	vst v24;
	v5 =	vmul.f32 v13, v13;
	v56 =	vmul.f32 v4, v0;
	v6 =	vadd.f32 v15, v11  }
0x1d7: {  	v61 =	vld [tilespmem:s23+$0xFFFFFE60];
	v4 =	vmovc v2;
	v15 =	vadd.f32 v33, v51;
	v51 =	vmul.f32 v3, v1;
	v3 =	vmul.f32 v55, v42  }
0x1d8: {  	v28 =	vmovc v60;
	v60 =	vld [tilespmem:s23+$0xFFFFFED0];
	v0 =	vmul.f32 v14, v14;
	[tilespmem:$0x1FD70] =	vst v4;
	(xrf2) =	vadd.scan.msk.f32 $0xffff, v6;
	v6 =	vmul.f32 v55, v19  }
0x1d9: {  	v21 =	vld [tilespmem:s23+$0xFFFFFEE0];
	v1 =	vmul.f32 v16, v16;
	v42 =	vmov v18;
	v18 =	vmul.f32 v53, v34;
	[tilespmem:s26+$0xFFFFFD10] =	vst v3  }
0x1da: {  	v7 =	vmul.f32 v2, v2;
	v4 =	vld [tilespmem:s23+$0xFFFFFEA0];
	v17 =	vadd.f32 v0, v5;
	v0 =	vmul.f32 v8, v8;
	[tilespmem:s26+$0xFFFFFD20] =	vst v6  }
0x1db: {  	v2 =	vmul.f32 v58, v58;
	v5 =	vld [tilespmem:s23+$0xFFFFFE90];
	v3 =	vmul.f32 v55, v25;
	[tilespmem:s26+$0xFFFFFDB0] =	vst v18;
	v25 =	vmov v8  }
0x1dc: {  	v19 =	vadd.f32 v0, v1;
	v0 =	vmul.f32 v57, v57;
	v6 =	vmul.f32 v55, v36;
	v55 =	vld [tilespmem:s23+$0xFFFFFF20];
	[tilespmem:$0x1FD50] =	vst v25  }
0x1dd: {  	v18 =	vld [tilespmem:$0x1FDD0];
	[tilespmem:s26+$0xFFFFFD30] =	vst v3;
	v1 =	vmov v9  }
0x1de: {  	v25 =	vld [tilespmem:$0x1FDE0];
	v20 =	vadd.f32 v0, v2;
	v0 =	vmul.f32 v61, v61;
	[tilespmem:s26+$0xFFFFFD40] =	vst v6;
	v6 =	vmul.f32 v54, v63  }
0x1df: {  	v44 =	vmul.f32 v59, v59;
	v2 =	vld [tilespmem:s23+$0xFFFFFF50];
	[tilespmem:$0x1FD80] =	vst v1  }
0x1e0: {  	v29 =	vmul.f32 v49, v29;
	v3 =	vld [tilespmem:s23+$0xFFFFFF10];
	[tilespmem:s26+$0xFFFFFD60] =	vst v6;
	v6 =	vmul.f32 v54, v43;
	v1 =	vmov v10  }
0x1e1: {  	v35 =	vmul.f32 v60, v60;
	v33 =	vmul.f32 v4, v4;
	v22 =	vadd.f32 v0, v44;
	v44 =	vld [tilespmem:s23+$0xFFFFFF60];
	[tilespmem:$0x1FD60] =	vst v1  }
0x1e2: {  	v36 =	vmul.f32 v21, v21;
	v24 =	vld [tilespmem:s23+$0xFFFFFD10];
	[tilespmem:s26+$0xFFFFFD80] =	vst v6;
	v6 =	vmul.f32 v53, v30;
	v0 =	vmov v14  }
0x1e3: {  	v63 =	vmul.f32 v5, v5;
	v54 =	vld [tilespmem:s23+$0xFFFFFF90];
	v9 =	vmul.f32 v55, v55;
	[tilespmem:$0x1FDA0] =	vst v0  }
0x1e4: {  	v43 =	vmul.f32 v53, v18;
	v0 =	vld [tilespmem:s23+$0xFFFFFD30];
	v1 =	vmov v13;
	v27, _, _ =	vpop (xrf2);
	[tilespmem:s26+$0xFFFFFDA0] =	vst v6;
	v6 =	vmul.f32 v2, v2  }
0x1e5: {  	v10 =	vmul.f32 v3, v3;
	v13 =	vadd.f32 v33, v63;
	v63 =	vld [tilespmem:s23+$0xFFFFFFA0];
	[tilespmem:$0x1FD90] =	vst v1;
	v11 =	vbroadcast v27, $0xF  }
0x1e6: {  	v14 =	vadd.f32 v36, v35;
	v33 =	vmul.f32 v49, v38;
	v53 =	vmul.f32 v44, v44;
	v27 =	vld [tilespmem:s23+$0xFFFFFDB0];
	[tilespmem:s26+$0xFFFFFDC0] =	vst v43  }
0x1e7: {  	v25 =	vmul.f32 v49, v25;
	v23 =	vadd.f32 v9, v10;
	v1 =	vmovc v32;
	v34 =	vshrl.u32 v11, $0x1;
	v32 =	vld [tilespmem:s23+$0xFFFFFDF0];
	[tilespmem:s26+$0xFFFFFDD0] =	vst v29  }
0x1e8: {  	v11 =	vmul.f32 $5.000000000e-01, v11;
	v26 =	vadd.f32 v53, v6;
	v29 =	vmul.f32 v49, v31;
	[tilespmem:s26+$0xFFFFFDF0] =	vst v33;
	v6 =	vmovc v16  }
0x1e9: {  	v18 =	vld [tilespmem:s23+$0xFFFFFD70];
	v9 =	vmul.f32 v54, v54;
	v43 =	vmul.f32 v24, v24;
	v36 =	vsub.s32 $0x5F3759DF, v34;
	[tilespmem:$0x1FD40] =	vst v6  }
0x1ea: {  	v10 =	vmul.f32 v63, v63;
	v35 =	vmul.f32 v36, v11;
	v6 =	vld [tilespmem:s23+$0xFFFFFE70];
	[tilespmem:s26+$0xFFFFFDE0] =	vst v29  }
0x1eb: {  	v7 =	vadd.f32 v7, v43;
	[tilespmem:s24+$0xFFFFFE00] =	vst v25;
	v25 =	vld [tilespmem:$0x1FDB0]  }
0x1ec: {  	v16 =	vmul.f32 v0, v0;
	v30 =	vadd.f32 v10, v9;
	v35 =	vmul.f32 v36, v35;
	v9 =	vld [tilespmem:s23+$0xFFFFFEF0]  }
0x1ed: {  	v31 =	vmul.f32 v27, v27  }
0x1ee: {  	v43 =	vmul.f32 v18, v18;
	v16 =	vadd.f32 v16, v7;
	v7 =	vld [tilespmem:s23+$0xFFFFFF70];
	v35 =	vsub.f32 $1.500000000e+00, v35  }
0x1ef: {  	v17 =	vadd.f32 v31, v17;
	v31 =	vmul.f32 v6, v6  }
0x1f0: {  	v33 =	vmul.f32 v48, v41;
	v41 =	vld [tilespmem:$0x1FDF0];
	v34 =	vadd.f32 v43, v15;
	v15 =	vmul.f32 v36, v35  }
0x1f1: {  	v49 =	vmul.f32 v48, v25;
	v25 =	vld [tilespmem:s23+$0xFFFFFE00];
	v22 =	vadd.f32 v31, v22;
	v31 =	vmul.f32 v9, v9;
	_ =	sdelay $0x1  }
0x1f2: {  	v53 =	vld [tilespmem:s23+$0xFFFFFF30];
	v12 =	vmul.f32 v15, v12;
	v31 =	vadd.f32 v31, v14;
	v14 =	vmul.f32 v7, v7  }
0x1f3: {  	v11 =	vld [tilespmem:s23+$0xFFFFFE30];
	s26 =	sadd.s32 $0x300, s26  }
0x1f4: {  	v43 =	vld [tilespmem:s23+$0xFFFFFD80];
	[tilespmem:s26+$0x0] =	vst v12;
	v26 =	vadd.f32 v14, v26;
	v14 =	vmul.f32 v47, v37  }
0x1f5: {  	v39 =	vmul.f32 v48, v39;
	v12 =	vmul.f32 v48, v41;
	v48 =	vld [tilespmem:s23+$0xFFFFFE80];
	[tilespmem:$0x1FDE0] =	vst v25  }
0x1f6: {  	[tilespmem:s24+$0xFFFFFE50] =	vst v14;
	v14 =	vmul.f32 v25, v25;
	v25 =	vmov v0;
	v0 =	vld [tilespmem:$0x1FE00]  }
0x1f7: {  	[tilespmem:s24+$0xFFFFFE20] =	vst v39;
	v38 =	vmul.f32 v53, v53;
	v36 =	vld [tilespmem:s23+$0xFFFFFD40]  }
0x1f8: {  	[tilespmem:s24+$0xFFFFFE10] =	vst v49  }
0x1f9: {  	v23 =	vadd.f32 v38, v23;
	v38 =	vld [tilespmem:s23+$0xFFFFFE40];
	[tilespmem:s24+$0xFFFFFE30] =	vst v33;
	v33 =	vmul.f32 v43, v43;
	_ =	sdelay $0x1  }
0x1fa: {  	v33 =	vadd.f32 v33, v34;
	v34 =	vmul.f32 v47, v0;
	v0 =	vld [tilespmem:$0x1FC20]  }
0x1fb: {  	v41 =	vmul.f32 v36, v36;
	_ =	sdelay $0x1  }
0x1fc: {  	v16 =	vadd.f32 v41, v16;
	_ =	sdelay $0x1  }
0x1fd: {  	(xrf2) =	vadd.scan.msk.f32 $0xffff, v16;
	v16 =	vmul.f32 v52, v0;
	v0 =	vld [tilespmem:$0x1FC30]  }
0x1fe: {  	v10 =	vld [tilespmem:s23+$0xFFFFFEB0];
	_ =	sdelay $0x1  }
0x1ff: {  	v49 =	vld [tilespmem:s23+$0xFFFFFEC0]  }
0x200: {  	v29 =	vmul.f32 v11, v11  }
0x201: {  	[tilespmem:s24+$0xFFFFFE90] =	vst v16;
	v16 =	vmul.f32 v50, v0;
	v0 =	vld [tilespmem:$0x1FC40]  }
0x202: {  	v8 =	vmul.f32 v32, v32;
	v20 =	vadd.f32 v29, v20;
	v29 =	vmul.f32 v10, v10;
	v35 =	vmovc v32;
	v32 =	vld [tilespmem:s23+$0xFFFFFDC0];
	_ =	sdelay $0x1  }
0x203: {  	v39 =	vmul.f32 v47, v45;
	v29 =	vadd.f32 v29, v13;
	v45 =	vmul.f32 v49, v49;
	_ =	sdelay $0x1  }
0x204: {  	v29 =	vadd.f32 v45, v29;
	v45 =	vmul.f32 v50, v0;
	v0 =	vld [tilespmem:$0x1FC50]  }
0x205: {  	v19 =	vadd.f32 v8, v19;
	v8 =	vld [tilespmem:s23+$0xFFFFFFB0];
	v37 =	vmul.f32 v47, v46;
	v46 =	vmul.f32 v32, v32;
	_ =	sdelay $0x1  }
0x206: {  	v17 =	vadd.f32 v46, v17  }
0x207: {  	(xrf2) =	vadd.scan.msk.f32 $0xffff, v33  }
0x208: {  	(xrf2) =	vadd.scan.msk.f32 $0xffff, v17;
	v17 =	vmul.f32 v50, v0;
	v0 =	vld [tilespmem:$0x1FC60]  }
0x209: {  	v13 =	vmul.f32 v8, v8;
	_ =	sdelay $0x1  }
0x20a: {  	v30 =	vadd.f32 v13, v30;
	v13 =	vld [tilespmem:s23+$0xFFFFFF40];
	_ =	sdelay $0x1  }
0x20b: {  	v50 =	vmul.f32 v50, v0;
	v0 =	vld [tilespmem:$0x1FC70]  }
0x20c: {  	[tilespmem:s24+$0xFFFFFE40] =	vst v12;
	v12 =	vld [tilespmem:s23+$0xFFFFFF00]  }
0x20d: {  	[tilespmem:s24+$0xFFFFFE70] =	vst v39;
	v39 =	vmul.f32 v52, v40;
	v33 =	vmul.f32 v52, v28  }
0x20e: {  	v19 =	vadd.f32 v14, v19;
	v14 =	vld [tilespmem:s23+$0xFFFFFFC0];
	[tilespmem:s24+$0xFFFFFE80] =	vst v34;
	v34 =	vmul.f32 v52, v1;
	v52 =	vmul.f32 v13, v13  }
0x20f: {  	v46 =	vmul.f32 v48, v48  }
0x210: {  	v23 =	vadd.f32 v52, v23;
	v52 =	vmul.f32 v62, v0;
	v0 =	vld [tilespmem:$0x1FC80]  }
0x211: {  	v22 =	vadd.f32 v46, v22;
	v46 =	vmul.f32 v12, v12;
	_ =	sdelay $0x1  }
0x212: {  	v31 =	vadd.f32 v46, v31;
	v46 =	vmul.f32 v14, v14;
	_ =	sdelay $0x1  }
0x213: {  	v40 =	vadd.f32 v46, v30;
	v30 =	vmul.f32 v62, v0;
	v0 =	vld [tilespmem:$0x1FC90];
	_ =	sdelay $0x4  }
0x214: {  	[tilespmem:s24+$0xFFFFFEC0] =	vst v33;
	v33 =	vmul.f32 v62, v0;
	v0 =	vld [tilespmem:$0x1FCA0];
	_ =	sdelay $0x4  }
0x215: {  	[tilespmem:s24+$0xFFFFFED0] =	vst v16;
	v16 =	vmul.f32 v62, v0;
	v0 =	vld [tilespmem:$0x1FCB0];
	_ =	sdelay $0x3  }
0x216: {  	[tilespmem:$0x1FDD0] =	vst v32  }
0x217: {  	[tilespmem:$0x1FDF0] =	vst v38;
	v32 =	vmul.f32 v38, v38;
	v38 =	vmul.f32 v56, v0;
	v0 =	vld [tilespmem:$0x1FCC0];
	_ =	sdelay $0x4  }
0x218: {  	[tilespmem:s24+$0xFFFFFEA0] =	vst v39;
	v39 =	vmul.f32 v56, v0;
	v0 =	vld [tilespmem:$0x1FCD0];
	_ =	sdelay $0x4  }
0x219: {  	[tilespmem:s24+$0xFFFFFEF0] =	vst v17;
	v17 =	vmul.f32 v56, v0;
	v0 =	vld [tilespmem:$0x1FCE0];
	_ =	sdelay $0x3  }
0x21a: {  	v46, _, _ =	vpop (xrf2)  }
0x21b: {  	v1 =	vbroadcast v46, $0xF;
	v46 =	vmovc v61;
	v61 =	vmov v5;
	v5 =	vmul.f32 v51, v0;
	v0 =	vld [tilespmem:$0x1FCF0];
	_ =	sdelay $0x2  }
0x21c: {  	v20 =	vadd.f32 v32, v20  }
0x21d: {  	(xrf2) =	vadd.scan.msk.f32 $0xffff, v19  }
0x21e: {  	(xrf2) =	vadd.scan.msk.f32 $0xffff, v20;
	v20 =	vmul.f32 v51, v42;
	v42 =	vmul.f32 v51, v0;
	v0 =	vld [tilespmem:$0x1FD00];
	_ =	sdelay $0x3  }
0x21f: {  	v47 =	vld [tilespmem:s23+$0xFFFFFF80]  }
0x220: {  	[tilespmem:s24+$0xFFFFFF20] =	vst v30;
	v30 =	vmul.f32 v51, v0;
	v0 =	vld [tilespmem:$0x1FD10];
	_ =	sdelay $0x4  }
0x221: {  	[tilespmem:s24+$0xFFFFFEB0] =	vst v34;
	v32 =	vmul.f32 v47, v47;
	v34 =	vmul.f32 v15, v0;
	v0 =	vld [tilespmem:$0x1FD20];
	_ =	sdelay $0x1  }
0x222: {  	v19 =	vld [tilespmem:$0x1FDC0];
	_ =	sdelay $0x1  }
0x223: {  	v26 =	vadd.f32 v32, v26;
	v32, _, _ =	vpop (xrf2);
	[tilespmem:s24+$0xFFFFFF00] =	vst v50;
	v50 =	vmul.f32 $5.000000000e-01, v1  }
0x224: {  	v28 =	vmovc v58;
	[tilespmem:s24+$0xFFFFFEE0] =	vst v45;
	v62 =	vmovc v57;
	v57 =	vmov v4;
	v4 =	vshrl.u32 v1, $0x1;
	v45 =	vmul.f32 v15, v0;
	v0 =	vld [tilespmem:$0x1FD30]  }
0x225: {  	[tilespmem:$0x1FDB0] =	vst v28;
	v28 =	vbroadcast v32, $0xF;
	v4 =	vsub.s32 $0x5F3759DF, v4  }
0x226: {  	v19 =	vmul.f32 v56, v19;
	(xrf2) =	vadd.scan.msk.f32 $0xffff, v22;
	[tilespmem:s24+$0xFFFFFF10] =	vst v52;
	v52 =	vmovc v21;
	v1 =	vmul.f32 v4, v50  }
0x227: {  	v21 =	vmul.f32 $5.000000000e-01, v28;
	v50 =	vmov v3;
	v3 =	vshrl.u32 v28, $0x1;
	v51, _, _ =	vpop (xrf2)  }
0x228: {  	[tilespmem:s24+$0xFFFFFF40] =	vst v16;
	v3 =	vsub.s32 $0x5F3759DF, v3;
	v1 =	vmul.f32 v4, v1;
	v16 =	vbroadcast v51, $0xF  }
0x229: {  	v28 =	vmovc v2;
	v2 =	vmul.f32 v3, v21;
	(xrf2) =	vadd.scan.msk.f32 $0xffff, v29;
	v15 =	vmul.f32 v15, v0  }
0x22a: {  	[tilespmem:s24+$0xFFFFFF50] =	vst v19;
	v19, _, _ =	vpop (xrf2);
	v0 =	vsub.f32 $1.500000000e+00, v1;
	v1 =	vshrl.u32 v16, $0x1;
	v16 =	vmul.f32 $5.000000000e-01, v16  }
0x22b: {  	[tilespmem:s24+$0xFFFFFE60] =	vst v37;
	v41 =	vmovc v11;
	v2 =	vmul.f32 v3, v2;
	v19 =	vbroadcast v19, $0xF;
	v1 =	vsub.s32 $0x5F3759DF, v1  }
0x22c: {  	v58 =	vmovc v59;
	v51 =	vmov v55;
	(xrf2) =	vadd.scan.msk.f32 $0xffff, v31;
	v55 =	vmul.f32 v4, v0;
	v0 =	vmul.f32 v1, v16  }
0x22d: {  	v2 =	vsub.f32 $1.500000000e+00, v2;
	[tilespmem:s24+$0xFFFFFF90] =	vst v5;
	v59, _, _ =	vpop (xrf2);
	v5 =	vmul.f32 $5.000000000e-01, v19;
	v4 =	vshrl.u32 v19, $0x1  }
0x22e: {  	v37 =	vmovc v9;
	(xrf2) =	vadd.scan.msk.f32 $0xffff, v23;
	v11 =	vbroadcast v59, $0xF;
	v4 =	vsub.s32 $0x5F3759DF, v4;
	v0 =	vmul.f32 v1, v0  }
0x22f: {  	[tilespmem:s24+$0xFFFFFF80] =	vst v17;
	v17 =	vmovc v54;
	v54 =	vmul.f32 v3, v2;
	v59 =	vmov v6;
	v2 =	vmul.f32 v4, v5  }
0x230: {  	[tilespmem:s24+$0xFFFFFFA0] =	vst v20;
	v6, _, _ =	vpop (xrf2);
	v3 =	vshrl.u32 v11, $0x1;
	v5 =	vmul.f32 $5.000000000e-01, v11;
	v0 =	vsub.f32 $1.500000000e+00, v0  }
0x231: {  	[tilespmem:s24+$0xFFFFFF60] =	vst v38;
	v38 =	vmovc v35;
	v56 =	vmovc v60;
	v60 =	vbroadcast v6, $0xF;
	v3 =	vsub.s32 $0x5F3759DF, v3;
	v2 =	vmul.f32 v4, v2  }
0x232: {  	[tilespmem:s24+$0xFFFFFF70] =	vst v39;
	v39 =	vmovc v53;
	(xrf2) =	vadd.scan.msk.f32 $0xffff, v26;
	v53 =	vmul.f32 v1, v0;
	v0 =	vmul.f32 v3, v5  }
0x233: {  	[tilespmem:s24+$0xFFFFFF30] =	vst v33;
	v6, _, _ =	vpop (xrf2);
	v1 =	vsub.f32 $1.500000000e+00, v2;
	v2 =	vshrl.u32 v60, $0x1;
	v5 =	vmul.f32 $5.000000000e-01, v60  }
0x234: {  	[tilespmem:s24+$0xFFFFFFB0] =	vst v42;
	v42 =	vmovc v24;
	v26 =	vmovc v8;
	v8 =	vbroadcast v6, $0xF;
	v2 =	vsub.s32 $0x5F3759DF, v2;
	v0 =	vmul.f32 v3, v0  }
0x235: {  	v24 =	vmovc v7;
	v7 =	vmovc v48;
	v60 =	vmov v49;
	v49 =	vmul.f32 v4, v1;
	v1 =	vmul.f32 v2, v5  }
0x236: {  	s9 =	sadd.s32 $0xC, s9;
	v20 =	vld [tilespmem:$0x1FD80];
	[tilespmem:$0x1FDC0] =	vst v28;
	v6, _, _ =	vpop (xrf2);
	v4 =	vshrl.u32 v8, $0x1;
	v5 =	vmul.f32 $5.000000000e-01, v8;
	v0 =	vsub.f32 $1.500000000e+00, v0  }
0x237: {  	p0 =	slt.u32 s9, $0x6C;
	v35 =	vmovc v18;
	v18 =	vmovc v63;
	v63 =	vld [tilespmem:$0x1FD60];
	[tilespmem:$0x1FE00] =	vst v7;
	v7 =	vmul.f32 v2, v1;
	v1 =	vsub.s32 $0x5F3759DF, v4;
	v4 =	vbroadcast v6, $0xF  }
.Ltmp7:
0x238: {  	v22 =	vmov v44;
	v29 =	vld [tilespmem:$0x1FD40];
	[tilespmem:s24+$0xFFFFFFC0] =	vst v30;
	v6, _, _ =	vpop (xrf2);
	v48 =	vmul.f32 v3, v0;
	v0 =	vmul.f32 v1, v5;
	(pc) =	sbr.rel @p0 .LBB2_11-.Ltmp7, $4  }
0x239: {  	v32 =	vmovc v10;
	v28 =	vmovc v12;
	v31 =	vld [tilespmem:$0x1FD50];
	[tilespmem:s26+$0xFFFFFFD0] =	vst v34;
	v34 =	vmov v27;
	v8 =	vbroadcast v6, $0xF;
	v3 =	vsub.f32 $1.500000000e+00, v7  }
0x23a: {  	v23 =	vld [tilespmem:$0x1FD90];
	v27 =	vmovc v47;
	(xrf2) =	vadd.scan.msk.f32 $0xffff, v40;
	v5 =	vshrl.u32 v4, $0x1;
	v4 =	vmul.f32 $5.000000000e-01, v4;
	v7 =	vmul.f32 v1, v0  }
0x23b: {  	v30 =	vld [tilespmem:$0x1FDA0];
	v40 =	vmovc v13;
	[tilespmem:s26+$0xFFFFFFE0] =	vst v45;
	v16 =	vmovc v14;
	v0 =	vsub.s32 $0x5F3759DF, v5;
	v47 =	vmul.f32 v2, v3;
	v5 =	vshrl.u32 v8, $0x1  }
0x23c: {  	s11 =	simm.s32 $0x0;
	s23 =	sadd.s32 $0x300, s23;
	s24 =	smov.u32 s26;
	v19 =	vld [tilespmem:$0x1FD70];
	[tilespmem:s26+$0xFFFFFFF0] =	vst v15;
	v6, _, _ =	vpop (xrf2);
	v3 =	vmul.f32 $5.000000000e-01, v8;
	v4 =	vmul.f32 v0, v4;
	v2 =	vsub.f32 $1.500000000e+00, v7  }
0x23d: {  	v7 =	vmul.f32 v55, v42  }
0x23e: {  	v45 =	vmul.f32 v55, v25  }
0x23f: {  	v12 =	vmul.f32 v54, v20;
	[tilespmem:s26+$0xFFFFFD10] =	vst v7  }
0x240: {  	v13 =	vmul.f32 v54, v63;
	[tilespmem:s26+$0xFFFFFD30] =	vst v45  }
0x241: {  	v14 =	vmul.f32 v54, v35;
	[tilespmem:s26+$0xFFFFFD50] =	vst v12  }
0x242: {  	v15 =	vmul.f32 v54, v43;
	[tilespmem:s26+$0xFFFFFD60] =	vst v13  }
0x243: {  	[tilespmem:s26+$0xFFFFFD70] =	vst v14;
	v20 =	vmul.f32 v53, v30  }
0x244: {  	[tilespmem:s26+$0xFFFFFD80] =	vst v15;
	v8 =	vmul.f32 v55, v19  }
0x245: {  	v55 =	vmul.f32 v55, v36;
	[tilespmem:s26+$0xFFFFFDA0] =	vst v20  }
0x246: {  	v19 =	vmul.f32 v53, v23;
	[tilespmem:s26+$0xFFFFFD20] =	vst v8  }
0x247: {  	[tilespmem:s26+$0xFFFFFD40] =	vst v55  }
0x248: {  	[tilespmem:s26+$0xFFFFFD90] =	vst v19  }
0x249: {  	v8 =	vld [tilespmem:$0x1FDD0];
	_ =	sdelay $0x1  }
0x24a: {  	v21 =	vmul.f32 v53, v34  }
0x24b: {  	v23 =	vmul.f32 v49, v29  }
0x24c: {  	v25 =	vmul.f32 v49, v31;
	[tilespmem:s26+$0xFFFFFDB0] =	vst v21  }
0x24d: {  	[tilespmem:s26+$0xFFFFFDD0] =	vst v23;
	v8 =	vmul.f32 v53, v8  }
0x24e: {  	v29 =	vmul.f32 v49, v38;
	[tilespmem:s26+$0xFFFFFDE0] =	vst v25  }
0x24f: {  	[tilespmem:s26+$0xFFFFFDC0] =	vst v8  }
0x250: {  	v8 =	vld [tilespmem:$0x1FDE0];
	[tilespmem:s26+$0xFFFFFDF0] =	vst v29  }
0x251: {  	v7 =	vld [tilespmem:$0x1FDB0];
	_ =	sdelay $0x2  }
0x252: {  	v30 =	vmul.f32 v48, v62  }
0x253: {  	v8 =	vmul.f32 v49, v8  }
0x254: {  	[tilespmem:s24+$0xFFFFFE20] =	vst v30;
	v7 =	vmul.f32 v48, v7  }
0x255: {  	[tilespmem:s24+$0xFFFFFE00] =	vst v8  }
0x256: {  	[tilespmem:s24+$0xFFFFFE10] =	vst v7  }
0x257: {  	v8 =	vld [tilespmem:$0x1FDF0];
	_ =	sdelay $0x1  }
0x258: {  	v31 =	vmul.f32 v48, v41  }
0x259: {  	v33 =	vmul.f32 v47, v58;
	v34 =	vmul.f32 v47, v46  }
0x25a: {  	v5 =	vsub.s32 $0x5F3759DF, v5;
	v4 =	vmul.f32 v0, v4;
	v1 =	vmul.f32 v1, v2;
	[tilespmem:s24+$0xFFFFFE30] =	vst v31  }
0x25b: {  	v3 =	vmul.f32 v5, v3;
	[tilespmem:s24+$0xFFFFFE50] =	vst v33;
	v8 =	vmul.f32 v48, v8  }
0x25c: {  	v6 =	vbroadcast v6, $0xF;
	v35 =	vmul.f32 v47, v59;
	[tilespmem:s24+$0xFFFFFE60] =	vst v34  }
0x25d: {  	v4 =	vsub.f32 $1.500000000e+00, v4;
	v3 =	vmul.f32 v5, v3;
	v10 =	vmul.f32 v1, v61;
	[tilespmem:s24+$0xFFFFFE40] =	vst v8  }
0x25e: {  	v41 =	vmul.f32 v1, v57;
	v44 =	vmul.f32 v1, v32;
	v2 =	vld [tilespmem:$0x1FE00];
	[tilespmem:s24+$0xFFFFFE70] =	vst v35  }
0x25f: {  	v36 =	vmul.f32 $5.000000000e-01, v6;
	v6 =	vshrl.u32 v6, $0x1;
	v43 =	vmul.f32 v0, v4;
	[tilespmem:s24+$0xFFFFFE90] =	vst v10  }
0x260: {  	v1 =	vmul.f32 v1, v60;
	v42 =	vsub.s32 $0x5F3759DF, v6;
	v3 =	vsub.f32 $1.500000000e+00, v3;
	[tilespmem:s24+$0xFFFFFEA0] =	vst v41  }
0x261: {  	v6 =	vmul.f32 v42, v36;
	v46 =	vmul.f32 v43, v56;
	[tilespmem:s24+$0xFFFFFEB0] =	vst v44  }
0x262: {  	v3 =	vmul.f32 v5, v3;
	v48 =	vmul.f32 v43, v52;
	[tilespmem:s24+$0xFFFFFEC0] =	vst v1  }
0x263: {  	v9, _, _ =	vpop (xrf2);
	v0 =	vmul.f32 v43, v28;
	v52 =	vmul.f32 v43, v37;
	[tilespmem:s24+$0xFFFFFED0] =	vst v46  }
0x264: {  	v38 =	vbroadcast v9, $0xF;
	v6 =	vmul.f32 v42, v6;
	[tilespmem:s24+$0xFFFFFEE0] =	vst v48  }
0x265: {  	v54 =	vmul.f32 v3, v50;
	v56 =	vmul.f32 v3, v51;
	[tilespmem:s24+$0xFFFFFEF0] =	vst v52  }
0x266: {  	v45 =	vmul.f32 $5.000000000e-01, v38;
	[tilespmem:s24+$0xFFFFFF00] =	vst v0;
	v2 =	vmul.f32 v47, v2;
	v47 =	vshrl.u32 v38, $0x1  }
0x267: {  	[tilespmem:s24+$0xFFFFFF10] =	vst v54;
	v49 =	vsub.s32 $0x5F3759DF, v47  }
0x268: {  	v6 =	vsub.f32 $1.500000000e+00, v6;
	[tilespmem:s24+$0xFFFFFF20] =	vst v56;
	v53 =	vmul.f32 v49, v45  }
0x269: {  	v58 =	vmul.f32 v3, v39;
	[tilespmem:s24+$0xFFFFFE80] =	vst v2  }
0x26a: {  	v57 =	vmul.f32 v42, v6;
	v5 =	vld [tilespmem:$0x1FDC0];
	v55 =	vmul.f32 v49, v53  }
0x26b: {  	v3 =	vmul.f32 v3, v40  }
0x26c: {  	v59 =	vmul.f32 v57, v22;
	[tilespmem:s24+$0xFFFFFF30] =	vst v58;
	v4 =	vsub.f32 $1.500000000e+00, v55  }
0x26d: {  	v60 =	vmul.f32 v57, v24;
	[tilespmem:s24+$0xFFFFFF40] =	vst v3  }
0x26e: {  	v0 =	vmul.f32 v57, v27;
	[tilespmem:s24+$0xFFFFFF60] =	vst v59;
	v1 =	vmul.f32 v49, v4  }
0x26f: {  	[tilespmem:s24+$0xFFFFFF70] =	vst v60;
	v5 =	vmul.f32 v57, v5  }
0x270: {  	[tilespmem:s24+$0xFFFFFF80] =	vst v0;
	v61 =	vmul.f32 v1, v17  }
0x271: {  	[tilespmem:s24+$0xFFFFFF50] =	vst v5;
	v62 =	vmul.f32 v1, v18  }
0x272: {  	v63 =	vmul.f32 v1, v26;
	[tilespmem:s24+$0xFFFFFF90] =	vst v61  }
0x273: {  	v1 =	vmul.f32 v1, v16;
	[tilespmem:s24+$0xFFFFFFA0] =	vst v62  }
0x274: {  	[tilespmem:s24+$0xFFFFFFB0] =	vst v63  }
0x275: {  	[tilespmem:s24+$0xFFFFFFC0] =	vst v1  }
.LBB2_13:
0x276: {  	s9 =	sshra.s32 s11, $0x2  }
0x277: {  	v0 =	vld [tilespmem:s9+$0x4000]  }
0x278: {  	v1 =	vld [tilespmem:s9+$0x4010];
	_ =	sdelay $0x1  }
0x279: {  	v2 =	vld [tilespmem:s9+$0x4020];
	_ =	sdelay $0x1  }
0x27a: {  	v3 =	vld [tilespmem:s9+$0x4030]  }
0x27b: {  	v4 =	vmul.f32 v0, v0;
	v5 =	vmul.f32 v1, v1;
	_ =	sdelay $0x1  }
0x27c: {  	v59 =	vmul.f32 v2, v2;
	v4 =	vadd.f32 v5, v4;
	_ =	sdelay $0x1  }
0x27d: {  	v60 =	vmul.f32 v3, v3;
	v4 =	vadd.f32 v59, v4;
	_ =	sdelay $0x1  }
0x27e: {  	v4 =	vadd.f32 v60, v4;
	_ =	sdelay $0x1  }
0x27f: {  	(xrf2) =	vadd.scan.msk.f32 $0xffff, v4;
	_ =	sdelay $0x9  }
0x280: {  	v4, _, _ =	vpop (xrf2)  }
0x281: {  	v4 =	vbroadcast v4, $0xF;
	_ =	sdelay $0x1  }
0x282: {  	v61 =	vshrl.u32 v4, $0x1;
	v4 =	vmul.f32 $-5.000000000e-01, v4  }
0x283: {  	v5 =	vsub.s32 $0x5F3759DF, v61  }
0x284: {  	v4 =	vmul.f32 v5, v4;
	_ =	sdelay $0x1  }
0x285: {  	v4 =	vmul.f32 v5, v4;
	_ =	sdelay $0x1  }
0x286: {  	v4 =	vadd.f32 $1.500000000e+00, v4;
	_ =	sdelay $0x1  }
0x287: {  	v4 =	vmul.f32 v5, v4;
	_ =	sdelay $0x1  }
0x288: {  	p0 =	sne.s32 s11, $0x700;
	v0 =	vmul.f32 v4, v0  }
.Ltmp8:
0x289: {  	v1 =	vmul.f32 v4, v1;
	(pc) =	sbr.rel @p0 .LBB2_13-.Ltmp8, $4  }
0x28a: {  	v62 =	vmul.f32 v4, v2;
	[tilespmem:s9+$0xC000] =	vst v0  }
0x28b: {  	v63 =	vmul.f32 v4, v3;
	[tilespmem:s9+$0xC010] =	vst v1  }
0x28c: {  	[tilespmem:s9+$0xC020] =	vst v62  }
0x28d: {  	s11 =	sadd.s32 $0x100, s11;
	[tilespmem:s9+$0xC030] =	vst v63  }
0x28e: {  	s9 =	sadd.s32 s6, s12  }
0x28f: {  	s9 =	sshll.u32 s9, $0x3  }
0x290: {  	s9 =	sand.u32 $0x1FFFF400, s9  }
0x291: {  	p0 =	seq.s32 s18, $0x31;
	s9 =	sadd.s32 s2, s9  }
0x292: {  	[hbm4b:s9+s3] =	stream.linear.scatter [tilespmem:s28], [sflag:$0xA], $0x2000, $0x38;
	[tilespmem:$0xC200] =	vst v63  }
0x293: {  	s9 =	sadd.s32 @!p0 s6, s13  }
0x294: {  	s9 =	sshrl.u32 @!p0 s9, $0x3  }
0x295: {  	s11 =	simm.s32 @!p0 $0x0;
	s23 =	simm.s32 @!p0 $0x80;
	s9 =	sadd.s32 @!p0 s4, s9  }
0x296: {  	[tilespmem:s23], [sflag:$0x2] =	stream.linear.gather @!p0 [hbm4b:s9+s11], $0x80, $0x38;
	[tilespmem:$0xC200] =	vst v63  }
0x297: {  	s9 =	simm.s32 @!p0 $0x2  }
0x298: {  	_ =	swait.ge @!p0 [sflag:s9], $0x80  }
0x299: {  	[sflag:s9] =	ssyncset.done @!p0 $0x0  }
0x29a: {  	[sflag:s9] =	ssyncadd.s32 @!p0 $0xFFFFFF80;
	s9 =	simm.s32 @!p0 $0x2200  }
0x29b: {  	[tilespmem:s9], [sflag:$0x6] =	stream.indirect.gather @!p0 [hbm4b:s5+s23], $0x40, s23, s23, $0xb8;
	[tilespmem:$0xC200] =	vst v63  }
0x29c: {  	_ =	swait.ge [sflag:s20], $0x2000  }
0x29d: {  	[sflag:s20] =	ssyncset.done $0x0  }
0x29e: {  	[sflag:s20] =	ssyncadd.s32 $0xFFFFE000  }
0x29f: {  	_ =	swait.ge [sflag:s7], $0x2000  }
0x2a0: {  	[sflag:s7] =	ssyncset.done $0x0  }
0x2a1: {  	s24 =	simm.s32 $0x0;
	[sflag:s7] =	ssyncadd.s32 $0xFFFFE000  }
0x2a2: {  	v1 =	vld [tilespmem:s24+$0x44C0]  }
0x2a3: {  	v2 =	vld [tilespmem:s24+$0x44D0]  }
0x2a4: {  	v21 =	vld [tilespmem:s24+$0x4200]  }
0x2a5: {  	v0 =	vld [tilespmem:s24+$0x44E0]  }
0x2a6: {  	v19 =	vld [tilespmem:s24+$0x4210]  }
0x2a7: {  	v3 =	vld [tilespmem:s24+$0x44F0]  }
0x2a8: {  	v20 =	vld [tilespmem:s24+$0x4240]  }
0x2a9: {  	v14 =	vld [tilespmem:s24+$0x4250]  }
0x2aa: {  	v18 =	vld [tilespmem:s24+$0x4280]  }
0x2ab: {  	v15 =	vld [tilespmem:s24+$0x4290]  }
0x2ac: {  	v16 =	vld [tilespmem:s24+$0x42C0]  }
0x2ad: {  	v17 =	vld [tilespmem:s24+$0x42D0]  }
0x2ae: {  	v27 =	vld [tilespmem:s24+$0x4300]  }
0x2af: {  	v11 =	vld [tilespmem:s24+$0x4310]  }
0x2b0: {  	v23 =	vld [tilespmem:s24+$0x4340]  }
0x2b1: {  	v12 =	vld [tilespmem:s24+$0x4350];
	v4 =	vmul.f32 v1, v1;
	v5 =	vmul.f32 v2, v2  }
0x2b2: {  	v22 =	vld [tilespmem:s24+$0x4380]  }
0x2b3: {  	v13 =	vld [tilespmem:s24+$0x4390];
	v4 =	vadd.f32 v5, v4;
	v5 =	vmul.f32 v0, v0  }
0x2b4: {  	v60 =	vld [tilespmem:s24+$0x43C0]  }
0x2b5: {  	v59 =	vld [tilespmem:s24+$0x43D0];
	v4 =	vadd.f32 v5, v4;
	v5 =	vmul.f32 v3, v3  }
0x2b6: {  	v58 =	vld [tilespmem:s24+$0x4400]  }
0x2b7: {  	v54 =	vld [tilespmem:s24+$0x4410];
	v4 =	vadd.f32 v5, v4  }
0x2b8: {  	v52 =	vld [tilespmem:s24+$0x4440]  }
0x2b9: {  	v53 =	vld [tilespmem:s24+$0x4450];
	(xrf2) =	vadd.scan.msk.f32 $0xffff, v4  }
0x2ba: {  	v51 =	vld [tilespmem:s24+$0x4480]  }
0x2bb: {  	v29 =	vld [tilespmem:s24+$0x4490]  }
0x2bc: {  	v36 =	vld [tilespmem:s24+$0x4220];
	v6 =	vmul.f32 v20, v20  }
0x2bd: {  	v25 =	vld [tilespmem:s24+$0x4260];
	v7 =	vmul.f32 v14, v14;
	v8 =	vmul.f32 v18, v18;
	[tilespmem:$0x1FBC0] =	vst v11  }
0x2be: {  	v9 =	vmul.f32 v15, v15;
	v10 =	vmul.f32 v17, v17;
	v37 =	vld [tilespmem:s24+$0x4230];
	[tilespmem:$0x1FBD0] =	vst v23  }
0x2bf: {  	v11 =	vmul.f32 v11, v11;
	v47 =	vmul.f32 v23, v23;
	[tilespmem:$0x1FBE0] =	vst v12  }
0x2c0: {  	v48 =	vmul.f32 v22, v22;
	v12 =	vmul.f32 v12, v12;
	v23 =	vld [tilespmem:s24+$0x42A0]  }
0x2c1: {  	v6 =	vadd.f32 v7, v6;
	v5 =	vmul.f32 v19, v19;
	v4 =	vmul.f32 v21, v21  }
0x2c2: {  	v7 =	vmul.f32 v27, v27;
	v8 =	vadd.f32 v9, v8;
	[tilespmem:$0x1FC00] =	vst v13;
	v13 =	vmul.f32 v13, v13  }
0x2c3: {  	[tilespmem:$0x1FBF0] =	vst v22;
	v9 =	vadd.f32 v12, v47;
	v4 =	vadd.f32 v5, v4;
	v5 =	vmul.f32 v16, v16;
	v49, _, _ =	vpop (xrf2)  }
0x2c4: {  	v12 =	vmul.f32 v36, v36;
	v45 =	vld [tilespmem:s24+$0x4270];
	v7 =	vadd.f32 v11, v7;
	v11 =	vbroadcast v49, $0xF  }
0x2c5: {  	v22 =	vmovc v23;
	v23 =	vmul.f32 v60, v60;
	v5 =	vadd.f32 v10, v5;
	v10 =	vadd.f32 v13, v48  }
0x2c6: {  	v4 =	vadd.f32 v12, v4;
	v12 =	vmul.f32 v37, v37;
	v26 =	vshrl.u32 v11, $0x1  }
0x2c7: {  	v13 =	vmul.f32 v59, v59;
	v32 =	vsub.s32 $0x5F3759DF, v26;
	v26 =	vmul.f32 v25, v25  }
0x2c8: {  	v42 =	vld [tilespmem:s24+$0x42E0];
	v4 =	vadd.f32 v12, v4  }
0x2c9: {  	v46 =	vld [tilespmem:s24+$0x42B0];
	v12 =	vadd.f32 v13, v23;
	v23 =	vmul.f32 v45, v45;
	v6 =	vadd.f32 v26, v6  }
0x2ca: {  	v24 =	vmul.f32 v58, v58;
	v13 =	vmul.f32 v54, v54  }
0x2cb: {  	v28 =	vld [tilespmem:s24+$0x42F0];
	v6 =	vadd.f32 v23, v6  }
0x2cc: {  	(xrf2) =	vadd.scan.msk.f32 $0xffff, v4;
	v4 =	vadd.f32 v13, v24;
	v13 =	vmul.f32 v22, v22  }
0x2cd: {  	v40 =	vld [tilespmem:s24+$0x4320];
	(xrf2) =	vadd.scan.msk.f32 $0xffff, v6  }
0x2ce: {  	v38 =	vld [tilespmem:s24+$0x4360];
	v50 =	vmul.f32 v42, v42;
	v8 =	vadd.f32 v13, v8;
	v13 =	vmul.f32 v46, v46  }
0x2cf: {  	v33 =	vmul.f32 v52, v52;
	v43 =	vld [tilespmem:s24+$0x43A0];
	v24 =	vmul.f32 v53, v53  }
0x2d0: {  	v31 =	vld [tilespmem:s24+$0x43E0];
	v55 =	vmul.f32 v28, v28;
	v5 =	vadd.f32 v50, v5;
	v8 =	vadd.f32 v13, v8  }
0x2d1: {  	v35 =	vadd.f32 v24, v33;
	v24 =	vld [tilespmem:s24+$0x4330];
	v11 =	vmul.f32 $5.000000000e-01, v11  }
0x2d2: {  	v62 =	vld [tilespmem:s24+$0x4370];
	v5 =	vadd.f32 v55, v5;
	(xrf2) =	vadd.scan.msk.f32 $0xffff, v8  }
0x2d3: {  	v30 =	vld [tilespmem:s24+$0x4420];
	v11 =	vmul.f32 v32, v11  }
0x2d4: {  	v61 =	vld [tilespmem:s24+$0x43B0];
	v13 =	vmul.f32 v38, v38;
	v6 =	vmul.f32 v40, v40  }
0x2d5: {  	v41 =	vld [tilespmem:s24+$0x43F0];
	v56 =	vmul.f32 v31, v31;
	v11 =	vmul.f32 v32, v11  }
0x2d6: {  	v44 =	vld [tilespmem:s24+$0x4430];
	v8 =	vadd.f32 v13, v9;
	v13 =	vmul.f32 v24, v24;
	v6 =	vadd.f32 v6, v7;
	(xrf2) =	vadd.scan.msk.f32 $0xffff, v5;
	v5, _, _ =	vpop (xrf2)  }
0x2d7: {  	v63 =	vmul.f32 v62, v62;
	v26 =	vld [tilespmem:s24+$0x4460];
	v11 =	vsub.f32 $1.500000000e+00, v11;
	v7 =	vmul.f32 v43, v43;
	v50, _, _ =	vpop (xrf2)  }
0x2d8: {  	v23 =	vld [tilespmem:s24+$0x44A0];
	[tilespmem:$0x1FC10] =	vst v24;
	v5 =	vbroadcast v5, $0xF;
	v6 =	vadd.f32 v13, v6;
	v24 =	vbroadcast v50, $0xF  }
0x2d9: {  	v11 =	vmul.f32 v32, v11;
	v7 =	vadd.f32 v7, v10;
	v13 =	vmul.f32 v61, v61  }
0x2da: {  	v8 =	vadd.f32 v63, v8;
	(xrf2) =	vadd.scan.msk.f32 $0xffff, v6;
	v6 =	vshrl.u32 v5, $0x1;
	v5 =	vmul.f32 $5.000000000e-01, v5  }
0x2db: {  	v7 =	vadd.f32 v13, v7;
	v13 =	vmul.f32 v11, v1;
	v6 =	vsub.s32 $0x5F3759DF, v6  }
0x2dc: {  	v5 =	vmul.f32 v6, v5;
	(xrf2) =	vadd.scan.msk.f32 $0xffff, v8;
	v1 =	vshrl.u32 v24, $0x1;
	v8 =	vmul.f32 $5.000000000e-01, v24;
	v24, _, _ =	vpop (xrf2)  }
0x2dd: {  	v57 =	vmul.f32 v30, v30;
	v24 =	vbroadcast v24, $0xF  }
0x2de: {  	v47 =	vmul.f32 v41, v41;
	v5 =	vmul.f32 v6, v5  }
0x2df: {  	v3 =	vmul.f32 v11, v3;
	v2 =	vmul.f32 v11, v2  }
0x2e0: {  	v11 =	vmul.f32 v11, v0;
	v5 =	vsub.f32 $1.500000000e+00, v5;
	v1 =	vsub.s32 $0x5F3759DF, v1  }
0x2e1: {  	v0 =	vmul.f32 v1, v8;
	(xrf2) =	vadd.scan.msk.f32 $0xffff, v7;
	v7 =	vshrl.u32 v24, $0x1;
	v8 =	vmul.f32 $5.000000000e-01, v24;
	v24, _, _ =	vpop (xrf2)  }
0x2e2: {  	v4 =	vadd.f32 v57, v4;
	v9 =	vadd.f32 v56, v12;
	v24 =	vbroadcast v24, $0xF  }
0x2e3: {  	v57 =	vmul.f32 v6, v5;
	v0 =	vmul.f32 v1, v0;
	v7 =	vsub.s32 $0x5F3759DF, v7  }
0x2e4: {  	v5 =	vmul.f32 v7, v8;
	v8 =	vmul.f32 $5.000000000e-01, v24  }
0x2e5: {  	v9 =	vadd.f32 v47, v9  }
0x2e6: {  	v48 =	vmul.f32 v44, v44;
	v33 =	vld [tilespmem:s24+$0x4470];
	v0 =	vsub.f32 $1.500000000e+00, v0;
	v56, _, _ =	vpop (xrf2);
	v6 =	vshrl.u32 v24, $0x1  }
0x2e7: {  	(xrf2) =	vadd.scan.msk.f32 $0xffff, v9;
	v5 =	vmul.f32 v7, v5;
	v9 =	vbroadcast v56, $0xF;
	v6 =	vsub.s32 $0x5F3759DF, v6  }
0x2e8: {  	v4 =	vadd.f32 v48, v4;
	v56 =	vmul.f32 v1, v0;
	v0 =	vmul.f32 v6, v8;
	v8, _, _ =	vpop (xrf2)  }
0x2e9: {  	v12 =	vmul.f32 v26, v26;
	v8 =	vbroadcast v8, $0xF  }
0x2ea: {  	(xrf2) =	vadd.scan.msk.f32 $0xffff, v4;
	v1 =	vsub.f32 $1.500000000e+00, v5;
	v4 =	vshrl.u32 v9, $0x1;
	v5 =	vmul.f32 $5.000000000e-01, v9  }
0x2eb: {  	v49 =	vmul.f32 v33, v33;
	v4 =	vsub.s32 $0x5F3759DF, v4  }
0x2ec: {  	v12 =	vadd.f32 v12, v35;
	v55 =	vmul.f32 v7, v1;
	v1 =	vmul.f32 v4, v5  }
0x2ed: {  	v0 =	vmul.f32 v6, v0;
	v5 =	vshrl.u32 v8, $0x1;
	v7 =	vmul.f32 $5.000000000e-01, v8;
	v8, _, _ =	vpop (xrf2)  }
0x2ee: {  	v12 =	vadd.f32 v49, v12;
	v8 =	vbroadcast v8, $0xF  }
0x2ef: {  	v1 =	vmul.f32 v4, v1;
	v0 =	vsub.f32 $1.500000000e+00, v0  }
0x2f0: {  	v34 =	vmul.f32 v51, v51;
	v39 =	vmul.f32 v29, v29;
	(xrf2) =	vadd.scan.msk.f32 $0xffff, v12  }
0x2f1: {  	v32 =	vld [tilespmem:s24+$0x44B0];
	v5 =	vsub.s32 $0x5F3759DF, v5;
	v49 =	vmul.f32 v6, v0;
	v6 =	vsub.f32 $1.500000000e+00, v1  }
0x2f2: {  	v0 =	vmul.f32 v5, v7;
	v1 =	vshrl.u32 v8, $0x1;
	v7 =	vmul.f32 $5.000000000e-01, v8;
	v8, _, _ =	vpop (xrf2)  }
0x2f3: {  	v63 =	vadd.f32 v39, v34;
	v8 =	vbroadcast v8, $0xF  }
0x2f4: {  	v10 =	vmul.f32 v23, v23;
	v0 =	vmul.f32 v5, v0;
	v1 =	vsub.s32 $0x5F3759DF, v1  }
0x2f5: {  	v48 =	vmul.f32 v4, v6;
	v4 =	vmul.f32 v1, v7  }
0x2f6: {  	[tilespmem:s24+$0x84F0] =	vst v3;
	v35 =	vmul.f32 v32, v32;
	v9 =	vadd.f32 v10, v63;
	v6 =	vsub.f32 $1.500000000e+00, v0  }
0x2f7: {  	[tilespmem:s24+$0x84D0] =	vst v2;
	v2 =	vmul.f32 v1, v4;
	v0 =	vshrl.u32 v8, $0x1;
	v7 =	vmul.f32 $5.000000000e-01, v8;
	v8, _, _ =	vpop (xrf2)  }
0x2f8: {  	[tilespmem:s24+$0x84C0] =	vst v13;
	v3 =	vadd.f32 v35, v9;
	v8 =	vbroadcast v8, $0xF  }
0x2f9: {  	[tilespmem:s24+$0x84E0] =	vst v11;
	v47 =	vmul.f32 v5, v6;
	v0 =	vsub.s32 $0x5F3759DF, v0;
	v2 =	vsub.f32 $1.500000000e+00, v2  }
0x2fa: {  	s26 =	simm.s32 $0x0;
	s9 =	simm.s32 $0x0;
	s23 =	simm.s32 $0xC00;
	v4 =	vmul.f32 v0, v7;
	(xrf2) =	vadd.scan.msk.f32 $0xffff, v3;
	v6, _, _ =	vpop (xrf2);
	v5 =	vshrl.u32 v8, $0x1;
	v3 =	vmul.f32 $5.000000000e-01, v8  }
.LBB2_15:
0x2fb: {  	[tilespmem:$0x1FA80] =	vst v60  }
0x2fc: {  	[tilespmem:$0x1FAB0] =	vst v30  }
0x2fd: {  	[tilespmem:$0x1FA70] =	vst v61;
	s11 =	sshra.s32 s23, $0x2  }
0x2fe: {  	[tilespmem:$0x1FA90] =	vst v58;
	v5 =	vsub.s32 $0x5F3759DF, v5;
	v7 =	vbroadcast v6, $0xF;
	v4 =	vmul.f32 v0, v4;
	v11 =	vld [tilespmem:s11+$0x44C0]  }
0x2ff: {  	[tilespmem:$0x1FAF0] =	vst v51;
	v51 =	vmul.f32 v1, v2;
	v1 =	vmul.f32 v5, v3;
	v13 =	vld [tilespmem:s11+$0x44D0]  }
0x300: {  	[tilespmem:$0x1FAE0] =	vst v33;
	v30 =	vmul.f32 v57, v37;
	v24 =	vld [tilespmem:s11+$0x44E0];
	v2 =	vsub.f32 $1.500000000e+00, v4;
	v4 =	vmul.f32 $5.000000000e-01, v7  }
0x301: {  	[tilespmem:$0x1FAD0] =	vst v53;
	v10 =	vld [tilespmem:s11+$0x44F0];
	v3 =	vshrl.u32 v7, $0x1;
	v1 =	vmul.f32 v5, v1;
	v21 =	vmul.f32 v57, v21  }
0x302: {  	[tilespmem:$0x1FAC0] =	vst v52;
	v7 =	vld [tilespmem:s11+$0x4200];
	v3 =	vsub.s32 $0x5F3759DF, v3;
	v34 =	vmul.f32 v57, v19;
	v19 =	vmul.f32 v57, v36  }
0x303: {  	v50 =	vmul.f32 v0, v2;
	v0 =	vmul.f32 v3, v4;
	v2 =	vld [tilespmem:s11+$0x4210];
	[tilespmem:s24+$0x8230] =	vst v30  }
0x304: {  	v30 =	vmul.f32 v56, v14;
	[tilespmem:$0x1FB10] =	vst v11;
	v11 =	vmul.f32 v11, v11;
	v6, _, _ =	vpop (xrf2)  }
0x305: {  	[tilespmem:$0x1FAA0] =	vst v54;
	v9 =	vld [tilespmem:s11+$0x4240];
	v12 =	vmul.f32 v13, v13;
	v6 =	vbroadcast v6, $0xF  }
0x306: {  	v61 =	vld [tilespmem:s11+$0x4250];
	v1 =	vsub.f32 $1.500000000e+00, v1;
	[tilespmem:s24+$0x8200] =	vst v21;
	v63 =	vmul.f32 v24, v24;
	v21 =	vmul.f32 v10, v10  }
0x307: {  	v39 =	vmovc v59;
	v59 =	vld [tilespmem:s11+$0x4340];
	[tilespmem:s24+$0x8210] =	vst v34;
	v34 =	vmul.f32 v55, v15;
	v8 =	vmovc v7;
	v4 =	vshrl.u32 v6, $0x1;
	v6 =	vmul.f32 $5.000000000e-01, v6  }
0x308: {  	v60 =	vld [tilespmem:s11+$0x4390];
	v0 =	vmul.f32 v3, v0;
	[tilespmem:$0x1FB40] =	vst v8;
	v8 =	vadd.f32 v12, v11;
	v4 =	vsub.s32 $0x5F3759DF, v4  }
0x309: {  	[tilespmem:$0x1FB20] =	vst v13;
	v13 =	vmul.f32 v7, v7;
	v7 =	vld [tilespmem:s11+$0x4280];
	v6 =	vmul.f32 v4, v6  }
0x30a: {  	[tilespmem:$0x1FB30] =	vst v24;
	v54 =	vmul.f32 v5, v1;
	v0 =	vsub.f32 $1.500000000e+00, v0;
	v12 =	vld [tilespmem:s11+$0x4290];
	v8 =	vadd.f32 v63, v8  }
0x30b: {  	[tilespmem:s24+$0x8220] =	vst v19;
	v1 =	vmul.f32 v2, v2;
	v5 =	vmul.f32 v4, v6;
	v6 =	vld [tilespmem:s11+$0x42C0]  }
0x30c: {  	v33 =	vmul.f32 v61, v61;
	[tilespmem:s24+$0x8250] =	vst v30;
	v52 =	vmul.f32 v3, v0;
	v3 =	vld [tilespmem:s11+$0x42D0];
	v8 =	vadd.f32 v21, v8  }
0x30d: {  	[tilespmem:s24+$0x8290] =	vst v34;
	v35 =	vmovc v2;
	v0 =	vmul.f32 v9, v9;
	v13 =	vadd.f32 v1, v13;
	v1 =	vsub.f32 $1.500000000e+00, v5;
	v5 =	vld [tilespmem:s11+$0x4300]  }
0x30e: {  	v11 =	vld [tilespmem:s11+$0x4310];
	[tilespmem:$0x1FB50] =	vst v35;
	v2 =	vmul.f32 v7, v7;
	v15 =	vmov v7;
	(xrf2) =	vadd.scan.msk.f32 $0xffff, v8  }
0x30f: {  	v58 =	vld [tilespmem:s11+$0x4350];
	v7 =	vmovc v12;
	v53 =	vmul.f32 v4, v1;
	v4 =	vadd.f32 v33, v0;
	v0 =	vmul.f32 v12, v12  }
0x310: {  	v37 =	vmovc v38;
	v42 =	vmul.f32 v49, v42;
	v57 =	vld [tilespmem:s11+$0x4380];
	v24 =	vmov v62;
	[tilespmem:$0x1FB90] =	vst v7;
	v8 =	vmul.f32 v6, v6  }
0x311: {  	v62 =	vld [tilespmem:s11+$0x4450];
	v38 =	vadd.f32 v0, v2;
	v0 =	vmul.f32 v3, v3;
	v2 =	vmul.f32 v56, v20;
	v1 =	vmovc v61  }
0x312: {  	v9 =	vmov v9;
	v63 =	vld [tilespmem:s11+$0x43D0];
	v7 =	vmul.f32 v60, v60;
	v36 =	vmul.f32 v5, v5;
	[tilespmem:$0x1FB70] =	vst v1  }
0x313: {  	v1 =	vld [tilespmem:s11+$0x43C0];
	v14 =	vadd.f32 v0, v8;
	v0 =	vmul.f32 v11, v11;
	[tilespmem:s24+$0x8240] =	vst v2;
	v2 =	vmul.f32 v56, v25  }
0x314: {  	v30 =	vld [tilespmem:s11+$0x4490];
	[tilespmem:$0x1FB60] =	vst v9;
	v35 =	vmov v41;
	v8 =	vmul.f32 v59, v59;
	v56 =	vmul.f32 v56, v45  }
0x315: {  	v41 =	vld [tilespmem:s11+$0x4400];
	[tilespmem:$0x1FBA0] =	vst v15;
	v25 =	vmul.f32 v57, v57;
	v36 =	vadd.f32 v0, v36;
	v0 =	vmul.f32 v58, v58  }
0x316: {  	v61 =	vld [tilespmem:s11+$0x4410];
	v45 =	vmul.f32 v55, v46;
	[tilespmem:s24+$0x8260] =	vst v2;
	v2 =	vmul.f32 v55, v18  }
0x317: {  	[tilespmem:s24+$0x8270] =	vst v56;
	v56 =	vld [tilespmem:s11+$0x4440];
	v15 =	vadd.f32 v7, v25;
	v7 =	vmul.f32 v63, v63;
	v25 =	vmul.f32 v49, v16  }
0x318: {  	v9 =	vld [tilespmem:s11+$0x4320];
	v12 =	vadd.f32 v0, v8;
	[tilespmem:s24+$0x8280] =	vst v2;
	v2 =	vmul.f32 v55, v22;
	v8 =	vmul.f32 v1, v1;
	v22, _, _ =	vpop (xrf2)  }
0x319: {  	v28 =	vmul.f32 v49, v28;
	v33 =	vmovc v44;
	v44 =	vld [tilespmem:s11+$0x4220];
	[tilespmem:s24+$0x82B0] =	vst v45;
	v22 =	vbroadcast v22, $0xF;
	v0 =	vmov v6  }
0x31a: {  	v34 =	vmul.f32 v41, v41;
	v55 =	vld [tilespmem:s11+$0x4480];
	[tilespmem:s24+$0x82C0] =	vst v25;
	v16 =	vadd.f32 v7, v8;
	v7 =	vmul.f32 v49, v17  }
0x31b: {  	v25 =	vld [tilespmem:s11+$0x4260];
	v6 =	vmul.f32 v61, v61;
	[tilespmem:$0x1FB80] =	vst v0;
	v46 =	vshrl.u32 v22, $0x1;
	v17 =	vmul.f32 $5.000000000e-01, v22  }
0x31c: {  	v49 =	vld [tilespmem:s11+$0x4420];
	v8 =	vmul.f32 v56, v56;
	v45 =	vsub.s32 $0x5F3759DF, v46;
	[tilespmem:s24+$0x82D0] =	vst v7;
	v0 =	vmovc v3;
	v3 =	vmul.f32 v62, v62  }
0x31d: {  	v18 =	vadd.f32 v6, v34;
	v6 =	vld [tilespmem:s11+$0x42E0];
	v7 =	vmul.f32 v45, v17  }
0x31e: {  	[tilespmem:s24+$0x82A0] =	vst v2;
	v17 =	vadd.f32 v3, v8;
	v3 =	vld [tilespmem:s11+$0x4360]  }
0x31f: {  	v22 =	vld [tilespmem:s11+$0x42A0];
	v21 =	vmul.f32 v45, v7  }
0x320: {  	v2 =	vld [tilespmem:s11+$0x4230]  }
0x321: {  	v34 =	vmovc v5;
	v5 =	vld [tilespmem:s11+$0x44A0];
	v19 =	vmul.f32 v55, v55;
	v8 =	vmul.f32 v30, v30;
	v21 =	vsub.f32 $1.500000000e+00, v21  }
0x322: {  	v20 =	vmul.f32 v44, v44;
	[tilespmem:$0x1FBB0] =	vst v0;
	v7 =	vld [tilespmem:s11+$0x43A0];
	v0 =	vmov v26;
	v26 =	vmul.f32 v6, v6  }
0x323: {  	[tilespmem:s24+$0x82E0] =	vst v42;
	v19 =	vadd.f32 v8, v19;
	v8 =	vld [tilespmem:s11+$0x43E0];
	v42 =	vmul.f32 v45, v21;
	v21 =	vmul.f32 v3, v3  }
0x324: {  	[tilespmem:$0x1FB00] =	vst v23;
	v13 =	vadd.f32 v20, v13;
	v20 =	vmul.f32 v22, v22;
	v14 =	vadd.f32 v26, v14;
	v26 =	vld [tilespmem:$0x1FBC0]  }
0x325: {  	v23 =	vmul.f32 v25, v25;
	[tilespmem:s24+$0x82F0] =	vst v28;
	v21 =	vadd.f32 v21, v12;
	v12 =	vmul.f32 v48, v40;
	v40 =	vld [tilespmem:$0x1FC10]  }
0x326: {  	v28 =	vmul.f32 v48, v27;
	v27 =	vmul.f32 v9, v9;
	v20 =	vadd.f32 v20, v38;
	v38 =	vmovc v32;
	v32 =	vld [tilespmem:$0x1FBE0]  }
0x327: {  	v46 =	vmov v11;
	v23 =	vadd.f32 v23, v4;
	[tilespmem:s24+$0x8320] =	vst v12;
	v12 =	vld [tilespmem:$0x1FBD0]  }
0x328: {  	v4 =	vld [tilespmem:s11+$0x4460];
	[tilespmem:s24+$0x8300] =	vst v28;
	v27 =	vadd.f32 v27, v36;
	v10 =	vmul.f32 v42, v10;
	v36 =	vmul.f32 v8, v8  }
0x329: {  	v45 =	vld [tilespmem:s11+$0x4270];
	[tilespmem:$0x1FBC0] =	vst v46;
	v26 =	vmul.f32 v48, v26  }
0x32a: {  	v46 =	vld [tilespmem:s11+$0x42B0];
	[tilespmem:s11+$0x84F0] =	vst v10;
	v10 =	vmul.f32 v48, v40  }
0x32b: {  	v16 =	vadd.f32 v36, v16;
	[tilespmem:s24+$0x8310] =	vst v26;
	v26 =	vmul.f32 v49, v49;
	v40 =	vmul.f32 v47, v32;
	v48 =	vld [tilespmem:s11+$0x4370]  }
0x32c: {  	v36 =	vmovc v31;
	v32 =	vmov v29;
	v29 =	vmul.f32 v2, v2;
	v31 =	vld [tilespmem:s11+$0x4330];
	v12 =	vmul.f32 v47, v12;
	[tilespmem:s24+$0x8330] =	vst v10  }
0x32d: {  	v18 =	vadd.f32 v26, v18;
	v26 =	vmul.f32 v5, v5;
	[tilespmem:s24+$0x8350] =	vst v40;
	v40 =	vld [tilespmem:$0x1FBF0]  }
0x32e: {  	v11 =	vmul.f32 v4, v4;
	v10 =	vld [tilespmem:s11+$0x43B0];
	v13 =	vadd.f32 v29, v13;
	[tilespmem:s24+$0x8340] =	vst v12;
	v12 =	vmul.f32 v45, v45  }
0x32f: {  	v29 =	vmul.f32 v46, v46;
	v19 =	vadd.f32 v26, v19;
	v26 =	vmul.f32 v47, v24;
	v24 =	vld [tilespmem:$0x1FA70]  }
0x330: {  	v37 =	vmul.f32 v47, v37;
	v28 =	vmul.f32 v7, v7;
	v23 =	vadd.f32 v12, v23;
	v12 =	vld [tilespmem:s11+$0x4430]  }
0x331: {  	v17 =	vadd.f32 v11, v17;
	v11 =	vld [tilespmem:$0x1FC00];
	v20 =	vadd.f32 v29, v20;
	v29 =	vmul.f32 v31, v31  }
0x332: {  	[tilespmem:s24+$0x8360] =	vst v37;
	(xrf2) =	vadd.scan.msk.f32 $0xffff, v13;
	v13 =	vld [tilespmem:s11+$0x44B0];
	v37 =	vmul.f32 v51, v40  }
0x333: {  	v15 =	vadd.f32 v28, v15;
	v27 =	vadd.f32 v29, v27;
	v29 =	vmul.f32 v10, v10  }
0x334: {  	[tilespmem:s24+$0x8380] =	vst v37;
	v37 =	vmul.f32 v51, v24;
	v24 =	vld [tilespmem:$0x1FA80]  }
0x335: {  	[tilespmem:s24+$0x8370] =	vst v26;
	v15 =	vadd.f32 v29, v15;
	v29 =	vmul.f32 v12, v12  }
0x336: {  	v26 =	vmul.f32 v51, v11;
	[tilespmem:$0x1FC10] =	vst v31;
	v31 =	vmul.f32 v51, v43  }
0x337: {  	(xrf2) =	vadd.scan.msk.f32 $0xffff, v23;
	v23 =	vmul.f32 v50, v39;
	v18 =	vadd.f32 v29, v18;
	v29 =	vmul.f32 v13, v13  }
0x338: {  	[tilespmem:s24+$0x83A0] =	vst v31;
	v31 =	vmul.f32 v50, v36;
	v36 =	vmov v44;
	v44 =	vmul.f32 v50, v35  }
0x339: {  	[tilespmem:s24+$0x8390] =	vst v26;
	v26 =	vmul.f32 v50, v24;
	v50 =	vadd.f32 v29, v19;
	v29 =	vmul.f32 v52, v0;
	v0 =	vld [tilespmem:$0x1FAE0];
	_ =	sdelay $0x2  }
0x33a: {  	v47 =	vld [tilespmem:s11+$0x43F0]  }
0x33b: {  	v24 =	vld [tilespmem:$0x1FAA0]  }
0x33c: {  	[tilespmem:s24+$0x83F0] =	vst v44;
	v44 =	vmul.f32 v52, v0;
	v0 =	vld [tilespmem:$0x1FAF0];
	_ =	sdelay $0x2  }
0x33d: {  	v35 =	vmov v59  }
0x33e: {  	[tilespmem:$0x1FBD0] =	vst v35  }
0x33f: {  	[tilespmem:s24+$0x83C0] =	vst v26;
	v26 =	vmul.f32 v54, v24;
	v24 =	vld [tilespmem:$0x1FAB0];
	v35 =	vmul.f32 v53, v0;
	v0 =	vmov v57  }
0x340: {  	[tilespmem:$0x1FBF0] =	vst v0;
	v0 =	vld [tilespmem:$0x1FB00];
	_ =	sdelay $0x1  }
0x341: {  	v28 =	vld [tilespmem:s11+$0x42F0]  }
0x342: {  	(xrf2) =	vadd.scan.msk.f32 $0xffff, v20;
	v20 =	vld [tilespmem:$0x1FA90];
	_ =	sdelay $0x1  }
0x343: {  	v39 =	vmul.f32 v54, v24;
	v24 =	vmovc v60;
	v60 =	vmov v1;
	v1 =	vmul.f32 v53, v0;
	v0 =	vld [tilespmem:$0x1FB10];
	_ =	sdelay $0x2  }
0x344: {  	v40 =	vmul.f32 v28, v28;
	v20 =	vmul.f32 v54, v20  }
0x345: {  	[tilespmem:s24+$0x83D0] =	vst v23;
	v23 =	vld [tilespmem:$0x1FAC0]  }
0x346: {  	v14 =	vadd.f32 v40, v14;
	[tilespmem:s24+$0x8400] =	vst v20;
	v20 =	vmul.f32 v53, v32;
	v32 =	vmul.f32 v42, v0;
	v0 =	vld [tilespmem:$0x1FB20]  }
0x347: {  	v11 =	vld [tilespmem:s11+$0x4470]  }
0x348: {  	(xrf2) =	vadd.scan.msk.f32 $0xffff, v14  }
0x349: {  	v40 =	vmul.f32 v48, v48;
	v51 =	vmul.f32 v47, v47  }
0x34a: {  	[tilespmem:s24+$0x83E0] =	vst v31;
	v14 =	vld [tilespmem:$0x1FAD0];
	v31, _, _ =	vpop (xrf2);
	v19 =	vmul.f32 v54, v33;
	v23 =	vmul.f32 v52, v23  }
0x34b: {  	v21 =	vadd.f32 v40, v21;
	v31 =	vbroadcast v31, $0xF;
	[tilespmem:s24+$0x8420] =	vst v39;
	v39 =	vmul.f32 v42, v0;
	v0 =	vld [tilespmem:$0x1FB30]  }
0x34c: {  	v16 =	vadd.f32 v51, v16;
	v51 =	vmul.f32 v11, v11;
	[tilespmem:s24+$0x83B0] =	vst v37;
	(xrf2) =	vadd.scan.msk.f32 $0xffff, v27  }
0x34d: {  	v27 =	vshrl.u32 v31, $0x1;
	v31 =	vmul.f32 $5.000000000e-01, v31;
	[tilespmem:s24+$0x8430] =	vst v19;
	v54 =	vmov v58;
	v58, _, _ =	vpop (xrf2)  }
0x34e: {  	v17 =	vadd.f32 v51, v17;
	v27 =	vsub.s32 $0x5F3759DF, v27;
	[tilespmem:$0x1FC00] =	vst v24;
	v24 =	vbroadcast v58, $0xF  }
0x34f: {  	v14 =	vmul.f32 v52, v14;
	[tilespmem:s24+$0x8440] =	vst v23;
	v19 =	vmul.f32 v27, v31;
	(xrf2) =	vadd.scan.msk.f32 $0xffff, v21;
	v23, _, _ =	vpop (xrf2)  }
0x350: {  	[tilespmem:$0x1FBE0] =	vst v54;
	v54 =	vmovc v61;
	v21 =	vmul.f32 $5.000000000e-01, v24;
	v61 =	vmul.f32 v42, v0;
	v0 =	vshrl.u32 v24, $0x1  }
0x351: {  	v37 =	vmovc v2;
	[tilespmem:s24+$0x8450] =	vst v14;
	v14 =	vmul.f32 v27, v19;
	v19 =	vbroadcast v23, $0xF;
	v0 =	vsub.s32 $0x5F3759DF, v0  }
0x352: {  	[tilespmem:s24+$0x8410] =	vst v26;
	v26 =	vmul.f32 v53, v38;
	(xrf2) =	vadd.scan.msk.f32 $0xffff, v15;
	v15, _, _ =	vpop (xrf2);
	v2 =	vmul.f32 v0, v21  }
0x353: {  	v59 =	vmovc v63;
	v63 =	vshrl.u32 v19, $0x1;
	v42 =	vmovc v6;
	v6 =	vsub.f32 $1.500000000e+00, v14;
	v14 =	vmul.f32 $5.000000000e-01, v19  }
0x354: {  	v40 =	vmovc v9;
	v15 =	vbroadcast v15, $0xF;
	v9 =	vsub.s32 $0x5F3759DF, v63;
	v2 =	vmul.f32 v0, v2  }
0x355: {  	v43 =	vmovc v7;
	v38 =	vmov v3;
	(xrf2) =	vadd.scan.msk.f32 $0xffff, v16;
	v57 =	vmul.f32 v27, v6;
	v3 =	vmul.f32 v9, v14  }
0x356: {  	v7, _, _ =	vpop (xrf2);
	[tilespmem:s24+$0x84A0] =	vst v1;
	v6 =	vmul.f32 $5.000000000e-01, v15;
	v1 =	vsub.f32 $1.500000000e+00, v2;
	v2 =	vshrl.u32 v15, $0x1  }
0x357: {  	v52 =	vmovc v56;
	[tilespmem:s24+$0x84B0] =	vst v26;
	v7 =	vbroadcast v7, $0xF;
	v3 =	vmul.f32 v9, v3;
	v2 =	vsub.s32 $0x5F3759DF, v2  }
0x358: {  	v26 =	vmovc v4;
	v23 =	vmov v5;
	(xrf2) =	vadd.scan.msk.f32 $0xffff, v18;
	v56 =	vmul.f32 v0, v1;
	v0 =	vmul.f32 v2, v6  }
0x359: {  	v4 =	vmul.f32 $5.000000000e-01, v7;
	v5, _, _ =	vpop (xrf2);
	v1 =	vsub.f32 $1.500000000e+00, v3;
	v3 =	vshrl.u32 v7, $0x1  }
0x35a: {  	v5 =	vbroadcast v5, $0xF;
	v3 =	vsub.s32 $0x5F3759DF, v3;
	v0 =	vmul.f32 v2, v0  }
0x35b: {  	v51 =	vmovc v55;
	(xrf2) =	vadd.scan.msk.f32 $0xffff, v17;
	v55 =	vmul.f32 v9, v1;
	v1 =	vmul.f32 v3, v4  }
0x35c: {  	[tilespmem:s24+$0x8460] =	vst v29;
	v6, _, _ =	vpop (xrf2);
	v4 =	vshrl.u32 v5, $0x1;
	v5 =	vmul.f32 $5.000000000e-01, v5;
	v0 =	vsub.f32 $1.500000000e+00, v0  }
0x35d: {  	v33 =	vmovc v11;
	[tilespmem:s24+$0x8490] =	vst v20;
	v7 =	vbroadcast v6, $0xF;
	v4 =	vsub.s32 $0x5F3759DF, v4;
	v1 =	vmul.f32 v3, v1  }
0x35e: {  	v20 =	vld [tilespmem:$0x1FB60];
	v29 =	vmovc v30;
	v30 =	vmovc v49;
	v31 =	vmov v8;
	v49 =	vmul.f32 v2, v0;
	v0 =	vmul.f32 v4, v5  }
0x35f: {  	s9 =	sadd.s32 $0xC, s9;
	v16 =	vld [tilespmem:$0x1FB80];
	v6, _, _ =	vpop (xrf2);
	v2 =	vsub.f32 $1.500000000e+00, v1;
	v1 =	vshrl.u32 v7, $0x1;
	v5 =	vmul.f32 $5.000000000e-01, v7  }
0x360: {  	p1 =	slt.u32 s9, $0x6C;
	[tilespmem:s24+$0x8470] =	vst v44;
	v44 =	vmovc v12;
	v58 =	vmovc v41;
	v18 =	vld [tilespmem:$0x1FBA0];
	v7 =	vbroadcast v6, $0xF;
	v1 =	vsub.s32 $0x5F3759DF, v1;
	v0 =	vmul.f32 v4, v0  }
.Ltmp9:
0x361: {  	[tilespmem:s24+$0x8480] =	vst v35;
	v53 =	vmovc v62;
	v62 =	vmov v48;
	s24 =	smov.u32 s11;
	v17 =	vld [tilespmem:$0x1FBB0];
	v48 =	vmul.f32 v3, v2;
	v2 =	vmul.f32 v1, v5;
	(pc) =	sbr.rel @p1 .LBB2_15-.Ltmp9, $4  }
0x362: {  	[tilespmem:s24+$0x84C0] =	vst v32;
	v19 =	vld [tilespmem:$0x1FB50];
	v6, _, _ =	vpop (xrf2);
	v5 =	vmul.f32 $5.000000000e-01, v7;
	v3 =	vsub.f32 $1.500000000e+00, v0;
	v0 =	vshrl.u32 v7, $0x1  }
0x363: {  	v41 =	vmovc v47;
	v32 =	vmovc v13;
	[tilespmem:s24+$0x84D0] =	vst v39;
	v21 =	vld [tilespmem:$0x1FB40];
	v2 =	vmul.f32 v1, v2;
	v7 =	vbroadcast v6, $0xF;
	v0 =	vsub.s32 $0x5F3759DF, v0  }
0x364: {  	v27 =	vmovc v34;
	v14 =	vld [tilespmem:$0x1FB70];
	[tilespmem:s24+$0x84E0] =	vst v61;
	v61 =	vmov v10;
	v47 =	vmul.f32 v4, v3;
	v4 =	vmul.f32 v0, v5  }
0x365: {  	s23 =	sadd.s32 $0xC00, s23;
	v15 =	vld [tilespmem:$0x1FB90];
	(xrf2) =	vadd.scan.msk.f32 $0xffff, v50;
	v6, _, _ =	vpop (xrf2);
	v2 =	vsub.f32 $1.500000000e+00, v2;
	v5 =	vshrl.u32 v7, $0x1;
	v3 =	vmul.f32 $5.000000000e-01, v7  }
0x366: {  	v39 =	vmul.f32 v57, v36  }
0x367: {  	v50 =	vmul.f32 v57, v37  }
0x368: {  	v12 =	vmul.f32 v56, v25;
	[tilespmem:s24+$0x8220] =	vst v39  }
0x369: {  	v13 =	vmul.f32 v56, v45;
	[tilespmem:s24+$0x8230] =	vst v50  }
0x36a: {  	v24 =	vmul.f32 v49, v42;
	[tilespmem:s24+$0x8260] =	vst v12  }
0x36b: {  	v25 =	vmul.f32 v49, v28;
	[tilespmem:s24+$0x8270] =	vst v13  }
0x36c: {  	v8 =	vmul.f32 v57, v19;
	[tilespmem:s24+$0x82E0] =	vst v24  }
0x36d: {  	v19 =	vmul.f32 v55, v22;
	[tilespmem:s24+$0x82F0] =	vst v25  }
0x36e: {  	v22 =	vmul.f32 v49, v17;
	[tilespmem:s24+$0x8210] =	vst v8  }
0x36f: {  	v7 =	vmul.f32 v57, v21;
	[tilespmem:s24+$0x82A0] =	vst v19  }
0x370: {  	v57 =	vmul.f32 v56, v20;
	[tilespmem:s24+$0x82D0] =	vst v22  }
0x371: {  	v20 =	vmul.f32 v55, v46;
	[tilespmem:s24+$0x8200] =	vst v7  }
0x372: {  	v21 =	vmul.f32 v49, v16;
	[tilespmem:s24+$0x8240] =	vst v57  }
0x373: {  	v63 =	vmul.f32 v56, v14;
	[tilespmem:s24+$0x82B0] =	vst v20  }
0x374: {  	v14 =	vmul.f32 v55, v18;
	[tilespmem:s24+$0x82C0] =	vst v21  }
0x375: {  	v18 =	vmul.f32 v55, v15;
	[tilespmem:s24+$0x8250] =	vst v63  }
0x376: {  	[tilespmem:s24+$0x8280] =	vst v14  }
0x377: {  	[tilespmem:s24+$0x8290] =	vst v18  }
0x378: {  	v8 =	vld [tilespmem:$0x1FBC0];
	_ =	sdelay $0x3  }
0x379: {  	v27 =	vmul.f32 v48, v27  }
0x37a: {  	v8 =	vmul.f32 v48, v8  }
0x37b: {  	[tilespmem:s24+$0x8300] =	vst v27  }
0x37c: {  	[tilespmem:s24+$0x8310] =	vst v8  }
0x37d: {  	v8 =	vld [tilespmem:$0x1FC10];
	_ =	sdelay $0x2  }
0x37e: {  	v28 =	vmul.f32 v48, v40;
	_ =	sdelay $0x1  }
0x37f: {  	[tilespmem:s24+$0x8320] =	vst v28;
	v8 =	vmul.f32 v48, v8  }
0x380: {  	v7 =	vld [tilespmem:$0x1FBD0]  }
0x381: {  	[tilespmem:s24+$0x8330] =	vst v8  }
0x382: {  	v34 =	vld [tilespmem:$0x1FBE0];
	_ =	sdelay $0x2  }
0x383: {  	v7 =	vmul.f32 v47, v7  }
0x384: {  	v4 =	vmul.f32 v0, v4;
	v35 =	vmul.f32 v47, v38  }
0x385: {  	v1 =	vmul.f32 v1, v2;
	[tilespmem:s24+$0x8340] =	vst v7;
	v2 =	vmul.f32 v47, v34  }
0x386: {  	v37 =	vmul.f32 v47, v62;
	[tilespmem:s24+$0x8360] =	vst v35  }
0x387: {  	v5 =	vsub.s32 $0x5F3759DF, v5;
	v4 =	vsub.f32 $1.500000000e+00, v4;
	[tilespmem:s24+$0x8350] =	vst v2  }
0x388: {  	v3 =	vmul.f32 v5, v3;
	v9, _, _ =	vpop (xrf2);
	v7 =	vld [tilespmem:$0x1FBF0];
	[tilespmem:s24+$0x8370] =	vst v37  }
0x389: {  	v38 =	vmul.f32 v0, v4;
	v9 =	vbroadcast v9, $0xF;
	v2 =	vld [tilespmem:$0x1FC00]  }
0x38a: {  	v3 =	vmul.f32 v5, v3;
	v39 =	vmul.f32 v1, v43  }
0x38b: {  	v45 =	vmul.f32 v38, v60;
	v43 =	vmul.f32 $5.000000000e-01, v9;
	v46 =	vshrl.u32 v9, $0x1  }
0x38c: {  	v6 =	vbroadcast v6, $0xF;
	v48 =	vsub.s32 $0x5F3759DF, v46;
	v47 =	vmul.f32 v38, v59;
	[tilespmem:s24+$0x83A0] =	vst v39  }
0x38d: {  	v42 =	vsub.f32 $1.500000000e+00, v3;
	v49 =	vmul.f32 v38, v31;
	v3 =	vmul.f32 v48, v43;
	[tilespmem:s24+$0x83C0] =	vst v45  }
0x38e: {  	v36 =	vmul.f32 $5.000000000e-01, v6;
	[tilespmem:s24+$0x83D0] =	vst v47;
	v2 =	vmul.f32 v1, v2  }
0x38f: {  	v6 =	vshrl.u32 v6, $0x1;
	v0 =	vmul.f32 v38, v41;
	v3 =	vmul.f32 v48, v3;
	[tilespmem:s24+$0x83E0] =	vst v49  }
0x390: {  	v6 =	vsub.s32 $0x5F3759DF, v6;
	v7 =	vmul.f32 v1, v7;
	[tilespmem:s24+$0x8390] =	vst v2;
	v2 =	vmul.f32 v5, v42  }
0x391: {  	v40 =	vmul.f32 v6, v36;
	[tilespmem:s24+$0x83F0] =	vst v0;
	v1 =	vmul.f32 v1, v61  }
0x392: {  	v3 =	vsub.f32 $1.500000000e+00, v3;
	[tilespmem:s24+$0x8380] =	vst v7;
	v55 =	vmul.f32 v2, v58  }
0x393: {  	v7 =	vmul.f32 v6, v40;
	[tilespmem:s24+$0x83B0] =	vst v1;
	v56 =	vmul.f32 v2, v54  }
0x394: {  	v1 =	vmul.f32 v48, v3;
	v58 =	vmul.f32 v2, v30;
	[tilespmem:s24+$0x8400] =	vst v55  }
0x395: {  	v2 =	vmul.f32 v2, v44;
	[tilespmem:s24+$0x8410] =	vst v56  }
0x396: {  	v50 =	vsub.f32 $1.500000000e+00, v7;
	v3 =	vmul.f32 v1, v51;
	[tilespmem:s24+$0x8420] =	vst v58  }
0x397: {  	v62 =	vmul.f32 v1, v29;
	[tilespmem:s24+$0x8430] =	vst v2  }
0x398: {  	v63 =	vmul.f32 v1, v23;
	v57 =	vmul.f32 v6, v50;
	[tilespmem:s24+$0x8480] =	vst v3  }
0x399: {  	v1 =	vmul.f32 v1, v32;
	[tilespmem:s24+$0x8490] =	vst v62  }
0x39a: {  	[tilespmem:s24+$0x84A0] =	vst v63;
	v59 =	vmul.f32 v57, v52  }
0x39b: {  	[tilespmem:s24+$0x84B0] =	vst v1;
	v60 =	vmul.f32 v57, v53  }
0x39c: {  	v61 =	vmul.f32 v57, v26;
	[tilespmem:s24+$0x8440] =	vst v59  }
0x39d: {  	v0 =	vmul.f32 v57, v33;
	[tilespmem:s24+$0x8450] =	vst v60  }
0x39e: {  	[tilespmem:s24+$0x8460] =	vst v61  }
0x39f: {  	[tilespmem:s24+$0x8470] =	vst v0  }
.LBB2_17:
0x3a0: {  	s9 =	sshra.s32 s26, $0x2  }
0x3a1: {  	v0 =	vld [tilespmem:s9+$0x6000]  }
0x3a2: {  	v1 =	vld [tilespmem:s9+$0x6010];
	_ =	sdelay $0x1  }
0x3a3: {  	v2 =	vld [tilespmem:s9+$0x6020];
	_ =	sdelay $0x1  }
0x3a4: {  	v3 =	vld [tilespmem:s9+$0x6030]  }
0x3a5: {  	v4 =	vmul.f32 v0, v0;
	v5 =	vmul.f32 v1, v1;
	_ =	sdelay $0x1  }
0x3a6: {  	v59 =	vmul.f32 v2, v2;
	v4 =	vadd.f32 v5, v4;
	_ =	sdelay $0x1  }
0x3a7: {  	v60 =	vmul.f32 v3, v3;
	v4 =	vadd.f32 v59, v4;
	_ =	sdelay $0x1  }
0x3a8: {  	v4 =	vadd.f32 v60, v4;
	_ =	sdelay $0x1  }
0x3a9: {  	(xrf2) =	vadd.scan.msk.f32 $0xffff, v4;
	_ =	sdelay $0x9  }
0x3aa: {  	v4, _, _ =	vpop (xrf2)  }
0x3ab: {  	v4 =	vbroadcast v4, $0xF;
	_ =	sdelay $0x1  }
0x3ac: {  	v61 =	vshrl.u32 v4, $0x1;
	v4 =	vmul.f32 $-5.000000000e-01, v4  }
0x3ad: {  	v5 =	vsub.s32 $0x5F3759DF, v61  }
0x3ae: {  	v4 =	vmul.f32 v5, v4;
	_ =	sdelay $0x1  }
0x3af: {  	v4 =	vmul.f32 v5, v4;
	_ =	sdelay $0x1  }
0x3b0: {  	v4 =	vadd.f32 $1.500000000e+00, v4;
	_ =	sdelay $0x1  }
0x3b1: {  	v4 =	vmul.f32 v5, v4;
	_ =	sdelay $0x1  }
0x3b2: {  	p1 =	sne.s32 s26, $0x700;
	v0 =	vmul.f32 v4, v0  }
.Ltmp10:
0x3b3: {  	v1 =	vmul.f32 v4, v1;
	(pc) =	sbr.rel @p1 .LBB2_17-.Ltmp10, $4  }
0x3b4: {  	v62 =	vmul.f32 v4, v2;
	[tilespmem:s9+$0xA000] =	vst v0  }
0x3b5: {  	v63 =	vmul.f32 v4, v3;
	[tilespmem:s9+$0xA010] =	vst v1  }
0x3b6: {  	[tilespmem:s9+$0xA020] =	vst v62  }
0x3b7: {  	s26 =	sadd.s32 $0x100, s26;
	[tilespmem:s9+$0xA030] =	vst v63  }
0x3b8: {  	s9 =	sadd.s32 s6, s14  }
0x3b9: {  	s9 =	sshll.u32 s9, $0x3  }
0x3ba: {  	s9 =	sand.u32 $0x1FFFF800, s9  }
0x3bb: {  	s9 =	sadd.s32 s2, s9  }
0x3bc: {  	[hbm4b:s9+s3] =	stream.linear.scatter [tilespmem:s1], [sflag:$0x9], $0x2000, $0x38;
	[tilespmem:$0xC200] =	vst v63  }
0x3bd: {  	s9 =	sadd.s32 @!p0 s6, s15  }
0x3be: {  	s9 =	sshrl.u32 @!p0 s9, $0x3  }
0x3bf: {  	s11 =	simm.s32 @!p0 $0x0;
	s23 =	simm.s32 @!p0 $0x100;
	s9 =	sadd.s32 @!p0 s4, s9  }
0x3c0: {  	[tilespmem:s23], [sflag:$0x3] =	stream.linear.gather @!p0 [hbm4b:s9+s11], $0x80, $0x38;
	[tilespmem:$0xC200] =	vst v63  }
0x3c1: {  	s9 =	simm.s32 @!p0 $0x3  }
0x3c2: {  	_ =	swait.ge @!p0 [sflag:s9], $0x80  }
0x3c3: {  	[sflag:s9] =	ssyncset.done @!p0 $0x0  }
0x3c4: {  	s11 =	simm.s32 @!p0 $0x4200;
	[sflag:s9] =	ssyncadd.s32 @!p0 $0xFFFFFF80;
	s9 =	simm.s32 @!p0 $0x80  }
0x3c5: {  	[tilespmem:s11], [sflag:$0x7] =	stream.indirect.gather @!p0 [hbm4b:s5+s9], $0x40, s23, s9, $0xb8;
	[tilespmem:$0xC200] =	vst v63  }
0x3c6: {  	_ =	swait.ge [sflag:s8], $0x2000  }
0x3c7: {  	[sflag:s8] =	ssyncset.done $0x0  }
0x3c8: {  	[sflag:s8] =	ssyncadd.s32 $0xFFFFE000  }
0x3c9: {  	_ =	swait.ge [sflag:s25], $0x2000  }
0x3ca: {  	[sflag:s25] =	ssyncset.done $0x0  }
0x3cb: {  	s24 =	simm.s32 $0x0;
	[sflag:s25] =	ssyncadd.s32 $0xFFFFE000  }
0x3cc: {  	v1 =	vld [tilespmem:s24+$0x64C0]  }
0x3cd: {  	v2 =	vld [tilespmem:s24+$0x64D0]  }
0x3ce: {  	v21 =	vld [tilespmem:s24+$0x6200]  }
0x3cf: {  	v0 =	vld [tilespmem:s24+$0x64E0]  }
0x3d0: {  	v19 =	vld [tilespmem:s24+$0x6210]  }
0x3d1: {  	v3 =	vld [tilespmem:s24+$0x64F0]  }
0x3d2: {  	v20 =	vld [tilespmem:s24+$0x6240]  }
0x3d3: {  	v14 =	vld [tilespmem:s24+$0x6250]  }
0x3d4: {  	v18 =	vld [tilespmem:s24+$0x6280]  }
0x3d5: {  	v15 =	vld [tilespmem:s24+$0x6290]  }
0x3d6: {  	v16 =	vld [tilespmem:s24+$0x62C0]  }
0x3d7: {  	v17 =	vld [tilespmem:s24+$0x62D0]  }
0x3d8: {  	v27 =	vld [tilespmem:s24+$0x6300]  }
0x3d9: {  	v11 =	vld [tilespmem:s24+$0x6310]  }
0x3da: {  	v23 =	vld [tilespmem:s24+$0x6340]  }
0x3db: {  	v12 =	vld [tilespmem:s24+$0x6350];
	v4 =	vmul.f32 v1, v1;
	v5 =	vmul.f32 v2, v2  }
0x3dc: {  	v22 =	vld [tilespmem:s24+$0x6380]  }
0x3dd: {  	v13 =	vld [tilespmem:s24+$0x6390];
	v4 =	vadd.f32 v5, v4;
	v5 =	vmul.f32 v0, v0  }
0x3de: {  	v60 =	vld [tilespmem:s24+$0x63C0]  }
0x3df: {  	v59 =	vld [tilespmem:s24+$0x63D0];
	v4 =	vadd.f32 v5, v4;
	v5 =	vmul.f32 v3, v3  }
0x3e0: {  	v58 =	vld [tilespmem:s24+$0x6400]  }
0x3e1: {  	v54 =	vld [tilespmem:s24+$0x6410];
	v4 =	vadd.f32 v5, v4  }
0x3e2: {  	v52 =	vld [tilespmem:s24+$0x6440]  }
0x3e3: {  	v53 =	vld [tilespmem:s24+$0x6450];
	(xrf2) =	vadd.scan.msk.f32 $0xffff, v4  }
0x3e4: {  	v51 =	vld [tilespmem:s24+$0x6480]  }
0x3e5: {  	v29 =	vld [tilespmem:s24+$0x6490]  }
0x3e6: {  	v36 =	vld [tilespmem:s24+$0x6220];
	v6 =	vmul.f32 v20, v20  }
0x3e7: {  	v25 =	vld [tilespmem:s24+$0x6260];
	v7 =	vmul.f32 v14, v14;
	v8 =	vmul.f32 v18, v18;
	[tilespmem:$0x1FA10] =	vst v11  }
0x3e8: {  	v9 =	vmul.f32 v15, v15;
	v10 =	vmul.f32 v17, v17;
	v37 =	vld [tilespmem:s24+$0x6230];
	[tilespmem:$0x1FA20] =	vst v23  }
0x3e9: {  	v11 =	vmul.f32 v11, v11;
	v47 =	vmul.f32 v23, v23;
	[tilespmem:$0x1FA30] =	vst v12  }
0x3ea: {  	v48 =	vmul.f32 v22, v22;
	v12 =	vmul.f32 v12, v12;
	v23 =	vld [tilespmem:s24+$0x62A0]  }
0x3eb: {  	v6 =	vadd.f32 v7, v6;
	v5 =	vmul.f32 v19, v19;
	v4 =	vmul.f32 v21, v21  }
0x3ec: {  	v7 =	vmul.f32 v27, v27;
	v8 =	vadd.f32 v9, v8;
	[tilespmem:$0x1FA50] =	vst v13;
	v13 =	vmul.f32 v13, v13  }
0x3ed: {  	[tilespmem:$0x1FA40] =	vst v22;
	v9 =	vadd.f32 v12, v47;
	v4 =	vadd.f32 v5, v4;
	v5 =	vmul.f32 v16, v16;
	v49, _, _ =	vpop (xrf2)  }
0x3ee: {  	v12 =	vmul.f32 v36, v36;
	v45 =	vld [tilespmem:s24+$0x6270];
	v7 =	vadd.f32 v11, v7;
	v11 =	vbroadcast v49, $0xF  }
0x3ef: {  	v22 =	vmovc v23;
	v23 =	vmul.f32 v60, v60;
	v5 =	vadd.f32 v10, v5;
	v10 =	vadd.f32 v13, v48  }
0x3f0: {  	v4 =	vadd.f32 v12, v4;
	v12 =	vmul.f32 v37, v37;
	v26 =	vshrl.u32 v11, $0x1  }
0x3f1: {  	v13 =	vmul.f32 v59, v59;
	v32 =	vsub.s32 $0x5F3759DF, v26;
	v26 =	vmul.f32 v25, v25  }
0x3f2: {  	v42 =	vld [tilespmem:s24+$0x62E0];
	v4 =	vadd.f32 v12, v4  }
0x3f3: {  	v46 =	vld [tilespmem:s24+$0x62B0];
	v12 =	vadd.f32 v13, v23;
	v23 =	vmul.f32 v45, v45;
	v6 =	vadd.f32 v26, v6  }
0x3f4: {  	v24 =	vmul.f32 v58, v58;
	v13 =	vmul.f32 v54, v54  }
0x3f5: {  	v28 =	vld [tilespmem:s24+$0x62F0];
	v6 =	vadd.f32 v23, v6  }
0x3f6: {  	(xrf2) =	vadd.scan.msk.f32 $0xffff, v4;
	v4 =	vadd.f32 v13, v24;
	v13 =	vmul.f32 v22, v22  }
0x3f7: {  	v40 =	vld [tilespmem:s24+$0x6320];
	(xrf2) =	vadd.scan.msk.f32 $0xffff, v6  }
0x3f8: {  	v38 =	vld [tilespmem:s24+$0x6360];
	v50 =	vmul.f32 v42, v42;
	v8 =	vadd.f32 v13, v8;
	v13 =	vmul.f32 v46, v46  }
0x3f9: {  	v33 =	vmul.f32 v52, v52;
	v43 =	vld [tilespmem:s24+$0x63A0];
	v24 =	vmul.f32 v53, v53  }
0x3fa: {  	v31 =	vld [tilespmem:s24+$0x63E0];
	v55 =	vmul.f32 v28, v28;
	v5 =	vadd.f32 v50, v5;
	v8 =	vadd.f32 v13, v8  }
0x3fb: {  	v35 =	vadd.f32 v24, v33;
	v24 =	vld [tilespmem:s24+$0x6330];
	v11 =	vmul.f32 $5.000000000e-01, v11  }
0x3fc: {  	v62 =	vld [tilespmem:s24+$0x6370];
	v5 =	vadd.f32 v55, v5;
	(xrf2) =	vadd.scan.msk.f32 $0xffff, v8  }
0x3fd: {  	v30 =	vld [tilespmem:s24+$0x6420];
	v11 =	vmul.f32 v32, v11  }
0x3fe: {  	v61 =	vld [tilespmem:s24+$0x63B0];
	v13 =	vmul.f32 v38, v38;
	v6 =	vmul.f32 v40, v40  }
0x3ff: {  	v41 =	vld [tilespmem:s24+$0x63F0];
	v56 =	vmul.f32 v31, v31;
	v11 =	vmul.f32 v32, v11  }
0x400: {  	v44 =	vld [tilespmem:s24+$0x6430];
	v8 =	vadd.f32 v13, v9;
	v13 =	vmul.f32 v24, v24;
	v6 =	vadd.f32 v6, v7;
	(xrf2) =	vadd.scan.msk.f32 $0xffff, v5;
	v5, _, _ =	vpop (xrf2)  }
0x401: {  	v63 =	vmul.f32 v62, v62;
	v26 =	vld [tilespmem:s24+$0x6460];
	v11 =	vsub.f32 $1.500000000e+00, v11;
	v7 =	vmul.f32 v43, v43;
	v50, _, _ =	vpop (xrf2)  }
0x402: {  	v23 =	vld [tilespmem:s24+$0x64A0];
	[tilespmem:$0x1FA60] =	vst v24;
	v5 =	vbroadcast v5, $0xF;
	v6 =	vadd.f32 v13, v6;
	v24 =	vbroadcast v50, $0xF  }
0x403: {  	v11 =	vmul.f32 v32, v11;
	v7 =	vadd.f32 v7, v10;
	v13 =	vmul.f32 v61, v61  }
0x404: {  	v8 =	vadd.f32 v63, v8;
	(xrf2) =	vadd.scan.msk.f32 $0xffff, v6;
	v6 =	vshrl.u32 v5, $0x1;
	v5 =	vmul.f32 $5.000000000e-01, v5  }
0x405: {  	v7 =	vadd.f32 v13, v7;
	v13 =	vmul.f32 v11, v1;
	v6 =	vsub.s32 $0x5F3759DF, v6  }
0x406: {  	v5 =	vmul.f32 v6, v5;
	(xrf2) =	vadd.scan.msk.f32 $0xffff, v8;
	v1 =	vshrl.u32 v24, $0x1;
	v8 =	vmul.f32 $5.000000000e-01, v24;
	v24, _, _ =	vpop (xrf2)  }
0x407: {  	v57 =	vmul.f32 v30, v30;
	v24 =	vbroadcast v24, $0xF  }
0x408: {  	v47 =	vmul.f32 v41, v41;
	v5 =	vmul.f32 v6, v5  }
0x409: {  	v3 =	vmul.f32 v11, v3;
	v2 =	vmul.f32 v11, v2  }
0x40a: {  	v11 =	vmul.f32 v11, v0;
	v5 =	vsub.f32 $1.500000000e+00, v5;
	v1 =	vsub.s32 $0x5F3759DF, v1  }
0x40b: {  	v0 =	vmul.f32 v1, v8;
	(xrf2) =	vadd.scan.msk.f32 $0xffff, v7;
	v7 =	vshrl.u32 v24, $0x1;
	v8 =	vmul.f32 $5.000000000e-01, v24;
	v24, _, _ =	vpop (xrf2)  }
0x40c: {  	v4 =	vadd.f32 v57, v4;
	v9 =	vadd.f32 v56, v12;
	v24 =	vbroadcast v24, $0xF  }
0x40d: {  	v57 =	vmul.f32 v6, v5;
	v0 =	vmul.f32 v1, v0;
	v7 =	vsub.s32 $0x5F3759DF, v7  }
0x40e: {  	v5 =	vmul.f32 v7, v8;
	v8 =	vmul.f32 $5.000000000e-01, v24  }
0x40f: {  	v9 =	vadd.f32 v47, v9  }
0x410: {  	v48 =	vmul.f32 v44, v44;
	v33 =	vld [tilespmem:s24+$0x6470];
	v0 =	vsub.f32 $1.500000000e+00, v0;
	v56, _, _ =	vpop (xrf2);
	v6 =	vshrl.u32 v24, $0x1  }
0x411: {  	(xrf2) =	vadd.scan.msk.f32 $0xffff, v9;
	v5 =	vmul.f32 v7, v5;
	v9 =	vbroadcast v56, $0xF;
	v6 =	vsub.s32 $0x5F3759DF, v6  }
0x412: {  	v4 =	vadd.f32 v48, v4;
	v56 =	vmul.f32 v1, v0;
	v0 =	vmul.f32 v6, v8;
	v8, _, _ =	vpop (xrf2)  }
0x413: {  	v12 =	vmul.f32 v26, v26;
	v8 =	vbroadcast v8, $0xF  }
0x414: {  	(xrf2) =	vadd.scan.msk.f32 $0xffff, v4;
	v1 =	vsub.f32 $1.500000000e+00, v5;
	v4 =	vshrl.u32 v9, $0x1;
	v5 =	vmul.f32 $5.000000000e-01, v9  }
0x415: {  	v49 =	vmul.f32 v33, v33;
	v4 =	vsub.s32 $0x5F3759DF, v4  }
0x416: {  	v12 =	vadd.f32 v12, v35;
	v55 =	vmul.f32 v7, v1;
	v1 =	vmul.f32 v4, v5  }
0x417: {  	v0 =	vmul.f32 v6, v0;
	v5 =	vshrl.u32 v8, $0x1;
	v7 =	vmul.f32 $5.000000000e-01, v8;
	v8, _, _ =	vpop (xrf2)  }
0x418: {  	v12 =	vadd.f32 v49, v12;
	v8 =	vbroadcast v8, $0xF  }
0x419: {  	v1 =	vmul.f32 v4, v1;
	v0 =	vsub.f32 $1.500000000e+00, v0  }
0x41a: {  	v34 =	vmul.f32 v51, v51;
	v39 =	vmul.f32 v29, v29;
	(xrf2) =	vadd.scan.msk.f32 $0xffff, v12  }
0x41b: {  	v32 =	vld [tilespmem:s24+$0x64B0];
	v5 =	vsub.s32 $0x5F3759DF, v5;
	v49 =	vmul.f32 v6, v0;
	v6 =	vsub.f32 $1.500000000e+00, v1  }
0x41c: {  	v0 =	vmul.f32 v5, v7;
	v1 =	vshrl.u32 v8, $0x1;
	v7 =	vmul.f32 $5.000000000e-01, v8;
	v8, _, _ =	vpop (xrf2)  }
0x41d: {  	v63 =	vadd.f32 v39, v34;
	v8 =	vbroadcast v8, $0xF  }
0x41e: {  	v10 =	vmul.f32 v23, v23;
	v0 =	vmul.f32 v5, v0;
	v1 =	vsub.s32 $0x5F3759DF, v1  }
0x41f: {  	v48 =	vmul.f32 v4, v6;
	v4 =	vmul.f32 v1, v7  }
0x420: {  	[tilespmem:s24+$0xA4F0] =	vst v3;
	v35 =	vmul.f32 v32, v32;
	v9 =	vadd.f32 v10, v63;
	v6 =	vsub.f32 $1.500000000e+00, v0  }
0x421: {  	[tilespmem:s24+$0xA4D0] =	vst v2;
	v2 =	vmul.f32 v1, v4;
	v0 =	vshrl.u32 v8, $0x1;
	v7 =	vmul.f32 $5.000000000e-01, v8;
	v8, _, _ =	vpop (xrf2)  }
0x422: {  	[tilespmem:s24+$0xA4C0] =	vst v13;
	v3 =	vadd.f32 v35, v9;
	v8 =	vbroadcast v8, $0xF  }
0x423: {  	[tilespmem:s24+$0xA4E0] =	vst v11;
	v47 =	vmul.f32 v5, v6;
	v0 =	vsub.s32 $0x5F3759DF, v0;
	v2 =	vsub.f32 $1.500000000e+00, v2  }
0x424: {  	s26 =	simm.s32 $0x0;
	s9 =	simm.s32 $0x0;
	s23 =	simm.s32 $0xC00;
	v4 =	vmul.f32 v0, v7;
	(xrf2) =	vadd.scan.msk.f32 $0xffff, v3;
	v6, _, _ =	vpop (xrf2);
	v5 =	vshrl.u32 v8, $0x1;
	v3 =	vmul.f32 $5.000000000e-01, v8  }
.LBB2_19:
0x425: {  	[tilespmem:$0x1F8D0] =	vst v60  }
0x426: {  	[tilespmem:$0x1F900] =	vst v30  }
0x427: {  	[tilespmem:$0x1F8C0] =	vst v61;
	s11 =	sshra.s32 s23, $0x2  }
0x428: {  	[tilespmem:$0x1F8E0] =	vst v58;
	v5 =	vsub.s32 $0x5F3759DF, v5;
	v7 =	vbroadcast v6, $0xF;
	v4 =	vmul.f32 v0, v4;
	v11 =	vld [tilespmem:s11+$0x64C0]  }
0x429: {  	[tilespmem:$0x1F940] =	vst v51;
	v51 =	vmul.f32 v1, v2;
	v1 =	vmul.f32 v5, v3;
	v13 =	vld [tilespmem:s11+$0x64D0]  }
0x42a: {  	[tilespmem:$0x1F930] =	vst v33;
	v30 =	vmul.f32 v57, v37;
	v24 =	vld [tilespmem:s11+$0x64E0];
	v2 =	vsub.f32 $1.500000000e+00, v4;
	v4 =	vmul.f32 $5.000000000e-01, v7  }
0x42b: {  	[tilespmem:$0x1F920] =	vst v53;
	v10 =	vld [tilespmem:s11+$0x64F0];
	v3 =	vshrl.u32 v7, $0x1;
	v1 =	vmul.f32 v5, v1;
	v21 =	vmul.f32 v57, v21  }
0x42c: {  	[tilespmem:$0x1F910] =	vst v52;
	v7 =	vld [tilespmem:s11+$0x6200];
	v3 =	vsub.s32 $0x5F3759DF, v3;
	v34 =	vmul.f32 v57, v19;
	v19 =	vmul.f32 v57, v36  }
0x42d: {  	v50 =	vmul.f32 v0, v2;
	v0 =	vmul.f32 v3, v4;
	v2 =	vld [tilespmem:s11+$0x6210];
	[tilespmem:s24+$0xA230] =	vst v30  }
0x42e: {  	v30 =	vmul.f32 v56, v14;
	[tilespmem:$0x1F960] =	vst v11;
	v11 =	vmul.f32 v11, v11;
	v6, _, _ =	vpop (xrf2)  }
0x42f: {  	[tilespmem:$0x1F8F0] =	vst v54;
	v9 =	vld [tilespmem:s11+$0x6240];
	v12 =	vmul.f32 v13, v13;
	v6 =	vbroadcast v6, $0xF  }
0x430: {  	v61 =	vld [tilespmem:s11+$0x6250];
	v1 =	vsub.f32 $1.500000000e+00, v1;
	[tilespmem:s24+$0xA200] =	vst v21;
	v63 =	vmul.f32 v24, v24;
	v21 =	vmul.f32 v10, v10  }
0x431: {  	v39 =	vmovc v59;
	v59 =	vld [tilespmem:s11+$0x6340];
	[tilespmem:s24+$0xA210] =	vst v34;
	v34 =	vmul.f32 v55, v15;
	v8 =	vmovc v7;
	v4 =	vshrl.u32 v6, $0x1;
	v6 =	vmul.f32 $5.000000000e-01, v6  }
0x432: {  	v60 =	vld [tilespmem:s11+$0x6390];
	v0 =	vmul.f32 v3, v0;
	[tilespmem:$0x1F990] =	vst v8;
	v8 =	vadd.f32 v12, v11;
	v4 =	vsub.s32 $0x5F3759DF, v4  }
0x433: {  	[tilespmem:$0x1F970] =	vst v13;
	v13 =	vmul.f32 v7, v7;
	v7 =	vld [tilespmem:s11+$0x6280];
	v6 =	vmul.f32 v4, v6  }
0x434: {  	[tilespmem:$0x1F980] =	vst v24;
	v54 =	vmul.f32 v5, v1;
	v0 =	vsub.f32 $1.500000000e+00, v0;
	v12 =	vld [tilespmem:s11+$0x6290];
	v8 =	vadd.f32 v63, v8  }
0x435: {  	[tilespmem:s24+$0xA220] =	vst v19;
	v1 =	vmul.f32 v2, v2;
	v5 =	vmul.f32 v4, v6;
	v6 =	vld [tilespmem:s11+$0x62C0]  }
0x436: {  	v33 =	vmul.f32 v61, v61;
	[tilespmem:s24+$0xA250] =	vst v30;
	v52 =	vmul.f32 v3, v0;
	v3 =	vld [tilespmem:s11+$0x62D0];
	v8 =	vadd.f32 v21, v8  }
0x437: {  	[tilespmem:s24+$0xA290] =	vst v34;
	v35 =	vmovc v2;
	v0 =	vmul.f32 v9, v9;
	v13 =	vadd.f32 v1, v13;
	v1 =	vsub.f32 $1.500000000e+00, v5;
	v5 =	vld [tilespmem:s11+$0x6300]  }
0x438: {  	v11 =	vld [tilespmem:s11+$0x6310];
	[tilespmem:$0x1F9A0] =	vst v35;
	v2 =	vmul.f32 v7, v7;
	v15 =	vmov v7;
	(xrf2) =	vadd.scan.msk.f32 $0xffff, v8  }
0x439: {  	v58 =	vld [tilespmem:s11+$0x6350];
	v7 =	vmovc v12;
	v53 =	vmul.f32 v4, v1;
	v4 =	vadd.f32 v33, v0;
	v0 =	vmul.f32 v12, v12  }
0x43a: {  	v37 =	vmovc v38;
	v42 =	vmul.f32 v49, v42;
	v57 =	vld [tilespmem:s11+$0x6380];
	v24 =	vmov v62;
	[tilespmem:$0x1F9E0] =	vst v7;
	v8 =	vmul.f32 v6, v6  }
0x43b: {  	v62 =	vld [tilespmem:s11+$0x6450];
	v38 =	vadd.f32 v0, v2;
	v0 =	vmul.f32 v3, v3;
	v2 =	vmul.f32 v56, v20;
	v1 =	vmovc v61  }
0x43c: {  	v9 =	vmov v9;
	v63 =	vld [tilespmem:s11+$0x63D0];
	v7 =	vmul.f32 v60, v60;
	v36 =	vmul.f32 v5, v5;
	[tilespmem:$0x1F9C0] =	vst v1  }
0x43d: {  	v1 =	vld [tilespmem:s11+$0x63C0];
	v14 =	vadd.f32 v0, v8;
	v0 =	vmul.f32 v11, v11;
	[tilespmem:s24+$0xA240] =	vst v2;
	v2 =	vmul.f32 v56, v25  }
0x43e: {  	v30 =	vld [tilespmem:s11+$0x6490];
	[tilespmem:$0x1F9B0] =	vst v9;
	v35 =	vmov v41;
	v8 =	vmul.f32 v59, v59;
	v56 =	vmul.f32 v56, v45  }
0x43f: {  	v41 =	vld [tilespmem:s11+$0x6400];
	[tilespmem:$0x1F9F0] =	vst v15;
	v25 =	vmul.f32 v57, v57;
	v36 =	vadd.f32 v0, v36;
	v0 =	vmul.f32 v58, v58  }
0x440: {  	v61 =	vld [tilespmem:s11+$0x6410];
	v45 =	vmul.f32 v55, v46;
	[tilespmem:s24+$0xA260] =	vst v2;
	v2 =	vmul.f32 v55, v18  }
0x441: {  	[tilespmem:s24+$0xA270] =	vst v56;
	v56 =	vld [tilespmem:s11+$0x6440];
	v15 =	vadd.f32 v7, v25;
	v7 =	vmul.f32 v63, v63;
	v25 =	vmul.f32 v49, v16  }
0x442: {  	v9 =	vld [tilespmem:s11+$0x6320];
	v12 =	vadd.f32 v0, v8;
	[tilespmem:s24+$0xA280] =	vst v2;
	v2 =	vmul.f32 v55, v22;
	v8 =	vmul.f32 v1, v1;
	v22, _, _ =	vpop (xrf2)  }
0x443: {  	v28 =	vmul.f32 v49, v28;
	v33 =	vmovc v44;
	v44 =	vld [tilespmem:s11+$0x6220];
	[tilespmem:s24+$0xA2B0] =	vst v45;
	v22 =	vbroadcast v22, $0xF;
	v0 =	vmov v6  }
0x444: {  	v34 =	vmul.f32 v41, v41;
	v55 =	vld [tilespmem:s11+$0x6480];
	[tilespmem:s24+$0xA2C0] =	vst v25;
	v16 =	vadd.f32 v7, v8;
	v7 =	vmul.f32 v49, v17  }
0x445: {  	v25 =	vld [tilespmem:s11+$0x6260];
	v6 =	vmul.f32 v61, v61;
	[tilespmem:$0x1F9D0] =	vst v0;
	v46 =	vshrl.u32 v22, $0x1;
	v17 =	vmul.f32 $5.000000000e-01, v22  }
0x446: {  	v49 =	vld [tilespmem:s11+$0x6420];
	v8 =	vmul.f32 v56, v56;
	v45 =	vsub.s32 $0x5F3759DF, v46;
	[tilespmem:s24+$0xA2D0] =	vst v7;
	v0 =	vmovc v3;
	v3 =	vmul.f32 v62, v62  }
0x447: {  	v18 =	vadd.f32 v6, v34;
	v6 =	vld [tilespmem:s11+$0x62E0];
	v7 =	vmul.f32 v45, v17  }
0x448: {  	[tilespmem:s24+$0xA2A0] =	vst v2;
	v17 =	vadd.f32 v3, v8;
	v3 =	vld [tilespmem:s11+$0x6360]  }
0x449: {  	v22 =	vld [tilespmem:s11+$0x62A0];
	v21 =	vmul.f32 v45, v7  }
0x44a: {  	v2 =	vld [tilespmem:s11+$0x6230]  }
0x44b: {  	v34 =	vmovc v5;
	v5 =	vld [tilespmem:s11+$0x64A0];
	v19 =	vmul.f32 v55, v55;
	v8 =	vmul.f32 v30, v30;
	v21 =	vsub.f32 $1.500000000e+00, v21  }
0x44c: {  	v20 =	vmul.f32 v44, v44;
	[tilespmem:$0x1FA00] =	vst v0;
	v7 =	vld [tilespmem:s11+$0x63A0];
	v0 =	vmov v26;
	v26 =	vmul.f32 v6, v6  }
0x44d: {  	[tilespmem:s24+$0xA2E0] =	vst v42;
	v19 =	vadd.f32 v8, v19;
	v8 =	vld [tilespmem:s11+$0x63E0];
	v42 =	vmul.f32 v45, v21;
	v21 =	vmul.f32 v3, v3  }
0x44e: {  	[tilespmem:$0x1F950] =	vst v23;
	v13 =	vadd.f32 v20, v13;
	v20 =	vmul.f32 v22, v22;
	v14 =	vadd.f32 v26, v14;
	v26 =	vld [tilespmem:$0x1FA10]  }
0x44f: {  	v23 =	vmul.f32 v25, v25;
	[tilespmem:s24+$0xA2F0] =	vst v28;
	v21 =	vadd.f32 v21, v12;
	v12 =	vmul.f32 v48, v40;
	v40 =	vld [tilespmem:$0x1FA60]  }
0x450: {  	v28 =	vmul.f32 v48, v27;
	v27 =	vmul.f32 v9, v9;
	v20 =	vadd.f32 v20, v38;
	v38 =	vmovc v32;
	v32 =	vld [tilespmem:$0x1FA30]  }
0x451: {  	v46 =	vmov v11;
	v23 =	vadd.f32 v23, v4;
	[tilespmem:s24+$0xA320] =	vst v12;
	v12 =	vld [tilespmem:$0x1FA20]  }
0x452: {  	v4 =	vld [tilespmem:s11+$0x6460];
	[tilespmem:s24+$0xA300] =	vst v28;
	v27 =	vadd.f32 v27, v36;
	v10 =	vmul.f32 v42, v10;
	v36 =	vmul.f32 v8, v8  }
0x453: {  	v45 =	vld [tilespmem:s11+$0x6270];
	[tilespmem:$0x1FA10] =	vst v46;
	v26 =	vmul.f32 v48, v26  }
0x454: {  	v46 =	vld [tilespmem:s11+$0x62B0];
	[tilespmem:s11+$0xA4F0] =	vst v10;
	v10 =	vmul.f32 v48, v40  }
0x455: {  	v16 =	vadd.f32 v36, v16;
	[tilespmem:s24+$0xA310] =	vst v26;
	v26 =	vmul.f32 v49, v49;
	v40 =	vmul.f32 v47, v32;
	v48 =	vld [tilespmem:s11+$0x6370]  }
0x456: {  	v36 =	vmovc v31;
	v32 =	vmov v29;
	v29 =	vmul.f32 v2, v2;
	v31 =	vld [tilespmem:s11+$0x6330];
	v12 =	vmul.f32 v47, v12;
	[tilespmem:s24+$0xA330] =	vst v10  }
0x457: {  	v18 =	vadd.f32 v26, v18;
	v26 =	vmul.f32 v5, v5;
	[tilespmem:s24+$0xA350] =	vst v40;
	v40 =	vld [tilespmem:$0x1FA40]  }
0x458: {  	v11 =	vmul.f32 v4, v4;
	v10 =	vld [tilespmem:s11+$0x63B0];
	v13 =	vadd.f32 v29, v13;
	[tilespmem:s24+$0xA340] =	vst v12;
	v12 =	vmul.f32 v45, v45  }
0x459: {  	v29 =	vmul.f32 v46, v46;
	v19 =	vadd.f32 v26, v19;
	v26 =	vmul.f32 v47, v24;
	v24 =	vld [tilespmem:$0x1F8C0]  }
0x45a: {  	v37 =	vmul.f32 v47, v37;
	v28 =	vmul.f32 v7, v7;
	v23 =	vadd.f32 v12, v23;
	v12 =	vld [tilespmem:s11+$0x6430]  }
0x45b: {  	v17 =	vadd.f32 v11, v17;
	v11 =	vld [tilespmem:$0x1FA50];
	v20 =	vadd.f32 v29, v20;
	v29 =	vmul.f32 v31, v31  }
0x45c: {  	[tilespmem:s24+$0xA360] =	vst v37;
	(xrf2) =	vadd.scan.msk.f32 $0xffff, v13;
	v13 =	vld [tilespmem:s11+$0x64B0];
	v37 =	vmul.f32 v51, v40  }
0x45d: {  	v15 =	vadd.f32 v28, v15;
	v27 =	vadd.f32 v29, v27;
	v29 =	vmul.f32 v10, v10  }
0x45e: {  	[tilespmem:s24+$0xA380] =	vst v37;
	v37 =	vmul.f32 v51, v24;
	v24 =	vld [tilespmem:$0x1F8D0]  }
0x45f: {  	[tilespmem:s24+$0xA370] =	vst v26;
	v15 =	vadd.f32 v29, v15;
	v29 =	vmul.f32 v12, v12  }
0x460: {  	v26 =	vmul.f32 v51, v11;
	[tilespmem:$0x1FA60] =	vst v31;
	v31 =	vmul.f32 v51, v43  }
0x461: {  	(xrf2) =	vadd.scan.msk.f32 $0xffff, v23;
	v23 =	vmul.f32 v50, v39;
	v18 =	vadd.f32 v29, v18;
	v29 =	vmul.f32 v13, v13  }
0x462: {  	[tilespmem:s24+$0xA3A0] =	vst v31;
	v31 =	vmul.f32 v50, v36;
	v36 =	vmov v44;
	v44 =	vmul.f32 v50, v35  }
0x463: {  	[tilespmem:s24+$0xA390] =	vst v26;
	v26 =	vmul.f32 v50, v24;
	v50 =	vadd.f32 v29, v19;
	v29 =	vmul.f32 v52, v0;
	v0 =	vld [tilespmem:$0x1F930];
	_ =	sdelay $0x2  }
0x464: {  	v47 =	vld [tilespmem:s11+$0x63F0]  }
0x465: {  	v24 =	vld [tilespmem:$0x1F8F0]  }
0x466: {  	[tilespmem:s24+$0xA3F0] =	vst v44;
	v44 =	vmul.f32 v52, v0;
	v0 =	vld [tilespmem:$0x1F940];
	_ =	sdelay $0x2  }
0x467: {  	v35 =	vmov v59  }
0x468: {  	[tilespmem:$0x1FA20] =	vst v35  }
0x469: {  	[tilespmem:s24+$0xA3C0] =	vst v26;
	v26 =	vmul.f32 v54, v24;
	v24 =	vld [tilespmem:$0x1F900];
	v35 =	vmul.f32 v53, v0;
	v0 =	vmov v57  }
0x46a: {  	[tilespmem:$0x1FA40] =	vst v0;
	v0 =	vld [tilespmem:$0x1F950];
	_ =	sdelay $0x1  }
0x46b: {  	v28 =	vld [tilespmem:s11+$0x62F0]  }
0x46c: {  	(xrf2) =	vadd.scan.msk.f32 $0xffff, v20;
	v20 =	vld [tilespmem:$0x1F8E0];
	_ =	sdelay $0x1  }
0x46d: {  	v39 =	vmul.f32 v54, v24;
	v24 =	vmovc v60;
	v60 =	vmov v1;
	v1 =	vmul.f32 v53, v0;
	v0 =	vld [tilespmem:$0x1F960];
	_ =	sdelay $0x2  }
0x46e: {  	v40 =	vmul.f32 v28, v28;
	v20 =	vmul.f32 v54, v20  }
0x46f: {  	[tilespmem:s24+$0xA3D0] =	vst v23;
	v23 =	vld [tilespmem:$0x1F910]  }
0x470: {  	v14 =	vadd.f32 v40, v14;
	[tilespmem:s24+$0xA400] =	vst v20;
	v20 =	vmul.f32 v53, v32;
	v32 =	vmul.f32 v42, v0;
	v0 =	vld [tilespmem:$0x1F970]  }
0x471: {  	v11 =	vld [tilespmem:s11+$0x6470]  }
0x472: {  	(xrf2) =	vadd.scan.msk.f32 $0xffff, v14  }
0x473: {  	v40 =	vmul.f32 v48, v48;
	v51 =	vmul.f32 v47, v47  }
0x474: {  	[tilespmem:s24+$0xA3E0] =	vst v31;
	v14 =	vld [tilespmem:$0x1F920];
	v31, _, _ =	vpop (xrf2);
	v19 =	vmul.f32 v54, v33;
	v23 =	vmul.f32 v52, v23  }
0x475: {  	v21 =	vadd.f32 v40, v21;
	v31 =	vbroadcast v31, $0xF;
	[tilespmem:s24+$0xA420] =	vst v39;
	v39 =	vmul.f32 v42, v0;
	v0 =	vld [tilespmem:$0x1F980]  }
0x476: {  	v16 =	vadd.f32 v51, v16;
	v51 =	vmul.f32 v11, v11;
	[tilespmem:s24+$0xA3B0] =	vst v37;
	(xrf2) =	vadd.scan.msk.f32 $0xffff, v27  }
0x477: {  	v27 =	vshrl.u32 v31, $0x1;
	v31 =	vmul.f32 $5.000000000e-01, v31;
	[tilespmem:s24+$0xA430] =	vst v19;
	v54 =	vmov v58;
	v58, _, _ =	vpop (xrf2)  }
0x478: {  	v17 =	vadd.f32 v51, v17;
	v27 =	vsub.s32 $0x5F3759DF, v27;
	[tilespmem:$0x1FA50] =	vst v24;
	v24 =	vbroadcast v58, $0xF  }
0x479: {  	v14 =	vmul.f32 v52, v14;
	[tilespmem:s24+$0xA440] =	vst v23;
	v19 =	vmul.f32 v27, v31;
	(xrf2) =	vadd.scan.msk.f32 $0xffff, v21;
	v23, _, _ =	vpop (xrf2)  }
0x47a: {  	[tilespmem:$0x1FA30] =	vst v54;
	v54 =	vmovc v61;
	v21 =	vmul.f32 $5.000000000e-01, v24;
	v61 =	vmul.f32 v42, v0;
	v0 =	vshrl.u32 v24, $0x1  }
0x47b: {  	v37 =	vmovc v2;
	[tilespmem:s24+$0xA450] =	vst v14;
	v14 =	vmul.f32 v27, v19;
	v19 =	vbroadcast v23, $0xF;
	v0 =	vsub.s32 $0x5F3759DF, v0  }
0x47c: {  	[tilespmem:s24+$0xA410] =	vst v26;
	v26 =	vmul.f32 v53, v38;
	(xrf2) =	vadd.scan.msk.f32 $0xffff, v15;
	v15, _, _ =	vpop (xrf2);
	v2 =	vmul.f32 v0, v21  }
0x47d: {  	v59 =	vmovc v63;
	v63 =	vshrl.u32 v19, $0x1;
	v42 =	vmovc v6;
	v6 =	vsub.f32 $1.500000000e+00, v14;
	v14 =	vmul.f32 $5.000000000e-01, v19  }
0x47e: {  	v40 =	vmovc v9;
	v15 =	vbroadcast v15, $0xF;
	v9 =	vsub.s32 $0x5F3759DF, v63;
	v2 =	vmul.f32 v0, v2  }
0x47f: {  	v43 =	vmovc v7;
	v38 =	vmov v3;
	(xrf2) =	vadd.scan.msk.f32 $0xffff, v16;
	v57 =	vmul.f32 v27, v6;
	v3 =	vmul.f32 v9, v14  }
0x480: {  	v7, _, _ =	vpop (xrf2);
	[tilespmem:s24+$0xA4A0] =	vst v1;
	v6 =	vmul.f32 $5.000000000e-01, v15;
	v1 =	vsub.f32 $1.500000000e+00, v2;
	v2 =	vshrl.u32 v15, $0x1  }
0x481: {  	v52 =	vmovc v56;
	[tilespmem:s24+$0xA4B0] =	vst v26;
	v7 =	vbroadcast v7, $0xF;
	v3 =	vmul.f32 v9, v3;
	v2 =	vsub.s32 $0x5F3759DF, v2  }
0x482: {  	v26 =	vmovc v4;
	v23 =	vmov v5;
	(xrf2) =	vadd.scan.msk.f32 $0xffff, v18;
	v56 =	vmul.f32 v0, v1;
	v0 =	vmul.f32 v2, v6  }
0x483: {  	v4 =	vmul.f32 $5.000000000e-01, v7;
	v5, _, _ =	vpop (xrf2);
	v1 =	vsub.f32 $1.500000000e+00, v3;
	v3 =	vshrl.u32 v7, $0x1  }
0x484: {  	v5 =	vbroadcast v5, $0xF;
	v3 =	vsub.s32 $0x5F3759DF, v3;
	v0 =	vmul.f32 v2, v0  }
0x485: {  	v51 =	vmovc v55;
	(xrf2) =	vadd.scan.msk.f32 $0xffff, v17;
	v55 =	vmul.f32 v9, v1;
	v1 =	vmul.f32 v3, v4  }
0x486: {  	[tilespmem:s24+$0xA460] =	vst v29;
	v6, _, _ =	vpop (xrf2);
	v4 =	vshrl.u32 v5, $0x1;
	v5 =	vmul.f32 $5.000000000e-01, v5;
	v0 =	vsub.f32 $1.500000000e+00, v0  }
0x487: {  	v33 =	vmovc v11;
	[tilespmem:s24+$0xA490] =	vst v20;
	v7 =	vbroadcast v6, $0xF;
	v4 =	vsub.s32 $0x5F3759DF, v4;
	v1 =	vmul.f32 v3, v1  }
0x488: {  	v20 =	vld [tilespmem:$0x1F9B0];
	v29 =	vmovc v30;
	v30 =	vmovc v49;
	v31 =	vmov v8;
	v49 =	vmul.f32 v2, v0;
	v0 =	vmul.f32 v4, v5  }
0x489: {  	s9 =	sadd.s32 $0xC, s9;
	v16 =	vld [tilespmem:$0x1F9D0];
	v6, _, _ =	vpop (xrf2);
	v2 =	vsub.f32 $1.500000000e+00, v1;
	v1 =	vshrl.u32 v7, $0x1;
	v5 =	vmul.f32 $5.000000000e-01, v7  }
0x48a: {  	p1 =	slt.u32 s9, $0x6C;
	[tilespmem:s24+$0xA470] =	vst v44;
	v44 =	vmovc v12;
	v58 =	vmovc v41;
	v18 =	vld [tilespmem:$0x1F9F0];
	v7 =	vbroadcast v6, $0xF;
	v1 =	vsub.s32 $0x5F3759DF, v1;
	v0 =	vmul.f32 v4, v0  }
.Ltmp11:
0x48b: {  	[tilespmem:s24+$0xA480] =	vst v35;
	v53 =	vmovc v62;
	v62 =	vmov v48;
	s24 =	smov.u32 s11;
	v17 =	vld [tilespmem:$0x1FA00];
	v48 =	vmul.f32 v3, v2;
	v2 =	vmul.f32 v1, v5;
	(pc) =	sbr.rel @p1 .LBB2_19-.Ltmp11, $4  }
0x48c: {  	[tilespmem:s24+$0xA4C0] =	vst v32;
	v19 =	vld [tilespmem:$0x1F9A0];
	v6, _, _ =	vpop (xrf2);
	v5 =	vmul.f32 $5.000000000e-01, v7;
	v3 =	vsub.f32 $1.500000000e+00, v0;
	v0 =	vshrl.u32 v7, $0x1  }
0x48d: {  	v41 =	vmovc v47;
	v32 =	vmovc v13;
	[tilespmem:s24+$0xA4D0] =	vst v39;
	v21 =	vld [tilespmem:$0x1F990];
	v2 =	vmul.f32 v1, v2;
	v7 =	vbroadcast v6, $0xF;
	v0 =	vsub.s32 $0x5F3759DF, v0  }
0x48e: {  	v27 =	vmovc v34;
	v14 =	vld [tilespmem:$0x1F9C0];
	[tilespmem:s24+$0xA4E0] =	vst v61;
	v61 =	vmov v10;
	v47 =	vmul.f32 v4, v3;
	v4 =	vmul.f32 v0, v5  }
0x48f: {  	s23 =	sadd.s32 $0xC00, s23;
	v15 =	vld [tilespmem:$0x1F9E0];
	(xrf2) =	vadd.scan.msk.f32 $0xffff, v50;
	v6, _, _ =	vpop (xrf2);
	v2 =	vsub.f32 $1.500000000e+00, v2;
	v5 =	vshrl.u32 v7, $0x1;
	v3 =	vmul.f32 $5.000000000e-01, v7  }
0x490: {  	v39 =	vmul.f32 v57, v36  }
0x491: {  	v50 =	vmul.f32 v57, v37  }
0x492: {  	v12 =	vmul.f32 v56, v25;
	[tilespmem:s24+$0xA220] =	vst v39  }
0x493: {  	v13 =	vmul.f32 v56, v45;
	[tilespmem:s24+$0xA230] =	vst v50  }
0x494: {  	v24 =	vmul.f32 v49, v42;
	[tilespmem:s24+$0xA260] =	vst v12  }
0x495: {  	v25 =	vmul.f32 v49, v28;
	[tilespmem:s24+$0xA270] =	vst v13  }
0x496: {  	v8 =	vmul.f32 v57, v19;
	[tilespmem:s24+$0xA2E0] =	vst v24  }
0x497: {  	v19 =	vmul.f32 v55, v22;
	[tilespmem:s24+$0xA2F0] =	vst v25  }
0x498: {  	v22 =	vmul.f32 v49, v17;
	[tilespmem:s24+$0xA210] =	vst v8  }
0x499: {  	v7 =	vmul.f32 v57, v21;
	[tilespmem:s24+$0xA2A0] =	vst v19  }
0x49a: {  	v57 =	vmul.f32 v56, v20;
	[tilespmem:s24+$0xA2D0] =	vst v22  }
0x49b: {  	v20 =	vmul.f32 v55, v46;
	[tilespmem:s24+$0xA200] =	vst v7  }
0x49c: {  	v21 =	vmul.f32 v49, v16;
	[tilespmem:s24+$0xA240] =	vst v57  }
0x49d: {  	v63 =	vmul.f32 v56, v14;
	[tilespmem:s24+$0xA2B0] =	vst v20  }
0x49e: {  	v14 =	vmul.f32 v55, v18;
	[tilespmem:s24+$0xA2C0] =	vst v21  }
0x49f: {  	v18 =	vmul.f32 v55, v15;
	[tilespmem:s24+$0xA250] =	vst v63  }
0x4a0: {  	[tilespmem:s24+$0xA280] =	vst v14  }
0x4a1: {  	[tilespmem:s24+$0xA290] =	vst v18  }
0x4a2: {  	v8 =	vld [tilespmem:$0x1FA10];
	_ =	sdelay $0x3  }
0x4a3: {  	v27 =	vmul.f32 v48, v27  }
0x4a4: {  	v8 =	vmul.f32 v48, v8  }
0x4a5: {  	[tilespmem:s24+$0xA300] =	vst v27  }
0x4a6: {  	[tilespmem:s24+$0xA310] =	vst v8  }
0x4a7: {  	v8 =	vld [tilespmem:$0x1FA60];
	_ =	sdelay $0x2  }
0x4a8: {  	v28 =	vmul.f32 v48, v40;
	_ =	sdelay $0x1  }
0x4a9: {  	[tilespmem:s24+$0xA320] =	vst v28;
	v8 =	vmul.f32 v48, v8  }
0x4aa: {  	v7 =	vld [tilespmem:$0x1FA20]  }
0x4ab: {  	[tilespmem:s24+$0xA330] =	vst v8  }
0x4ac: {  	v34 =	vld [tilespmem:$0x1FA30];
	_ =	sdelay $0x2  }
0x4ad: {  	v7 =	vmul.f32 v47, v7  }
0x4ae: {  	v4 =	vmul.f32 v0, v4;
	v35 =	vmul.f32 v47, v38  }
0x4af: {  	v1 =	vmul.f32 v1, v2;
	[tilespmem:s24+$0xA340] =	vst v7;
	v2 =	vmul.f32 v47, v34  }
0x4b0: {  	v37 =	vmul.f32 v47, v62;
	[tilespmem:s24+$0xA360] =	vst v35  }
0x4b1: {  	v5 =	vsub.s32 $0x5F3759DF, v5;
	v4 =	vsub.f32 $1.500000000e+00, v4;
	[tilespmem:s24+$0xA350] =	vst v2  }
0x4b2: {  	v3 =	vmul.f32 v5, v3;
	v9, _, _ =	vpop (xrf2);
	v7 =	vld [tilespmem:$0x1FA40];
	[tilespmem:s24+$0xA370] =	vst v37  }
0x4b3: {  	v38 =	vmul.f32 v0, v4;
	v9 =	vbroadcast v9, $0xF;
	v2 =	vld [tilespmem:$0x1FA50]  }
0x4b4: {  	v3 =	vmul.f32 v5, v3;
	v39 =	vmul.f32 v1, v43  }
0x4b5: {  	v45 =	vmul.f32 v38, v60;
	v43 =	vmul.f32 $5.000000000e-01, v9;
	v46 =	vshrl.u32 v9, $0x1  }
0x4b6: {  	v6 =	vbroadcast v6, $0xF;
	v48 =	vsub.s32 $0x5F3759DF, v46;
	v47 =	vmul.f32 v38, v59;
	[tilespmem:s24+$0xA3A0] =	vst v39  }
0x4b7: {  	v42 =	vsub.f32 $1.500000000e+00, v3;
	v49 =	vmul.f32 v38, v31;
	v3 =	vmul.f32 v48, v43;
	[tilespmem:s24+$0xA3C0] =	vst v45  }
0x4b8: {  	v36 =	vmul.f32 $5.000000000e-01, v6;
	[tilespmem:s24+$0xA3D0] =	vst v47;
	v2 =	vmul.f32 v1, v2  }
0x4b9: {  	v6 =	vshrl.u32 v6, $0x1;
	v0 =	vmul.f32 v38, v41;
	v3 =	vmul.f32 v48, v3;
	[tilespmem:s24+$0xA3E0] =	vst v49  }
0x4ba: {  	v6 =	vsub.s32 $0x5F3759DF, v6;
	v7 =	vmul.f32 v1, v7;
	[tilespmem:s24+$0xA390] =	vst v2;
	v2 =	vmul.f32 v5, v42  }
0x4bb: {  	v40 =	vmul.f32 v6, v36;
	[tilespmem:s24+$0xA3F0] =	vst v0;
	v1 =	vmul.f32 v1, v61  }
0x4bc: {  	v3 =	vsub.f32 $1.500000000e+00, v3;
	[tilespmem:s24+$0xA380] =	vst v7;
	v55 =	vmul.f32 v2, v58  }
0x4bd: {  	v7 =	vmul.f32 v6, v40;
	[tilespmem:s24+$0xA3B0] =	vst v1;
	v56 =	vmul.f32 v2, v54  }
0x4be: {  	v1 =	vmul.f32 v48, v3;
	v58 =	vmul.f32 v2, v30;
	[tilespmem:s24+$0xA400] =	vst v55  }
0x4bf: {  	v2 =	vmul.f32 v2, v44;
	[tilespmem:s24+$0xA410] =	vst v56  }
0x4c0: {  	v50 =	vsub.f32 $1.500000000e+00, v7;
	v3 =	vmul.f32 v1, v51;
	[tilespmem:s24+$0xA420] =	vst v58  }
0x4c1: {  	v62 =	vmul.f32 v1, v29;
	[tilespmem:s24+$0xA430] =	vst v2  }
0x4c2: {  	v63 =	vmul.f32 v1, v23;
	v57 =	vmul.f32 v6, v50;
	[tilespmem:s24+$0xA480] =	vst v3  }
0x4c3: {  	v1 =	vmul.f32 v1, v32;
	[tilespmem:s24+$0xA490] =	vst v62  }
0x4c4: {  	[tilespmem:s24+$0xA4A0] =	vst v63;
	v59 =	vmul.f32 v57, v52  }
0x4c5: {  	[tilespmem:s24+$0xA4B0] =	vst v1;
	v60 =	vmul.f32 v57, v53  }
0x4c6: {  	v61 =	vmul.f32 v57, v26;
	[tilespmem:s24+$0xA440] =	vst v59  }
0x4c7: {  	v0 =	vmul.f32 v57, v33;
	[tilespmem:s24+$0xA450] =	vst v60  }
0x4c8: {  	[tilespmem:s24+$0xA460] =	vst v61  }
0x4c9: {  	[tilespmem:s24+$0xA470] =	vst v0  }
.LBB2_21:
0x4ca: {  	s9 =	sshra.s32 s26, $0x2  }
0x4cb: {  	v0 =	vld [tilespmem:s9+$0x8000]  }
0x4cc: {  	v1 =	vld [tilespmem:s9+$0x8010];
	_ =	sdelay $0x1  }
0x4cd: {  	v2 =	vld [tilespmem:s9+$0x8020];
	_ =	sdelay $0x1  }
0x4ce: {  	v3 =	vld [tilespmem:s9+$0x8030]  }
0x4cf: {  	v4 =	vmul.f32 v0, v0;
	v5 =	vmul.f32 v1, v1;
	_ =	sdelay $0x1  }
0x4d0: {  	v59 =	vmul.f32 v2, v2;
	v4 =	vadd.f32 v5, v4;
	_ =	sdelay $0x1  }
0x4d1: {  	v60 =	vmul.f32 v3, v3;
	v4 =	vadd.f32 v59, v4;
	_ =	sdelay $0x1  }
0x4d2: {  	v4 =	vadd.f32 v60, v4;
	_ =	sdelay $0x1  }
0x4d3: {  	(xrf2) =	vadd.scan.msk.f32 $0xffff, v4;
	_ =	sdelay $0x9  }
0x4d4: {  	v4, _, _ =	vpop (xrf2)  }
0x4d5: {  	v4 =	vbroadcast v4, $0xF;
	_ =	sdelay $0x1  }
0x4d6: {  	v61 =	vshrl.u32 v4, $0x1;
	v4 =	vmul.f32 $-5.000000000e-01, v4  }
0x4d7: {  	v5 =	vsub.s32 $0x5F3759DF, v61  }
0x4d8: {  	v4 =	vmul.f32 v5, v4;
	_ =	sdelay $0x1  }
0x4d9: {  	v4 =	vmul.f32 v5, v4;
	_ =	sdelay $0x1  }
0x4da: {  	v4 =	vadd.f32 $1.500000000e+00, v4;
	_ =	sdelay $0x1  }
0x4db: {  	v4 =	vmul.f32 v5, v4;
	_ =	sdelay $0x1  }
0x4dc: {  	p1 =	sne.s32 s26, $0x700;
	v0 =	vmul.f32 v4, v0  }
.Ltmp12:
0x4dd: {  	v1 =	vmul.f32 v4, v1;
	(pc) =	sbr.rel @p1 .LBB2_21-.Ltmp12, $4  }
0x4de: {  	v62 =	vmul.f32 v4, v2;
	[tilespmem:s9+$0xC000] =	vst v0  }
0x4df: {  	v63 =	vmul.f32 v4, v3;
	[tilespmem:s9+$0xC010] =	vst v1  }
0x4e0: {  	[tilespmem:s9+$0xC020] =	vst v62  }
0x4e1: {  	s26 =	sadd.s32 $0x100, s26;
	[tilespmem:s9+$0xC030] =	vst v63  }
.Ltmp13:
0x4e2: {  	s9 =	sadd.s32 s6, s16;
	(pc) =	sbr.rel @p0 .LBB2_24-.Ltmp13, $4  }
0x4e3: {  	s9 =	sshll.u32 s9, $0x3  }
0x4e4: {  	s9 =	sand.u32 $0x1FFFFC00, s9  }
0x4e5: {  	s9 =	sadd.s32 s2, s9  }
0x4e6: {  	[hbm4b:s9+s3] =	stream.linear.scatter [tilespmem:s28], [sflag:$0xA], $0x2000, $0x38;
	[tilespmem:$0xC200] =	vst v63  }
0x4e7: {  	s6 =	sadd.s32 s6, s17  }
0x4e8: {  	s6 =	sshrl.u32 s6, $0x3  }
0x4e9: {  	s6 =	sadd.s32 s4, s6  }
0x4ea: {  	[tilespmem:s21], [sflag:$0x4] =	stream.linear.gather [hbm4b:s6+s3], $0x80, $0x38;
	[tilespmem:$0xC200] =	vst v63  }
.Ltmp14:
0x4eb: {  	_ = 	snop;
	(pc) =	sbr.rel .LBB2_2-.Ltmp14, $4  }
0x4ec: {  	_ =	swait.ge [sflag:s29], $0x80  }
0x4ed: {  	[sflag:s29] =	ssyncset.done $0x0  }
0x4ee: {  	s18 =	sadd.s32 $0x1, s18;
	[sflag:s29] =	ssyncadd.s32 $0xFFFFFF80  }
0x4ef: {  	[tilespmem:s30], [sflag:$0x8] =	stream.indirect.gather [hbm4b:s5+s19], $0x40, s21, s19, $0xb8;
	[tilespmem:$0xC200] =	vst v63  }
.LBB2_25:
0x4f0: {  	_ =	sfence.sel $0x180000  }
0x4f1: {  	[bflag:$0x0] =	sbarrier.arrive $0xFFFF  }
0x4f2: {  	_ =	strace $0x90000047  }
0x4f3: {  	s0 =	stileid.u32;
	[bflag:$0x2] =	sbarrier.arrive $0xFFFF  }
0x4f4: {  	p0 =	sne.s32 s0, $0x0;
	s0 =	rddreg [dreg:$0x2]  }
0x4f5: {  	s0 =	sadd.s32 @!p0 $0x100000, s0  }
0x4f6: {  	[sflag:s0] =	ssyncadd.tile.s32 @!p0 $0x1;
	_ =	shalt  }
.Lfunc_end2:
_tile_overlayer_lowered:
.L_overlay_start_2:
0x4f7: {  	(tag) =	ssettag $0x2  }
0x4f8: {  	s0 =	rddreg [dreg:$0x0];
	s2 =	stileid.u32  }
0x4f9: {  	s1 =	rddreg [dreg:$0x1];
	p0 =	sne.s32 s2, $0x0  }
0x4fa: {  	s3 =	rddreg [dreg:$0x2];
	[bflag:$0x3] =	sbarrier.arrive $0xFFFF;
	s2 =	simm.s32 @!p0 $0x1C0B  }
0x4fb: {  	[timem:s3], [sflag:s2] =	dma.local @!p0 [hbm:s0], s1  }
0x4fc: {  	s0 =	simm.s32 @!p0 $0xB  }
0x4fd: {  	_ =	swait.ge @!p0 [sflag:s0], s1  }
0x4fe: {  	s1 =	ssub.s32 @!p0 $0x0, s1;
	[sflag:s0] =	ssyncset.done @!p0 $0x0  }
0x4ff: {  	[sflag:s0] =	ssyncadd.s32 @!p0 s1  }
0x500: {  	[bflag:$0x3] =	sbarrier.arrive $0xFFFF  }
0x501: {  	_ =	shalt  }

// kernel: sparse-core-data-format-call.cloned.1.call-start
scs
called_computation_lowered:
.L_overlay_start_0:
0x0: {  	s2 =	sld [smem:$0x3FD9]  }
0x1: {  	s3 =	sld [smem:$0x3FFE];
	_ =	sdelay $0x1  }
0x2: {  	s1 =	srdreg.scid  }
0x3: {  	s0 =	sand.u32 $0x1, s1  }
0x4: {  	s18 =	sshll.u32 s0, $0xA;
	s2 =	sadd.s32 s3, s2  }
0x5: {  	s2 =	sadd.s32 s2, s18  }
0x6: {  	[smem:$0x3FC6] =	sst s2  }
0x7: {  	_ = 	snop  }
0x8: {  	s2 =	sld [smem:$0x3FD0];
	(tm) =	ssettm $0x1  }
0x9: {  	s19 =	sld [smem:$0x3FFB];
	_ =	sdelay $0x3  }
0xa: {  	_ =	strace s19  }
0xb: {  	s3 =	sld [smem:$0x3FFC];
	_ =	sdelay $0x3  }
0xc: {  	_ =	strace s3  }
0xd: {  	s3 =	sld [smem:$0x3FFD];
	_ =	sdelay $0x3  }
0xe: {  	_ =	strace s3  }
0xf: {  	_ =	strace $0x8FFFFFFF  }
0x10: {  	s20 =	sld [smem:$0x3FDB];
	_ =	sdelay $0x1  }
0x11: {  	s4 =	simm.s32 $_scs_section_size  }
0x12: {  	s5 =	simm.s32 $_size__tile_overlayer_lowered;
	s6 =	simm.s32 $_tile_overlayer_lowered  }
0x13: {  	s23 =	simm.s32 $0x1BFF;
	s22 =	sshll.u32 s6, $0x1;
	s3 =	sadd.s32 s4, s20  }
0x14: {  	s7 =	simm.s32 $0x0;
	s21 =	sshll.u32 s5, $0x1;
	s5 =	sadd.s32 s22, s3  }
0x15: {  	[timem:s7], [sflag:s23] =	dma.local [hbm:s5], s21  }
0x16: {  	_ =	swait.ge [sflag:s23], s21  }
0x17: {  	s4 =	ssub.s32 $0x0, s21;
	[sflag:s23] =	ssyncset.done $0x0  }
0x18: {  	[sflag:s23] =	ssyncadd.s32 s4;
	_ =	sdelay $0x1  }
0x19: {  	s24 =	simm.s32 $0x1B8B  }
0x1a: {  	_ =	swait.ge [sflag:s24], $0x1  }
0x1b: {  	[sflag:s24] =	ssyncset.done $0x0  }
0x1c: {  	s26 =	simm.s32 $0x1B8E;
	s25 =	sld [smem:$0x3FFE];
	[sflag:s24] =	ssyncadd.s32 $0xFFFFFFFF  }
0x1d: {  	s27 =	simm.s32 $execute0_lowered;
	[smem:$0x3FD2] =	sst s26  }
0x1e: {  	s5 =	sshll.u32 s27, $0x1;
	_ =	strace $0x80000049;
	[dreg:$0x1] =	wrdreg $0xFFFFFFFF  }
0x1f: {  	s28 =	simm.s32 $_size_execute0_lowered;
	s3 =	sadd.s32 s3, s5;
	[dreg:$0x0] =	wrdreg $0x0  }
0x20: {  	s5 =	sshll.u32 s28, $0x1;
	[dreg:$0x2] =	wrdreg s3  }
0x21: {  	[dreg:$0x3] =	wrdreg s5  }
0x22: {  	[dreg:$0x4] =	wrdreg $0xC0  }
0x23: {  	_ =	task [dreg:s7], $0x5FFFF  }
0x24: {  	[dreg:$0x1] =	wrdreg $0xFFFFFFFF  }
0x25: {  	[dreg:$0x0] =	wrdreg $0x60  }
0x26: {  	[dreg:$0x2] =	wrdreg s25  }
0x27: {  	[dreg:$0x3] =	wrdreg s2  }
0x28: {  	[dreg:$0x4] =	wrdreg $0x9  }
0x29: {  	_ =	task.clear_ibuf [dreg:s7], $0x5FFFF;
	_ =	strace $0x90000049  }
0x2a: {  	s29 =	simm.s32 $0x9;
	_ =	strace $0x8000004B  }
0x2b: {  	_ =	swait.ge [sflag:s29], $0x1  }
0x2c: {  	[sflag:s29] =	ssyncadd.s32 $0xFFFFFFFF  }
0x2d: {  	_ =	strace $0x9000004B  }
0x2e: {  	_ =	sfence  }
0x2f: {  	s30 =	sld [smem:$0x0];
	_ =	sdelay $0x2  }
0x30: {  	s31 =	sshll.u32 s1, $0xD;
	s1 =	sshrl.u32 s1, $0x2  }
0x31: {  	s3 =	sand.u32 $0x4000, s31;
	s1 =	sadd.s32 s1, s30  }
0x32: {  	s0 =	sor.u32 s3, s0;
	s1 =	sshll.u32 s1, $0x11  }
0x33: {  	s0 =	sor.u32 s1, s0  }
0x34: {  	s0 =	sadd.s32 $0x8F2B, s0  }
0x35: {  	[sflag:s0] =	ssyncadd.remote.s32 $0x1  }
0x36: {  	_ =	sfence.sel $0xFFFF  }
0x37: {  	[dreg:$0x0] =	wrdreg $0xFFFFFFFF;
	(pc) =	sbr.abs _section_cstart, $3  }
0x38: {  	[dreg:$0x1] =	wrdreg $0xFFFFFFFF  }
0x39: {  	_ =	task.clear_ibuf [dreg:s7], $0x2FFFF;
	_ =	strace $0x9FFFFFFF  }
0x3a: {  	(tm) =	ssettm $0x7FFFFFFF  }
0x3b: {  	_ =	shalt  }
tec
execute0_lowered:
.L_overlay_start_1:
0x0: {  	(tag) =	ssettag $0x1  }
0x1: {  	s0 =	srdreg.scid  }
0x2: {  	s1 =	sshll.u32 s0, $0x4  }
0x3: {  	s0 =	stileid.u32;
	s1 =	sand.u32 $0x10, s1  }
0x4: {  	s1 =	sor.u32 s0, s1  }
0x5: {  	s6 =	rddreg [dreg:$0x0];
	s4 =	simm.s32 $0x1;
	s2 =	sshll.u32 s1, $0x7  }
0x6: {  	s7 =	simm.s32 $0x2;
	s12 =	simm.s32 $0x0;
	s1 =	ssub.s32 $0x1000, s2  }
0x7: {  	s8 =	simm.s32 $0x8000;
	s13 =	simm.s32 $0x0;
	s3 =	sand.u32 $0xF80, s1  }
0x8: {  	s9 =	simm.s32 $0x0;
	s5 =	sshrl.u32 s1, $0xC;
	p0 =	sne.s32 s3, $0x0  }
.Ltmp0:
0x9: {  	s1 =	rddreg [dreg:$0x2];
	s4 =	simm.s32 @!p0 $0x0;
	(pc) =	sbr.rel .LBB1_1-.Ltmp0, $4  }
0xa: {  	s11 =	simm.s32 $0x0;
	s3 =	rddreg [dreg:$0x1];
	s5 =	sadd.s32 s4, s5  }
0xb: {  	_ =	strace $0x8000004A;
	s4 =	simm.s32 $0x1;
	s5 =	smul.u32 $0xC8, s5  }
0xc: {  	s6 =	sadd.s32 $0xA00, s6;
	s10 =	smov.u32 s2;
	[sflag:s4] =	ssyncpa.u1 $0x0  }
0xd: {  	p0 =	por $0x0, $0x0;
	[sflag:s7] =	ssyncpa.u1 $0x0;
	s7 =	sor.u32 $0x1, s5  }
.LBB1_4:
0xe: {  	s16 =	sshll.u32 s13, $0x3;
	s17 =	sand.u32 $0x78, s13  }
0xf: {  	s30 =	sand.u32 $0x7E00, s13;
	s12 =	sshll.u32 s12, $0xF;
	s16 =	sand.u32 $0xC00, s16  }
0x10: {  	[tilespmem:s15+$0x810 ss:$0x81] =	vst.msk $0xffff, v2;
	s31 =	sand.u32 $0x7, s13;
	s16 =	sor.u32 s17, s16;
	s17 =	sadd.s32 s3, s30  }
0x11: {  	[tilespmem:s15+$0x1020 ss:$0x81] =	vst.msk $0xffff, v0;
	s13 =	sshll.u32 s31, $0x12;
	s12 =	sadd.s32 s12, s17;
	s16 =	sshrl.u32 s16, $0x3  }
0x12: {  	[tilespmem:s15+$0x0 ss:$0x81] =	vst.msk $0xffff, v1;
	s13 =	sor.u32 $0x400, s13;
	s12 =	sadd.s32 s16, s12  }
0x13: {  	[hbm4b:s12+s13] =	stream.strided.scatter [tilespmem:s14], [sflag:$0x2], $0x2000, s8, s13, $0x20;
	[tilespmem:$0x8080] =	vst v63  }
.LBB1_5:
0x14: {  	s14 =	sadd.s32 $0x1, s9  }
0x15: {  	s12 =	sadd.s32 $0x1000, s10;
	s16 =	smov.u32 s10;
	p2 =	sgt.s32 s14, $0xC7  }
0x16: {  	s16 =	smov.u32 @p2 s12  }
0x17: {  	s14 =	simm.s32 @p2 $0x0;
	p2 =	sgt.s32 s16, $0xFFF  }
0x18: {  	s16 =	smov.u32 @p2 s2;
	p2 =	sne.s32 s11, s7  }
.Ltmp1:
0x19: {  	p1 =	slt.u32 s11, $0x2;
	(pc) =	sbr.rel @!p2 .LBB1_6-.Ltmp1, $4  }
0x1a: {  	s15 =	simm.s32 @!p1 $0x2  }
0x1b: {  	s13 =	smov.u32 s10;
	p0 =	por !p0, !p0;
	_ =	swait.ge @!p1 [sflag:s15], $0x2000  }
0x1c: {  	s12 =	smov.u32 s9;
	[sflag:s15] =	ssyncset.done @!p1 $0x0;
	s9 =	smov.u32 s14  }
0x1d: {  	s11 =	sadd.s32 $0x1, s11;
	[sflag:s15] =	ssyncadd.s32 @!p1 $0xFFFFE000;
	s10 =	smov.u32 s16  }
.LBB1_1:
0x1e: {  	p1 =	sge.u32 s11, s5  }
0x1f: {  	s14 =	sand.u32 @!p1 $0x1FFFFFF, s9  }
0x20: {  	s15 =	smulhi.u32 @!p1 $0x147AE15, s14;
	_ =	sdelay $0x1  }
0x21: {  	s15 =	smul.u32 @!p1 $0xC8, s15  }
0x22: {  	s16 =	sxor.u32 @!p1 $0xFFFFFFFF, s11;
	s17 =	smul.u32 @!p1 $0xC80, s10  }
0x23: {  	s31 =	sadd.s32 $0xFFFFFFFF, s11;
	s16 =	sshll.u32 @!p1 s16, $0xD;
	s14 =	ssub.s32 @!p1 s14, s15  }
0x24: {  	s15 =	sand.u32 @!p1 $0x2000, s16;
	s16 =	sadd.s32 @!p1 s6, s17;
	s14 =	sshll.u32 @!p1 s14, $0x4  }
0x25: {  	s17 =	simm.s32 @!p1 $0x6400;
	s14 =	sadd.s32 @!p1 s14, s16;
	s16 =	simm.s32 @!p1 $0x40  }
0x26: {  	[tilespmem:s15], [sflag:$0x1] =	stream.strided.gather @!p1 [hbm4b:s14+s16], $0x2000, s17, s16, $0x38;
	[tilespmem:$0x8080] =	vst v63  }
0x27: {  	p1 =	sge.u32 s31, s5  }
.Ltmp2:
0x28: {  	_ = 	snop;
	(pc) =	sbr.rel @p1 .LBB1_5-.Ltmp2, $1  }
0x29: {  	_ =	sdelay $0x3  }
0x2a: {  	s14 =	simm.s32 $0x1  }
0x2b: {  	_ =	swait.ge [sflag:s4], $0x2000;
	s14 =	simm.s32 @!p0 $0x0  }
0x2c: {  	[sflag:s4] =	ssyncset.done $0x0;
	s15 =	sshll.u32 s14, $0xD  }
0x2d: {  	[sflag:s4] =	ssyncadd.s32 $0xFFFFE000;
	s18 =	sor.u32 $0x20, s15  }
0x2e: {  	s14 =	smul.u32 $0x8100, s14;
	v3 =	vld [tilespmem:s18+$0x10]  }
0x2f: {  	s30 =	sand.u32 $0x1, s11;
	v2 =	vld [tilespmem:s18+$0xFFFFFFF0]  }
0x30: {  	s15 =	smul.u32 $0x8100, s30;
	s14 =	sshrl.u32 s14, $0x2;
	v0 =	vld [tilespmem:s18+$0x0]  }
0x31: {  	v1 =	vld [tilespmem:s18+$0xFFFFFFE0];
	s16 =	sor.u32 $0x4000, s14  }
0x32: {  	s31 =	sshrl.u32 s15, $0x2;
	s15 =	sadd.s32 $0x0, s16  }
0x33: {  	s17 =	simm.s32 $0x4;
	s18 =	sadd.s32 $0x40, s18;
	s14 =	sor.u32 $0x4000, s31;
	[tilespmem:s15+$0x1830 ss:$0x81] =	vst.msk $0xffff, v3  }
.LBB1_3:
0x34: {  	v3 =	vld [tilespmem:s18+$0x10];
	p1 =	sne.s32 s17, $0x1FC;
	[tilespmem:s15+$0x810 ss:$0x81] =	vst.msk $0xffff, v2;
	s19 =	smov.u32 s17;
	s17 =	sadd.s32 $0x4, s17  }
.Ltmp3:
0x35: {  	v2 =	vld [tilespmem:s18+$0xFFFFFFF0];
	[tilespmem:s15+$0x1020 ss:$0x81] =	vst.msk $0xffff, v0;
	(pc) =	sbr.rel @p1 .LBB1_3-.Ltmp3, $4  }
0x36: {  	v0 =	vld [tilespmem:s18+$0x0];
	[tilespmem:s15+$0x0 ss:$0x81] =	vst.msk $0xffff, v1  }
0x37: {  	s15 =	sshra.s32 s19, $0x2;
	v1 =	vld [tilespmem:s18+$0xFFFFFFE0]  }
0x38: {  	s15 =	sadd.s32 s15, s16  }
0x39: {  	s18 =	sadd.s32 $0x40, s18;
	[tilespmem:s15+$0x1830 ss:$0x81] =	vst.msk $0xffff, v3  }
.Ltmp4:
0x3a: {  	_ = 	snop;
	(pc) =	sbr.rel .LBB1_4-.Ltmp4, $1  }
0x3b: {  	_ =	sdelay $0x3  }
.LBB1_6:
0x3c: {  	_ =	sfence.sel $0x180000  }
0x3d: {  	s2 =	simm.s32 $0x1;
	[bflag:$0x0] =	sbarrier.arrive $0xFFFF  }
0x3e: {  	s31 =	simm.s32 $0x2;
	[sflag:s2] =	ssyncpa.u1 $0x1  }
0x3f: {  	[sflag:s31] =	ssyncpa.u1 $0x1  }
0x40: {  	p0 =	sne.s32 s0, $0x0;
	_ =	strace $0x9000004A  }
0x41: {  	s0 =	sadd.s32 @!p0 $0x100000, s1;
	[bflag:$0x2] =	sbarrier.arrive $0xFFFF  }
0x42: {  	[sflag:s0] =	ssyncadd.tile.s32 @!p0 $0x1;
	_ =	shalt  }
.Lfunc_end1:
_tile_overlayer_lowered:
.L_overlay_start_2:
0x43: {  	(tag) =	ssettag $0x2  }
0x44: {  	s0 =	rddreg [dreg:$0x0];
	s2 =	stileid.u32  }
0x45: {  	s1 =	rddreg [dreg:$0x1];
	p0 =	sne.s32 s2, $0x0  }
0x46: {  	s3 =	rddreg [dreg:$0x2];
	[bflag:$0x3] =	sbarrier.arrive $0xFFFF;
	s2 =	simm.s32 @!p0 $0x1C01  }
0x47: {  	[timem:s3], [sflag:s2] =	dma.local @!p0 [hbm:s0], s1  }
0x48: {  	s0 =	simm.s32 @!p0 $0x1  }
0x49: {  	_ =	swait.ge @!p0 [sflag:s0], s1  }
0x4a: {  	s1 =	ssub.s32 @!p0 $0x0, s1;
	[sflag:s0] =	ssyncset.done @!p0 $0x0  }
0x4b: {  	[sflag:s0] =	ssyncadd.s32 @!p0 s1  }
0x4c: {  	[bflag:$0x3] =	sbarrier.arrive $0xFFFF  }
0x4d: {  	_ =	shalt  }

</sc_bundles>
